<compile_context>
chip_gen: v7x
topology: tpu7x:2x2x1
jax: 0.10.2.dev20260603
libtpu: 0.0.44.dev20260713+nightly
codegen_flags: <defaults>
</compile_context>

<pallas_src>
import functools

import jax
import jax.numpy as jnp
from jax import lax
from jax.experimental import pallas as pl
from jax.experimental.pallas import tpu as pltpu
from jax.experimental.pallas import tpu_sc as plsc

NC = 2
NS = 16
NW = NC * NS

N = 100000
DP = 128
NP = 100352
DCH = NP // NW
TOTAL = 500000
TCH = TOTAL // NW
TCHP = 15632
TOTALP = NW * TCHP
NK = 2
NPH = NP // NK
DCHK = NPH // NW
SUB = 224
NSUB = DCHK // SUB

HS = 64
BR = 1568

_mesh = functools.partial(plsc.VectorSubcoreMesh,
                          core_axis_name="c", subcore_axis_name="s")
_SC_PARAMS = pltpu.CompilerParams(needs_layout_passes=False,
                                  use_tc_tiling_on_sc=False)


def _wid():
    return lax.axis_index("s") * NC + lax.axis_index("c")


def _a1_body(dest_ref, neg1_ref, partial_ref, pw, dbuf):
    wid = _wid()
    pltpu.sync_copy(neg1_ref, pw)
    pltpu.sync_copy(dest_ref.at[pl.ds(wid * TCHP, TCHP)], dbuf)
    base = wid * TCHP
    lanes = lax.iota(jnp.int32, 16)

    def vreg_body(k, _):
        dv = dbuf[pl.ds(k * 16, 16)]
        rank = base + k * 16 + lanes
        plsc.store_scatter(pw, [dv], rank)
        pend = plsc.load_gather(pw, [dv]) < rank

        def cond(p):
            return jnp.max(jnp.where(p, 1, 0)) > 0

        def body(p):
            plsc.store_scatter(pw, [dv], rank, mask=p)
            return plsc.load_gather(pw, [dv]) < rank

        lax.while_loop(cond, body, pend)
        return 0

    lax.fori_loop(0, TCHP // 16, vreg_body, 0)
    pltpu.sync_copy(pw, partial_ref.at[pl.ds(wid * NP, NP)])


def _a1(dest1d, neg1):
    return pl.kernel(
        _a1_body,
        out_type=jax.ShapeDtypeStruct((NW * NP,), jnp.int32),
        mesh=_mesh(),
        compiler_params=_SC_PARAMS,
        scratch_types=[
            pltpu.VMEM((NP,), jnp.int32),
            pltpu.VMEM((TCHP,), jnp.int32),
        ],
    )(dest1d, neg1)


def _a2b_body(off, partial_ref, i0_ref, i1_ref, feat_ref, x_ref, m2_ref,
              fl_ref, fr_ref, xb_ref,
              pbuf, rbuf, lbuf, ribuf, mbx, xmbuf, fb0, fb1,
              semf0, semf1, semx):
    wid = _wid()
    g0 = off + wid * DCHK
    r0 = wid * DCHK
    pltpu.sync_copy(partial_ref.at[:, pl.ds(g0, DCHK)], pbuf)

    lanes = lax.iota(jnp.int32, 16)

    def merge_v(j, _):
        dsj = pl.ds(j * 16, 16)
        a = pbuf[0, dsj]
        for s in range(1, NW):
            p = pbuf[s, dsj]
            a = jnp.where(p >= 0, p, a)
        rbuf[dsj] = jnp.clip(a, 0, TOTALP - 1)
        d = g0 + j * 16 + lanes
        mbx[dsj] = jnp.where(a >= 0, 512, 0) + (d & 511)
        return 0

    lax.fori_loop(0, DCHK // 16, merge_v, 0)

    d0 = pltpu.async_copy(i0_ref.at[rbuf], lbuf, semf0)
    d1 = pltpu.async_copy(i1_ref.at[rbuf], ribuf, semf1)
    d0.wait()
    d1.wait()

    allrows = pl.ds(r0, DCHK)
    for idx, xcol in ((lbuf, 0), (ribuf, 8), (mbx, 16)):
        src = x_ref if xcol < 16 else m2_ref
        dx = pltpu.async_copy(src.at[idx], xmbuf, semx)
        dx.wait()
        pltpu.sync_copy(xmbuf, xb_ref.at[allrows, pl.ds(xcol, 8)])

    for idxbuf, out_ref in ((lbuf, fl_ref), (ribuf, fr_ref)):
        def gather(c, buf, sem):
            idx = idxbuf.at[pl.ds(c * SUB, SUB)]
            pltpu.async_copy(feat_ref.at[idx], buf, sem)

        def drain(buf, sem):
            pltpu.make_async_copy(feat_ref.at[pl.ds(0, SUB)], buf, sem).wait()

        def write(c, buf):
            pltpu.sync_copy(buf, out_ref.at[pl.ds(r0 + c * SUB, SUB)])

        gather(0, fb0, semf0)
        gather(1, fb1, semf1)

        def pipe(g, _):
            c = 2 * g
            drain(fb0, semf0)
            write(c, fb0)
            gather(c + 2, fb0, semf0)
            drain(fb1, semf1)
            write(c + 1, fb1)
            gather(c + 3, fb1, semf1)
            return 0

        lax.fori_loop(0, (NSUB - 3) // 2, pipe, 0)
        drain(fb0, semf0)
        write(NSUB - 3, fb0)
        gather(NSUB - 1, fb0, semf0)
        drain(fb1, semf1)
        write(NSUB - 2, fb1)
        drain(fb0, semf0)
        write(NSUB - 1, fb0)


def _a2b(k, partial, i0p, i1p, feature, x, m2):
    nin = x.shape[1]
    return pl.kernel(
        functools.partial(_a2b_body, k * NPH),
        out_type=[
            jax.ShapeDtypeStruct((NPH, DP), jnp.float32),
            jax.ShapeDtypeStruct((NPH, DP), jnp.float32),
            jax.ShapeDtypeStruct((NPH, DP), jnp.float32),
        ],
        mesh=_mesh(),
        compiler_params=_SC_PARAMS,
        scratch_types=[
            pltpu.VMEM((NW, DCHK), jnp.int32),
            pltpu.VMEM((DCHK,), jnp.int32),
            pltpu.VMEM((DCHK,), jnp.int32),
            pltpu.VMEM((DCHK,), jnp.int32),
            pltpu.VMEM((DCHK,), jnp.int32),
            pltpu.VMEM((DCHK, nin), jnp.float32),
            pltpu.VMEM((SUB, DP), jnp.float32),
            pltpu.VMEM((SUB, DP), jnp.float32),
            pltpu.SemaphoreType.DMA,
            pltpu.SemaphoreType.DMA,
            pltpu.SemaphoreType.DMA,
        ],
        name=f"a2b_chunk{k}",
    )(partial, i0p, i1p, feature, x, m2)


def _sigmoid(x):
    return 0.5 * jnp.tanh(0.5 * x) + 0.5


def _lstm_block(xb_ref, fl_ref, fr_ref, f_ref, wih_ref, whh_ref, bias_ref,
                *rest):
    out_ref = rest[-1]
    wih = wih_ref[...]
    whh = whh_ref[...]
    bias = bias_ref[...]
    xb = xb_ref[...]

    def branch(x, fea):
        gates = (
            jax.lax.dot_general(x, wih, (((1,), (0,)), ((), ())),
                                preferred_element_type=jnp.float32)
            + jax.lax.dot_general(fea[:, :HS], whh, (((1,), (0,)), ((), ())),
                                  preferred_element_type=jnp.float32)
            + bias)
        i = _sigmoid(gates[:, 0:64])
        f = _sigmoid(gates[:, 64:128])
        gg = jnp.tanh(gates[:, 128:192])
        o = _sigmoid(gates[:, 192:256])
        c = fea[:, HS:2 * HS]
        c_new = f * c + i * gg
        h_new = o * jnp.tanh(c_new)
        return h_new, c_new

    h_l, c_l = branch(xb[:, 0:8], fl_ref[...])
    h_r, c_r = branch(xb[:, 8:16], fr_ref[...])
    h = h_l + h_r
    c = c_l + c_r
    mask = xb[:, 16:17] > 0.5
    out_ref[...] = jnp.where(mask, jnp.concatenate([h, c], axis=1),
                             f_ref[...])


def _lstm_pass(k, XB, FL, FR, Feature, WihT, WhhT, bias2, prev):
    n, d = Feature.shape
    nin = WihT.shape[0]
    koff = k * (NPH // BR)
    in_specs = [
        pl.BlockSpec((BR, DP), lambda i: (i, 0)),
        pl.BlockSpec((BR, d), lambda i: (i, 0)),
        pl.BlockSpec((BR, d), lambda i: (i, 0)),
        pl.BlockSpec((BR, d), lambda i: (i + koff, 0)),
        pl.BlockSpec((nin, 256), lambda i: (0, 0)),
        pl.BlockSpec((HS, 256), lambda i: (0, 0)),
        pl.BlockSpec((1, 256), lambda i: (0, 0)),
    ]
    args = [XB, FL, FR, Feature, WihT, WhhT, bias2]
    aliases = {}
    if prev is not None:
        in_specs.append(pl.BlockSpec(memory_space=pl.ANY))
        args.append(prev)
        aliases = {7: 0}
    return pl.pallas_call(
        _lstm_block,
        grid=(NPH // BR,),
        in_specs=in_specs,
        out_specs=pl.BlockSpec((BR, d), lambda i: (i + koff, 0)),
        out_shape=jax.ShapeDtypeStruct((n, d), jnp.float32),
        input_output_aliases=aliases,
    )(*args)


def kernel(X, Feature, I_list, W_ih, W_hh, b_ih, b_hh):
    n, d = Feature.shape
    nlvl, _, ni, _ = I_list.shape
    total = nlvl * ni

    If3 = I_list[:, 0].reshape(total, 3)
    dest1d = (jnp.full((NW, TCHP), NP - 1, jnp.int32)
              .at[:, :TCH].set(If3[:, 2].reshape(NW, TCH)).reshape(TOTALP))
    i0p = (jnp.zeros((NW, TCHP), jnp.int32)
           .at[:, :TCH].set(If3[:, 0].reshape(NW, TCH)).reshape(TOTALP))
    i1p = (jnp.zeros((NW, TCHP), jnp.int32)
           .at[:, :TCH].set(If3[:, 1].reshape(NW, TCH)).reshape(TOTALP))
    neg1 = jnp.full((NP,), -1, jnp.int32)
    m2 = jnp.repeat(jnp.array([0.0, 1.0], jnp.float32), 512)[:, None]
    m2 = jnp.broadcast_to(m2, (1024, X.shape[1])).copy()

    partial = _a1(dest1d, neg1)

    WihT = W_ih.T
    WhhT = W_hh.T
    bias2 = (b_ih + b_hh).reshape(1, 256)

    partial2 = partial.reshape(NW, NP)
    out = None
    for k in range(NK):
        FL, FR, XB = _a2b(k, partial2, i0p, i1p, Feature, X, m2)
        out = _lstm_pass(k, XB, FL, FR, Feature, WihT, WhhT, bias2, out)
    return out

# --- scband reference (transcript-rebuilt; emitter-appended) ---
"""Pipeline reference for scband-ae-14542759264437 (READ-ONLY COPY).

The authoritative reference and input builder live on the scoring server;
editing this copy changes nothing except your own understanding.
"""

import jax, jax.numpy as jnp
import numpy as np

N = 100000
D = 128          # n_feature
H = D // 2       # LSTMCell hidden size
IN = 8           # LSTMCell input size (X columns)
L = 10           # number of merge levels
NI = 50000       # merges per level


def lstm_cell(x, h, c, W_ih, W_hh, b_ih, b_hh):
    # faithful nn.LSTMCell: gates order i, f, g, o
    gates = x @ W_ih.T + h @ W_hh.T + b_ih + b_hh
    i, f, g, o = jnp.split(gates, 4, axis=1)
    i = jax.nn.sigmoid(i)
    f = jax.nn.sigmoid(f)
    g = jnp.tanh(g)
    o = jax.nn.sigmoid(o)
    c_new = f * c + i * g
    h_new = o * jnp.tanh(c_new)
    return h_new, c_new


def setup_inputs(seed: int = 0) -> dict:
    key = jax.random.key(seed)
    ks = jax.random.split(key, 8)
    X = jax.random.normal(ks[0], (N, IN), dtype=jnp.float32)
    Feature = jax.random.normal(ks[1], (N, D), dtype=jnp.float32)
    I_list = jax.random.randint(ks[2], (L, 1, NI, 3), 0, N, dtype=jnp.int32)
    s = 1.0 / np.sqrt(H)
    W_ih = jax.random.uniform(ks[3], (4 * H, IN), jnp.float32, -s, s)
    W_hh = jax.random.uniform(ks[4], (4 * H, H), jnp.float32, -s, s)
    b_ih = jax.random.uniform(ks[5], (4 * H,), jnp.float32, -s, s)
    b_hh = jax.random.uniform(ks[6], (4 * H,), jnp.float32, -s, s)
    return {"X": X, "Feature": Feature, "I_list": I_list,
            "W_ih": W_ih, "W_hh": W_hh, "b_ih": b_ih, "b_hh": b_hh}


def reference(X, Feature, I_list, W_ih, W_hh, b_ih, b_hh):
    # AE.encode: per level, gather left/right node positions+features,
    # run shared LSTMCell on each branch, sum states, scatter into father slot.
    Feature_New = Feature
    for lvl in range(I_list.shape[0]):
        I = I_list[lvl, 0]                      # [NI, 3]
        left_p = X[I[:, 0]]
        right_p = X[I[:, 1]]
        left_f = Feature[I[:, 0]]
        right_f = Feature[I[:, 1]]
        h_l, c_l = jnp.split(left_f, 2, axis=1)
        h_r, c_r = jnp.split(right_f, 2, axis=1)
        h_l_o, c_l_o = lstm_cell(left_p, h_l, c_l, W_ih, W_hh, b_ih, b_hh)
        h_r_o, c_r_o = lstm_cell(right_p, h_r, c_r, W_ih, W_hh, b_ih, b_hh)
        h_o = h_l_o + h_r_o
        c_o = c_l_o + c_r_o
        out = jnp.concatenate((h_o, c_o), axis=1)
        Feature_New = Feature_New.at[I[:, 2]].set(out)
    return Feature_New

if __name__ == "__main__":
    import jax
    _d = setup_inputs()
    print(jax.jit(kernel)(*tuple(_d.values())))

</pallas_src>

<mosaic_0001>
#map = affine_map<(d0, d1) -> (0, 0)>
#map1 = affine_map<(d0, d1) -> (0)>
module attributes {stable_mosaic.version = 14 : i64} {
  func.func @a2b_chunk0(%arg0: i32, %arg1: i32, %arg2: memref<32x100352xi32, #tpu.memory_space<hbm>>, %arg3: memref<500224xi32, #tpu.memory_space<hbm>>, %arg4: memref<500224xi32, #tpu.memory_space<hbm>>, %arg5: memref<100000x128xf32, #tpu.memory_space<hbm>>, %arg6: memref<100000x8xf32, #tpu.memory_space<hbm>>, %arg7: memref<1024x8xf32, #tpu.memory_space<hbm>>, %arg8: memref<50176x128xf32, #tpu.memory_space<hbm>>, %arg9: memref<50176x128xf32, #tpu.memory_space<hbm>>, %arg10: memref<50176x128xf32, #tpu.memory_space<hbm>>, %arg11: memref<32x1568xi32, #tpu.memory_space<vmem>>, %arg12: memref<1568xi32, #tpu.memory_space<vmem>>, %arg13: memref<1568xi32, #tpu.memory_space<vmem>>, %arg14: memref<1568xi32, #tpu.memory_space<vmem>>, %arg15: memref<1568xi32, #tpu.memory_space<vmem>>, %arg16: memref<1568x8xf32, #tpu.memory_space<vmem>>, %arg17: memref<224x128xf32, #tpu.memory_space<vmem>>, %arg18: memref<224x128xf32, #tpu.memory_space<vmem>>, %arg19: memref<!tpu.dma_semaphore, #tpu.memory_space<semaphore_mem>>, %arg20: memref<!tpu.dma_semaphore, #tpu.memory_space<semaphore_mem>>, %arg21: memref<!tpu.dma_semaphore, #tpu.memory_space<semaphore_mem>>) attributes {dimension_semantics = [#tpu.dimension_semantics<core_parallel>, #tpu.dimension_semantics<subcore_parallel>], iteration_bounds = array<i64: 2, 16>, scalar_prefetch = 0 : i64, scratch_operands = 11 : i64, tpu.core_type = #tpu.core_type<sc_vector_subcore>, window_params = [{transform_indices = #map}, {transform_indices = #map1}, {transform_indices = #map1}, {transform_indices = #map}, {transform_indices = #map}, {transform_indices = #map}, {transform_indices = #map}, {transform_indices = #map}, {transform_indices = #map}]} {
    %mul3A = arith.constant 2 : i32
    %mul3A_0 = arith.muli %arg1, %mul3A : i32
    %add3A = arith.addi %mul3A_0, %arg0 : i32
    %mul3A_1 = arith.constant 1568 : i32
    %mul3A_2 = arith.muli %add3A, %mul3A_1 : i32
    %add3A_3 = arith.constant 0 : i32
    %add3A_4 = arith.addi %add3A_3, %mul3A_2 : i32
    %mul3A_5 = arith.constant 1568 : i32
    %mul3A_6 = arith.muli %add3A, %mul3A_5 : i32
    "tpu.region"() ({
      %run_scoped3A = tpu.sem_alloc : memref<!tpu.dma_semaphore, #tpu.memory_space<semaphore_mem>>
      %dma_start3A_129 = arith.constant 0 : i32
      %dma_start3A_130 = tpu.memref_slice %arg2[%dma_start3A_129, %add3A_4] : memref<32x100352xi32, #tpu.memory_space<hbm>> -> memref<32x1568xi32, #tpu.memory_space<hbm>>
      %dma_start3A_131 = arith.constant 0 : i32
      %dma_start3A_132 = tpu.memref_slice %arg2[%dma_start3A_131, %add3A_4] : memref<32x100352xi32, #tpu.memory_space<hbm>> -> memref<32x1568xi32, #tpu.memory_space<hbm>>
      tpu.enqueue_dma source(%dma_start3A_132 : memref<32x1568xi32, #tpu.memory_space<hbm>>) target(%arg11 : memref<32x1568xi32, #tpu.memory_space<vmem>>) target_semaphore(%run_scoped3A : memref<!tpu.dma_semaphore, #tpu.memory_space<semaphore_mem>>)
      %dma_wait3A_133 = arith.constant 0 : i32
      %dma_wait3A_134 = tpu.memref_slice %arg2[%dma_wait3A_133, %add3A_4] : memref<32x100352xi32, #tpu.memory_space<hbm>> -> memref<32x1568xi32, #tpu.memory_space<hbm>>
      %dma_wait3A_135 = arith.constant 0 : i32
      %dma_wait3A_136 = tpu.memref_slice %arg2[%dma_wait3A_135, %add3A_4] : memref<32x100352xi32, #tpu.memory_space<hbm>> -> memref<32x1568xi32, #tpu.memory_space<hbm>>
      tpu.wait_dma2 semaphore(%run_scoped3A : memref<!tpu.dma_semaphore, #tpu.memory_space<semaphore_mem>>) src(%dma_wait3A_136 : memref<32x1568xi32, #tpu.memory_space<hbm>>) dst(%arg11 : memref<32x1568xi32, #tpu.memory_space<vmem>>)
      tpu.yield
    }) : () -> ()
    %iota3A = tpu.iota {dimensions = array<i32: 0>} : vector<16xi32>
    %scan3A = arith.constant 0 : i32
    %scan3A_7 = arith.constant 0 : i32
    %scan3A_8 = arith.constant 98 : i32
    %scan3A_9 = arith.addi %scan3A_7, %scan3A_8 : i32
    %scan3A_10 = arith.constant 1 : i32
    %scan3A_11 = scf.for %scan3A_129 = %scan3A_7 to %scan3A_9 step %scan3A_10 iter_args(%scan3A_130 = %scan3A) -> (i32)  : i32 {
      %mul3A_131 = arith.constant 16 : i32
      %mul3A_132 = arith.muli %scan3A_129, %mul3A_131 : i32
      %get3A = arith.constant 0 : i32
      %get3A_133 = arith.index_cast %get3A : i32 to index
      %get3A_134 = arith.index_cast %mul3A_132 : i32 to index
      %get3A_135 = tpu.vector_load %arg11[%get3A_133, %get3A_134] {strides = array<i32>} : memref<32x1568xi32, #tpu.memory_space<vmem>>, vector<16xi32>,
      %get3A_136 = arith.constant 1 : i32
      %get3A_137 = arith.index_cast %get3A_136 : i32 to index
      %get3A_138 = arith.index_cast %mul3A_132 : i32 to index
      %get3A_139 = tpu.vector_load %arg11[%get3A_137, %get3A_138] {strides = array<i32>} : memref<32x1568xi32, #tpu.memory_space<vmem>>, vector<16xi32>,
      %ge3A = arith.constant 0 : i32
      %ge3A_140 = vector.broadcast %ge3A : i32 to vector<16xi32>
      %ge3A_141 = arith.cmpi sge, %get3A_139, %ge3A_140 : vector<16xi32>
      %select_n3A = arith.select %ge3A_141, %get3A_139, %get3A_135 : vector<16xi1>, vector<16xi32>
      %get3A_142 = arith.constant 2 : i32
      %get3A_143 = arith.index_cast %get3A_142 : i32 to index
      %get3A_144 = arith.index_cast %mul3A_132 : i32 to index
      %get3A_145 = tpu.vector_load %arg11[%get3A_143, %get3A_144] {strides = array<i32>} : memref<32x1568xi32, #tpu.memory_space<vmem>>, vector<16xi32>,
      %ge3A_146 = arith.constant 0 : i32
      %ge3A_147 = vector.broadcast %ge3A_146 : i32 to vector<16xi32>
      %ge3A_148 = arith.cmpi sge, %get3A_145, %ge3A_147 : vector<16xi32>
      %select_n3A_149 = arith.select %ge3A_148, %get3A_145, %select_n3A : vector<16xi1>, vector<16xi32>
      %get3A_150 = arith.constant 3 : i32
      %get3A_151 = arith.index_cast %get3A_150 : i32 to index
      %get3A_152 = arith.index_cast %mul3A_132 : i32 to index
      %get3A_153 = tpu.vector_load %arg11[%get3A_151, %get3A_152] {strides = array<i32>} : memref<32x1568xi32, #tpu.memory_space<vmem>>, vector<16xi32>,
      %ge3A_154 = arith.constant 0 : i32
      %ge3A_155 = vector.broadcast %ge3A_154 : i32 to vector<16xi32>
      %ge3A_156 = arith.cmpi sge, %get3A_153, %ge3A_155 : vector<16xi32>
      %select_n3A_157 = arith.select %ge3A_156, %get3A_153, %select_n3A_149 : vector<16xi1>, vector<16xi32>
      %get3A_158 = arith.constant 4 : i32
      %get3A_159 = arith.index_cast %get3A_158 : i32 to index
      %get3A_160 = arith.index_cast %mul3A_132 : i32 to index
      %get3A_161 = tpu.vector_load %arg11[%get3A_159, %get3A_160] {strides = array<i32>} : memref<32x1568xi32, #tpu.memory_space<vmem>>, vector<16xi32>,
      %ge3A_162 = arith.constant 0 : i32
      %ge3A_163 = vector.broadcast %ge3A_162 : i32 to vector<16xi32>
      %ge3A_164 = arith.cmpi sge, %get3A_161, %ge3A_163 : vector<16xi32>
      %select_n3A_165 = arith.select %ge3A_164, %get3A_161, %select_n3A_157 : vector<16xi1>, vector<16xi32>
      %get3A_166 = arith.constant 5 : i32
      %get3A_167 = arith.index_cast %get3A_166 : i32 to index
      %get3A_168 = arith.index_cast %mul3A_132 : i32 to index
      %get3A_169 = tpu.vector_load %arg11[%get3A_167, %get3A_168] {strides = array<i32>} : memref<32x1568xi32, #tpu.memory_space<vmem>>, vector<16xi32>,
      %ge3A_170 = arith.constant 0 : i32
      %ge3A_171 = vector.broadcast %ge3A_170 : i32 to vector<16xi32>
      %ge3A_172 = arith.cmpi sge, %get3A_169, %ge3A_171 : vector<16xi32>
      %select_n3A_173 = arith.select %ge3A_172, %get3A_169, %select_n3A_165 : vector<16xi1>, vector<16xi32>
      %get3A_174 = arith.constant 6 : i32
      %get3A_175 = arith.index_cast %get3A_174 : i32 to index
      %get3A_176 = arith.index_cast %mul3A_132 : i32 to index
      %get3A_177 = tpu.vector_load %arg11[%get3A_175, %get3A_176] {strides = array<i32>} : memref<32x1568xi32, #tpu.memory_space<vmem>>, vector<16xi32>,
      %ge3A_178 = arith.constant 0 : i32
      %ge3A_179 = vector.broadcast %ge3A_178 : i32 to vector<16xi32>
      %ge3A_180 = arith.cmpi sge, %get3A_177, %ge3A_179 : vector<16xi32>
      %select_n3A_181 = arith.select %ge3A_180, %get3A_177, %select_n3A_173 : vector<16xi1>, vector<16xi32>
      %get3A_182 = arith.constant 7 : i32
      %get3A_183 = arith.index_cast %get3A_182 : i32 to index
      %get3A_184 = arith.index_cast %mul3A_132 : i32 to index
      %get3A_185 = tpu.vector_load %arg11[%get3A_183, %get3A_184] {strides = array<i32>} : memref<32x1568xi32, #tpu.memory_space<vmem>>, vector<16xi32>,
      %ge3A_186 = arith.constant 0 : i32
      %ge3A_187 = vector.broadcast %ge3A_186 : i32 to vector<16xi32>
      %ge3A_188 = arith.cmpi sge, %get3A_185, %ge3A_187 : vector<16xi32>
      %select_n3A_189 = arith.select %ge3A_188, %get3A_185, %select_n3A_181 : vector<16xi1>, vector<16xi32>
      %get3A_190 = arith.constant 8 : i32
      %get3A_191 = arith.index_cast %get3A_190 : i32 to index
      %get3A_192 = arith.index_cast %mul3A_132 : i32 to index
      %get3A_193 = tpu.vector_load %arg11[%get3A_191, %get3A_192] {strides = array<i32>} : memref<32x1568xi32, #tpu.memory_space<vmem>>, vector<16xi32>,
      %ge3A_194 = arith.constant 0 : i32
      %ge3A_195 = vector.broadcast %ge3A_194 : i32 to vector<16xi32>
      %ge3A_196 = arith.cmpi sge, %get3A_193, %ge3A_195 : vector<16xi32>
      %select_n3A_197 = arith.select %ge3A_196, %get3A_193, %select_n3A_189 : vector<16xi1>, vector<16xi32>
      %get3A_198 = arith.constant 9 : i32
      %get3A_199 = arith.index_cast %get3A_198 : i32 to index
      %get3A_200 = arith.index_cast %mul3A_132 : i32 to index
      %get3A_201 = tpu.vector_load %arg11[%get3A_199, %get3A_200] {strides = array<i32>} : memref<32x1568xi32, #tpu.memory_space<vmem>>, vector<16xi32>,
      %ge3A_202 = arith.constant 0 : i32
      %ge3A_203 = vector.broadcast %ge3A_202 : i32 to vector<16xi32>
      %ge3A_204 = arith.cmpi sge, %get3A_201, %ge3A_203 : vector<16xi32>
      %select_n3A_205 = arith.select %ge3A_204, %get3A_201, %select_n3A_197 : vector<16xi1>, vector<16xi32>
      %get3A_206 = arith.constant 10 : i32
      %get3A_207 = arith.index_cast %get3A_206 : i32 to index
      %get3A_208 = arith.index_cast %mul3A_132 : i32 to index
      %get3A_209 = tpu.vector_load %arg11[%get3A_207, %get3A_208] {strides = array<i32>} : memref<32x1568xi32, #tpu.memory_space<vmem>>, vector<16xi32>,
      %ge3A_210 = arith.constant 0 : i32
      %ge3A_211 = vector.broadcast %ge3A_210 : i32 to vector<16xi32>
      %ge3A_212 = arith.cmpi sge, %get3A_209, %ge3A_211 : vector<16xi32>
      %select_n3A_213 = arith.select %ge3A_212, %get3A_209, %select_n3A_205 : vector<16xi1>, vector<16xi32>
      %get3A_214 = arith.constant 11 : i32
      %get3A_215 = arith.index_cast %get3A_214 : i32 to index
      %get3A_216 = arith.index_cast %mul3A_132 : i32 to index
      %get3A_217 = tpu.vector_load %arg11[%get3A_215, %get3A_216] {strides = array<i32>} : memref<32x1568xi32, #tpu.memory_space<vmem>>, vector<16xi32>,
      %ge3A_218 = arith.constant 0 : i32
      %ge3A_219 = vector.broadcast %ge3A_218 : i32 to vector<16xi32>
      %ge3A_220 = arith.cmpi sge, %get3A_217, %ge3A_219 : vector<16xi32>
      %select_n3A_221 = arith.select %ge3A_220, %get3A_217, %select_n3A_213 : vector<16xi1>, vector<16xi32>
      %get3A_222 = arith.constant 12 : i32
      %get3A_223 = arith.index_cast %get3A_222 : i32 to index
      %get3A_224 = arith.index_cast %mul3A_132 : i32 to index
      %get3A_225 = tpu.vector_load %arg11[%get3A_223, %get3A_224] {strides = array<i32>} : memref<32x1568xi32, #tpu.memory_space<vmem>>, vector<16xi32>,
      %ge3A_226 = arith.constant 0 : i32
      %ge3A_227 = vector.broadcast %ge3A_226 : i32 to vector<16xi32>
      %ge3A_228 = arith.cmpi sge, %get3A_225, %ge3A_227 : vector<16xi32>
      %select_n3A_229 = arith.select %ge3A_228, %get3A_225, %select_n3A_221 : vector<16xi1>, vector<16xi32>
      %get3A_230 = arith.constant 13 : i32
      %get3A_231 = arith.index_cast %get3A_230 : i32 to index
      %get3A_232 = arith.index_cast %mul3A_132 : i32 to index
      %get3A_233 = tpu.vector_load %arg11[%get3A_231, %get3A_232] {strides = array<i32>} : memref<32x1568xi32, #tpu.memory_space<vmem>>, vector<16xi32>,
      %ge3A_234 = arith.constant 0 : i32
      %ge3A_235 = vector.broadcast %ge3A_234 : i32 to vector<16xi32>
      %ge3A_236 = arith.cmpi sge, %get3A_233, %ge3A_235 : vector<16xi32>
      %select_n3A_237 = arith.select %ge3A_236, %get3A_233, %select_n3A_229 : vector<16xi1>, vector<16xi32>
      %get3A_238 = arith.constant 14 : i32
      %get3A_239 = arith.index_cast %get3A_238 : i32 to index
      %get3A_240 = arith.index_cast %mul3A_132 : i32 to index
      %get3A_241 = tpu.vector_load %arg11[%get3A_239, %get3A_240] {strides = array<i32>} : memref<32x1568xi32, #tpu.memory_space<vmem>>, vector<16xi32>,
      %ge3A_242 = arith.constant 0 : i32
      %ge3A_243 = vector.broadcast %ge3A_242 : i32 to vector<16xi32>
      %ge3A_244 = arith.cmpi sge, %get3A_241, %ge3A_243 : vector<16xi32>
      %select_n3A_245 = arith.select %ge3A_244, %get3A_241, %select_n3A_237 : vector<16xi1>, vector<16xi32>
      %get3A_246 = arith.constant 15 : i32
      %get3A_247 = arith.index_cast %get3A_246 : i32 to index
      %get3A_248 = arith.index_cast %mul3A_132 : i32 to index
      %get3A_249 = tpu.vector_load %arg11[%get3A_247, %get3A_248] {strides = array<i32>} : memref<32x1568xi32, #tpu.memory_space<vmem>>, vector<16xi32>,
      %ge3A_250 = arith.constant 0 : i32
      %ge3A_251 = vector.broadcast %ge3A_250 : i32 to vector<16xi32>
      %ge3A_252 = arith.cmpi sge, %get3A_249, %ge3A_251 : vector<16xi32>
      %select_n3A_253 = arith.select %ge3A_252, %get3A_249, %select_n3A_245 : vector<16xi1>, vector<16xi32>
      %get3A_254 = arith.constant 16 : i32
      %get3A_255 = arith.index_cast %get3A_254 : i32 to index
      %get3A_256 = arith.index_cast %mul3A_132 : i32 to index
      %get3A_257 = tpu.vector_load %arg11[%get3A_255, %get3A_256] {strides = array<i32>} : memref<32x1568xi32, #tpu.memory_space<vmem>>, vector<16xi32>,
      %ge3A_258 = arith.constant 0 : i32
      %ge3A_259 = vector.broadcast %ge3A_258 : i32 to vector<16xi32>
      %ge3A_260 = arith.cmpi sge, %get3A_257, %ge3A_259 : vector<16xi32>
      %select_n3A_261 = arith.select %ge3A_260, %get3A_257, %select_n3A_253 : vector<16xi1>, vector<16xi32>
      %get3A_262 = arith.constant 17 : i32
      %get3A_263 = arith.index_cast %get3A_262 : i32 to index
      %get3A_264 = arith.index_cast %mul3A_132 : i32 to index
      %get3A_265 = tpu.vector_load %arg11[%get3A_263, %get3A_264] {strides = array<i32>} : memref<32x1568xi32, #tpu.memory_space<vmem>>, vector<16xi32>,
      %ge3A_266 = arith.constant 0 : i32
      %ge3A_267 = vector.broadcast %ge3A_266 : i32 to vector<16xi32>
      %ge3A_268 = arith.cmpi sge, %get3A_265, %ge3A_267 : vector<16xi32>
      %select_n3A_269 = arith.select %ge3A_268, %get3A_265, %select_n3A_261 : vector<16xi1>, vector<16xi32>
      %get3A_270 = arith.constant 18 : i32
      %get3A_271 = arith.index_cast %get3A_270 : i32 to index
      %get3A_272 = arith.index_cast %mul3A_132 : i32 to index
      %get3A_273 = tpu.vector_load %arg11[%get3A_271, %get3A_272] {strides = array<i32>} : memref<32x1568xi32, #tpu.memory_space<vmem>>, vector<16xi32>,
      %ge3A_274 = arith.constant 0 : i32
      %ge3A_275 = vector.broadcast %ge3A_274 : i32 to vector<16xi32>
      %ge3A_276 = arith.cmpi sge, %get3A_273, %ge3A_275 : vector<16xi32>
      %select_n3A_277 = arith.select %ge3A_276, %get3A_273, %select_n3A_269 : vector<16xi1>, vector<16xi32>
      %get3A_278 = arith.constant 19 : i32
      %get3A_279 = arith.index_cast %get3A_278 : i32 to index
      %get3A_280 = arith.index_cast %mul3A_132 : i32 to index
      %get3A_281 = tpu.vector_load %arg11[%get3A_279, %get3A_280] {strides = array<i32>} : memref<32x1568xi32, #tpu.memory_space<vmem>>, vector<16xi32>,
      %ge3A_282 = arith.constant 0 : i32
      %ge3A_283 = vector.broadcast %ge3A_282 : i32 to vector<16xi32>
      %ge3A_284 = arith.cmpi sge, %get3A_281, %ge3A_283 : vector<16xi32>
      %select_n3A_285 = arith.select %ge3A_284, %get3A_281, %select_n3A_277 : vector<16xi1>, vector<16xi32>
      %get3A_286 = arith.constant 20 : i32
      %get3A_287 = arith.index_cast %get3A_286 : i32 to index
      %get3A_288 = arith.index_cast %mul3A_132 : i32 to index
      %get3A_289 = tpu.vector_load %arg11[%get3A_287, %get3A_288] {strides = array<i32>} : memref<32x1568xi32, #tpu.memory_space<vmem>>, vector<16xi32>,
      %ge3A_290 = arith.constant 0 : i32
      %ge3A_291 = vector.broadcast %ge3A_290 : i32 to vector<16xi32>
      %ge3A_292 = arith.cmpi sge, %get3A_289, %ge3A_291 : vector<16xi32>
      %select_n3A_293 = arith.select %ge3A_292, %get3A_289, %select_n3A_285 : vector<16xi1>, vector<16xi32>
      %get3A_294 = arith.constant 21 : i32
      %get3A_295 = arith.index_cast %get3A_294 : i32 to index
      %get3A_296 = arith.index_cast %mul3A_132 : i32 to index
      %get3A_297 = tpu.vector_load %arg11[%get3A_295, %get3A_296] {strides = array<i32>} : memref<32x1568xi32, #tpu.memory_space<vmem>>, vector<16xi32>,
      %ge3A_298 = arith.constant 0 : i32
      %ge3A_299 = vector.broadcast %ge3A_298 : i32 to vector<16xi32>
      %ge3A_300 = arith.cmpi sge, %get3A_297, %ge3A_299 : vector<16xi32>
      %select_n3A_301 = arith.select %ge3A_300, %get3A_297, %select_n3A_293 : vector<16xi1>, vector<16xi32>
      %get3A_302 = arith.constant 22 : i32
      %get3A_303 = arith.index_cast %get3A_302 : i32 to index
      %get3A_304 = arith.index_cast %mul3A_132 : i32 to index
      %get3A_305 = tpu.vector_load %arg11[%get3A_303, %get3A_304] {strides = array<i32>} : memref<32x1568xi32, #tpu.memory_space<vmem>>, vector<16xi32>,
      %ge3A_306 = arith.constant 0 : i32
      %ge3A_307 = vector.broadcast %ge3A_306 : i32 to vector<16xi32>
      %ge3A_308 = arith.cmpi sge, %get3A_305, %ge3A_307 : vector<16xi32>
      %select_n3A_309 = arith.select %ge3A_308, %get3A_305, %select_n3A_301 : vector<16xi1>, vector<16xi32>
      %get3A_310 = arith.constant 23 : i32
      %get3A_311 = arith.index_cast %get3A_310 : i32 to index
      %get3A_312 = arith.index_cast %mul3A_132 : i32 to index
      %get3A_313 = tpu.vector_load %arg11[%get3A_311, %get3A_312] {strides = array<i32>} : memref<32x1568xi32, #tpu.memory_space<vmem>>, vector<16xi32>,
      %ge3A_314 = arith.constant 0 : i32
      %ge3A_315 = vector.broadcast %ge3A_314 : i32 to vector<16xi32>
      %ge3A_316 = arith.cmpi sge, %get3A_313, %ge3A_315 : vector<16xi32>
      %select_n3A_317 = arith.select %ge3A_316, %get3A_313, %select_n3A_309 : vector<16xi1>, vector<16xi32>
      %get3A_318 = arith.constant 24 : i32
      %get3A_319 = arith.index_cast %get3A_318 : i32 to index
      %get3A_320 = arith.index_cast %mul3A_132 : i32 to index
      %get3A_321 = tpu.vector_load %arg11[%get3A_319, %get3A_320] {strides = array<i32>} : memref<32x1568xi32, #tpu.memory_space<vmem>>, vector<16xi32>,
      %ge3A_322 = arith.constant 0 : i32
      %ge3A_323 = vector.broadcast %ge3A_322 : i32 to vector<16xi32>
      %ge3A_324 = arith.cmpi sge, %get3A_321, %ge3A_323 : vector<16xi32>
      %select_n3A_325 = arith.select %ge3A_324, %get3A_321, %select_n3A_317 : vector<16xi1>, vector<16xi32>
      %get3A_326 = arith.constant 25 : i32
      %get3A_327 = arith.index_cast %get3A_326 : i32 to index
      %get3A_328 = arith.index_cast %mul3A_132 : i32 to index
      %get3A_329 = tpu.vector_load %arg11[%get3A_327, %get3A_328] {strides = array<i32>} : memref<32x1568xi32, #tpu.memory_space<vmem>>, vector<16xi32>,
      %ge3A_330 = arith.constant 0 : i32
      %ge3A_331 = vector.broadcast %ge3A_330 : i32 to vector<16xi32>
      %ge3A_332 = arith.cmpi sge, %get3A_329, %ge3A_331 : vector<16xi32>
      %select_n3A_333 = arith.select %ge3A_332, %get3A_329, %select_n3A_325 : vector<16xi1>, vector<16xi32>
      %get3A_334 = arith.constant 26 : i32
      %get3A_335 = arith.index_cast %get3A_334 : i32 to index
      %get3A_336 = arith.index_cast %mul3A_132 : i32 to index
      %get3A_337 = tpu.vector_load %arg11[%get3A_335, %get3A_336] {strides = array<i32>} : memref<32x1568xi32, #tpu.memory_space<vmem>>, vector<16xi32>,
      %ge3A_338 = arith.constant 0 : i32
      %ge3A_339 = vector.broadcast %ge3A_338 : i32 to vector<16xi32>
      %ge3A_340 = arith.cmpi sge, %get3A_337, %ge3A_339 : vector<16xi32>
      %select_n3A_341 = arith.select %ge3A_340, %get3A_337, %select_n3A_333 : vector<16xi1>, vector<16xi32>
      %get3A_342 = arith.constant 27 : i32
      %get3A_343 = arith.index_cast %get3A_342 : i32 to index
      %get3A_344 = arith.index_cast %mul3A_132 : i32 to index
      %get3A_345 = tpu.vector_load %arg11[%get3A_343, %get3A_344] {strides = array<i32>} : memref<32x1568xi32, #tpu.memory_space<vmem>>, vector<16xi32>,
      %ge3A_346 = arith.constant 0 : i32
      %ge3A_347 = vector.broadcast %ge3A_346 : i32 to vector<16xi32>
      %ge3A_348 = arith.cmpi sge, %get3A_345, %ge3A_347 : vector<16xi32>
      %select_n3A_349 = arith.select %ge3A_348, %get3A_345, %select_n3A_341 : vector<16xi1>, vector<16xi32>
      %get3A_350 = arith.constant 28 : i32
      %get3A_351 = arith.index_cast %get3A_350 : i32 to index
      %get3A_352 = arith.index_cast %mul3A_132 : i32 to index
      %get3A_353 = tpu.vector_load %arg11[%get3A_351, %get3A_352] {strides = array<i32>} : memref<32x1568xi32, #tpu.memory_space<vmem>>, vector<16xi32>,
      %ge3A_354 = arith.constant 0 : i32
      %ge3A_355 = vector.broadcast %ge3A_354 : i32 to vector<16xi32>
      %ge3A_356 = arith.cmpi sge, %get3A_353, %ge3A_355 : vector<16xi32>
      %select_n3A_357 = arith.select %ge3A_356, %get3A_353, %select_n3A_349 : vector<16xi1>, vector<16xi32>
      %get3A_358 = arith.constant 29 : i32
      %get3A_359 = arith.index_cast %get3A_358 : i32 to index
      %get3A_360 = arith.index_cast %mul3A_132 : i32 to index
      %get3A_361 = tpu.vector_load %arg11[%get3A_359, %get3A_360] {strides = array<i32>} : memref<32x1568xi32, #tpu.memory_space<vmem>>, vector<16xi32>,
      %ge3A_362 = arith.constant 0 : i32
      %ge3A_363 = vector.broadcast %ge3A_362 : i32 to vector<16xi32>
      %ge3A_364 = arith.cmpi sge, %get3A_361, %ge3A_363 : vector<16xi32>
      %select_n3A_365 = arith.select %ge3A_364, %get3A_361, %select_n3A_357 : vector<16xi1>, vector<16xi32>
      %get3A_366 = arith.constant 30 : i32
      %get3A_367 = arith.index_cast %get3A_366 : i32 to index
      %get3A_368 = arith.index_cast %mul3A_132 : i32 to index
      %get3A_369 = tpu.vector_load %arg11[%get3A_367, %get3A_368] {strides = array<i32>} : memref<32x1568xi32, #tpu.memory_space<vmem>>, vector<16xi32>,
      %ge3A_370 = arith.constant 0 : i32
      %ge3A_371 = vector.broadcast %ge3A_370 : i32 to vector<16xi32>
      %ge3A_372 = arith.cmpi sge, %get3A_369, %ge3A_371 : vector<16xi32>
      %select_n3A_373 = arith.select %ge3A_372, %get3A_369, %select_n3A_365 : vector<16xi1>, vector<16xi32>
      %get3A_374 = arith.constant 31 : i32
      %get3A_375 = arith.index_cast %get3A_374 : i32 to index
      %get3A_376 = arith.index_cast %mul3A_132 : i32 to index
      %get3A_377 = tpu.vector_load %arg11[%get3A_375, %get3A_376] {strides = array<i32>} : memref<32x1568xi32, #tpu.memory_space<vmem>>, vector<16xi32>,
      %ge3A_378 = arith.constant 0 : i32
      %ge3A_379 = vector.broadcast %ge3A_378 : i32 to vector<16xi32>
      %ge3A_380 = arith.cmpi sge, %get3A_377, %ge3A_379 : vector<16xi32>
      %select_n3A_381 = arith.select %ge3A_380, %get3A_377, %select_n3A_373 : vector<16xi1>, vector<16xi32>
      %jit3A = arith.constant 0 : i32
      %jit3A_382 = arith.constant 500223 : i32
      %max3A = vector.broadcast %jit3A : i32 to vector<16xi32>
      %max3A_383 = arith.maxsi %max3A, %select_n3A_381 : vector<16xi32>
      %min3A = vector.broadcast %jit3A_382 : i32 to vector<16xi32>
      %min3A_384 = arith.minsi %min3A, %max3A_383 : vector<16xi32>
      %swap3A = arith.index_cast %mul3A_132 : i32 to index
      %swap3A_385 = tpu.vector_load %arg12[%swap3A] {strides = array<i32>} : memref<1568xi32, #tpu.memory_space<vmem>>, vector<16xi32>,
      tpu.vector_store %arg12[%swap3A], %min3A_384 {strides = array<i32>} : memref<1568xi32, #tpu.memory_space<vmem>>, vector<16xi32>,
      %mul3A_386 = arith.constant 16 : i32
      %mul3A_387 = arith.muli %scan3A_129, %mul3A_386 : i32
      %add3A_388 = arith.addi %add3A_4, %mul3A_387 : i32
      %add3A_389 = vector.broadcast %add3A_388 : i32 to vector<16xi32>
      %add3A_390 = arith.addi %add3A_389, %iota3A : vector<16xi32>
      %ge3A_391 = arith.constant 0 : i32
      %ge3A_392 = vector.broadcast %ge3A_391 : i32 to vector<16xi32>
      %ge3A_393 = arith.cmpi sge, %select_n3A_381, %ge3A_392 : vector<16xi32>
      %jit3A_394 = arith.constant 512 : i32
      %jit3A_395 = arith.constant 0 : i32
      %broadcast_in_dim3A = vector.broadcast %jit3A_394 : i32 to vector<16xi32>
      %broadcast_in_dim3A_396 = vector.broadcast %jit3A_395 : i32 to vector<16xi32>
      %select_n3A_397 = arith.select %ge3A_393, %broadcast_in_dim3A, %broadcast_in_dim3A_396 : vector<16xi1>, vector<16xi32>
      %and3A = arith.constant 511 : i32
      %and3A_398 = vector.broadcast %and3A : i32 to vector<16xi32>
      %and3A_399 = arith.andi %add3A_390, %and3A_398 : vector<16xi32>
      %add3A_400 = arith.addi %select_n3A_397, %and3A_399 : vector<16xi32>
      %swap3A_401 = arith.index_cast %mul3A_132 : i32 to index
      %swap3A_402 = tpu.vector_load %arg15[%swap3A_401] {strides = array<i32>} : memref<1568xi32, #tpu.memory_space<vmem>>, vector<16xi32>,
      tpu.vector_store %arg15[%swap3A_401], %add3A_400 {strides = array<i32>} : memref<1568xi32, #tpu.memory_space<vmem>>, vector<16xi32>,
      %scan3A_403 = arith.constant 0 : i32
      scf.yield %scan3A_403 : i32
    }
    %scan3A_12 = arith.constant 98 : i32
    %dma_start3A = arith.constant 0 : i32
    %dma_start3A_13 = tpu.memref_slice %arg3[%dma_start3A] : memref<500224xi32, #tpu.memory_space<hbm>> -> memref<500224xi32, #tpu.memory_space<hbm>>
    tpu.enqueue_indirect_dma source(%dma_start3A_13 : memref<500224xi32, #tpu.memory_space<hbm>>) target(%arg13 : memref<1568xi32, #tpu.memory_space<vmem>>) offsets(%arg12 : memref<1568xi32, #tpu.memory_space<vmem>>) semaphore(%arg19 : memref<!tpu.dma_semaphore, #tpu.memory_space<semaphore_mem>>)
    %dma_start3A_14 = arith.constant 0 : i32
    %dma_start3A_15 = tpu.memref_slice %arg4[%dma_start3A_14] : memref<500224xi32, #tpu.memory_space<hbm>> -> memref<500224xi32, #tpu.memory_space<hbm>>
    tpu.enqueue_indirect_dma source(%dma_start3A_15 : memref<500224xi32, #tpu.memory_space<hbm>>) target(%arg14 : memref<1568xi32, #tpu.memory_space<vmem>>) offsets(%arg12 : memref<1568xi32, #tpu.memory_space<vmem>>) semaphore(%arg20 : memref<!tpu.dma_semaphore, #tpu.memory_space<semaphore_mem>>)
    %dma_wait3A = arith.constant 0 : i32
    %dma_wait3A_16 = tpu.memref_slice %arg3[%dma_wait3A] : memref<500224xi32, #tpu.memory_space<hbm>> -> memref<500224xi32, #tpu.memory_space<hbm>>
    tpu.wait_indirect_dma semaphore(%arg19 : memref<!tpu.dma_semaphore, #tpu.memory_space<semaphore_mem>>) src(%dma_wait3A_16 : memref<500224xi32, #tpu.memory_space<hbm>>) dst(%arg13 : memref<1568xi32, #tpu.memory_space<vmem>>)
    %dma_wait3A_17 = arith.constant 0 : i32
    %dma_wait3A_18 = tpu.memref_slice %arg4[%dma_wait3A_17] : memref<500224xi32, #tpu.memory_space<hbm>> -> memref<500224xi32, #tpu.memory_space<hbm>>
    tpu.wait_indirect_dma semaphore(%arg20 : memref<!tpu.dma_semaphore, #tpu.memory_space<semaphore_mem>>) src(%dma_wait3A_18 : memref<500224xi32, #tpu.memory_space<hbm>>) dst(%arg14 : memref<1568xi32, #tpu.memory_space<vmem>>)
    %dma_start3A_19 = arith.constant 0 : i32
    %dma_start3A_20 = arith.constant 0 : i32
    %dma_start3A_21 = tpu.memref_slice %arg6[%dma_start3A_19, %dma_start3A_20] : memref<100000x8xf32, #tpu.memory_space<hbm>> -> memref<100000x8xf32, #tpu.memory_space<hbm>>
    tpu.enqueue_indirect_dma source(%dma_start3A_21 : memref<100000x8xf32, #tpu.memory_space<hbm>>) target(%arg16 : memref<1568x8xf32, #tpu.memory_space<vmem>>) offsets(%arg13 : memref<1568xi32, #tpu.memory_space<vmem>>) semaphore(%arg21 : memref<!tpu.dma_semaphore, #tpu.memory_space<semaphore_mem>>)
    %dma_wait3A_22 = arith.constant 0 : i32
    %dma_wait3A_23 = arith.constant 0 : i32
    %dma_wait3A_24 = tpu.memref_slice %arg6[%dma_wait3A_22, %dma_wait3A_23] : memref<100000x8xf32, #tpu.memory_space<hbm>> -> memref<100000x8xf32, #tpu.memory_space<hbm>>
    tpu.wait_indirect_dma semaphore(%arg21 : memref<!tpu.dma_semaphore, #tpu.memory_space<semaphore_mem>>) src(%dma_wait3A_24 : memref<100000x8xf32, #tpu.memory_space<hbm>>) dst(%arg16 : memref<1568x8xf32, #tpu.memory_space<vmem>>)
    "tpu.region"() ({
      %run_scoped3A = tpu.sem_alloc : memref<!tpu.dma_semaphore, #tpu.memory_space<semaphore_mem>>
      %dma_start3A_129 = arith.constant 0 : i32
      %dma_start3A_130 = tpu.memref_slice %arg10[%mul3A_6, %dma_start3A_129] : memref<50176x128xf32, #tpu.memory_space<hbm>> -> memref<1568x8xf32, #tpu.memory_space<hbm>>
      %dma_start3A_131 = arith.constant 0 : i32
      %dma_start3A_132 = tpu.memref_slice %arg10[%mul3A_6, %dma_start3A_131] : memref<50176x128xf32, #tpu.memory_space<hbm>> -> memref<1568x8xf32, #tpu.memory_space<hbm>>
      tpu.enqueue_dma source(%arg16 : memref<1568x8xf32, #tpu.memory_space<vmem>>) target(%dma_start3A_132 : memref<1568x8xf32, #tpu.memory_space<hbm>>) target_semaphore(%run_scoped3A : memref<!tpu.dma_semaphore, #tpu.memory_space<semaphore_mem>>)
      %dma_wait3A_133 = arith.constant 0 : i32
      %dma_wait3A_134 = tpu.memref_slice %arg10[%mul3A_6, %dma_wait3A_133] : memref<50176x128xf32, #tpu.memory_space<hbm>> -> memref<1568x8xf32, #tpu.memory_space<hbm>>
      %dma_wait3A_135 = arith.constant 0 : i32
      %dma_wait3A_136 = tpu.memref_slice %arg10[%mul3A_6, %dma_wait3A_135] : memref<50176x128xf32, #tpu.memory_space<hbm>> -> memref<1568x8xf32, #tpu.memory_space<hbm>>
      tpu.wait_dma2 semaphore(%run_scoped3A : memref<!tpu.dma_semaphore, #tpu.memory_space<semaphore_mem>>) src(%arg16 : memref<1568x8xf32, #tpu.memory_space<vmem>>) dst(%dma_wait3A_136 : memref<1568x8xf32, #tpu.memory_space<hbm>>)
      tpu.yield
    }) : () -> ()
    %dma_start3A_25 = arith.constant 0 : i32
    %dma_start3A_26 = arith.constant 0 : i32
    %dma_start3A_27 = tpu.memref_slice %arg6[%dma_start3A_25, %dma_start3A_26] : memref<100000x8xf32, #tpu.memory_space<hbm>> -> memref<100000x8xf32, #tpu.memory_space<hbm>>
    tpu.enqueue_indirect_dma source(%dma_start3A_27 : memref<100000x8xf32, #tpu.memory_space<hbm>>) target(%arg16 : memref<1568x8xf32, #tpu.memory_space<vmem>>) offsets(%arg14 : memref<1568xi32, #tpu.memory_space<vmem>>) semaphore(%arg21 : memref<!tpu.dma_semaphore, #tpu.memory_space<semaphore_mem>>)
    %dma_wait3A_28 = arith.constant 0 : i32
    %dma_wait3A_29 = arith.constant 0 : i32
    %dma_wait3A_30 = tpu.memref_slice %arg6[%dma_wait3A_28, %dma_wait3A_29] : memref<100000x8xf32, #tpu.memory_space<hbm>> -> memref<100000x8xf32, #tpu.memory_space<hbm>>
    tpu.wait_indirect_dma semaphore(%arg21 : memref<!tpu.dma_semaphore, #tpu.memory_space<semaphore_mem>>) src(%dma_wait3A_30 : memref<100000x8xf32, #tpu.memory_space<hbm>>) dst(%arg16 : memref<1568x8xf32, #tpu.memory_space<vmem>>)
    "tpu.region"() ({
      %run_scoped3A = tpu.sem_alloc : memref<!tpu.dma_semaphore, #tpu.memory_space<semaphore_mem>>
      %dma_start3A_129 = arith.constant 8 : i32
      %dma_start3A_130 = tpu.memref_slice %arg10[%mul3A_6, %dma_start3A_129] : memref<50176x128xf32, #tpu.memory_space<hbm>> -> memref<1568x8xf32, #tpu.memory_space<hbm>>
      %dma_start3A_131 = arith.constant 8 : i32
      %dma_start3A_132 = tpu.memref_slice %arg10[%mul3A_6, %dma_start3A_131] : memref<50176x128xf32, #tpu.memory_space<hbm>> -> memref<1568x8xf32, #tpu.memory_space<hbm>>
      tpu.enqueue_dma source(%arg16 : memref<1568x8xf32, #tpu.memory_space<vmem>>) target(%dma_start3A_132 : memref<1568x8xf32, #tpu.memory_space<hbm>>) target_semaphore(%run_scoped3A : memref<!tpu.dma_semaphore, #tpu.memory_space<semaphore_mem>>)
      %dma_wait3A_133 = arith.constant 8 : i32
      %dma_wait3A_134 = tpu.memref_slice %arg10[%mul3A_6, %dma_wait3A_133] : memref<50176x128xf32, #tpu.memory_space<hbm>> -> memref<1568x8xf32, #tpu.memory_space<hbm>>
      %dma_wait3A_135 = arith.constant 8 : i32
      %dma_wait3A_136 = tpu.memref_slice %arg10[%mul3A_6, %dma_wait3A_135] : memref<50176x128xf32, #tpu.memory_space<hbm>> -> memref<1568x8xf32, #tpu.memory_space<hbm>>
      tpu.wait_dma2 semaphore(%run_scoped3A : memref<!tpu.dma_semaphore, #tpu.memory_space<semaphore_mem>>) src(%arg16 : memref<1568x8xf32, #tpu.memory_space<vmem>>) dst(%dma_wait3A_136 : memref<1568x8xf32, #tpu.memory_space<hbm>>)
      tpu.yield
    }) : () -> ()
    %dma_start3A_31 = arith.constant 0 : i32
    %dma_start3A_32 = arith.constant 0 : i32
    %dma_start3A_33 = tpu.memref_slice %arg7[%dma_start3A_31, %dma_start3A_32] : memref<1024x8xf32, #tpu.memory_space<hbm>> -> memref<1024x8xf32, #tpu.memory_space<hbm>>
    tpu.enqueue_indirect_dma source(%dma_start3A_33 : memref<1024x8xf32, #tpu.memory_space<hbm>>) target(%arg16 : memref<1568x8xf32, #tpu.memory_space<vmem>>) offsets(%arg15 : memref<1568xi32, #tpu.memory_space<vmem>>) semaphore(%arg21 : memref<!tpu.dma_semaphore, #tpu.memory_space<semaphore_mem>>)
    %dma_wait3A_34 = arith.constant 0 : i32
    %dma_wait3A_35 = arith.constant 0 : i32
    %dma_wait3A_36 = tpu.memref_slice %arg7[%dma_wait3A_34, %dma_wait3A_35] : memref<1024x8xf32, #tpu.memory_space<hbm>> -> memref<1024x8xf32, #tpu.memory_space<hbm>>
    tpu.wait_indirect_dma semaphore(%arg21 : memref<!tpu.dma_semaphore, #tpu.memory_space<semaphore_mem>>) src(%dma_wait3A_36 : memref<1024x8xf32, #tpu.memory_space<hbm>>) dst(%arg16 : memref<1568x8xf32, #tpu.memory_space<vmem>>)
    "tpu.region"() ({
      %run_scoped3A = tpu.sem_alloc : memref<!tpu.dma_semaphore, #tpu.memory_space<semaphore_mem>>
      %dma_start3A_129 = arith.constant 16 : i32
      %dma_start3A_130 = tpu.memref_slice %arg10[%mul3A_6, %dma_start3A_129] : memref<50176x128xf32, #tpu.memory_space<hbm>> -> memref<1568x8xf32, #tpu.memory_space<hbm>>
      %dma_start3A_131 = arith.constant 16 : i32
      %dma_start3A_132 = tpu.memref_slice %arg10[%mul3A_6, %dma_start3A_131] : memref<50176x128xf32, #tpu.memory_space<hbm>> -> memref<1568x8xf32, #tpu.memory_space<hbm>>
      tpu.enqueue_dma source(%arg16 : memref<1568x8xf32, #tpu.memory_space<vmem>>) target(%dma_start3A_132 : memref<1568x8xf32, #tpu.memory_space<hbm>>) target_semaphore(%run_scoped3A : memref<!tpu.dma_semaphore, #tpu.memory_space<semaphore_mem>>)
      %dma_wait3A_133 = arith.constant 16 : i32
      %dma_wait3A_134 = tpu.memref_slice %arg10[%mul3A_6, %dma_wait3A_133] : memref<50176x128xf32, #tpu.memory_space<hbm>> -> memref<1568x8xf32, #tpu.memory_space<hbm>>
      %dma_wait3A_135 = arith.constant 16 : i32
      %dma_wait3A_136 = tpu.memref_slice %arg10[%mul3A_6, %dma_wait3A_135] : memref<50176x128xf32, #tpu.memory_space<hbm>> -> memref<1568x8xf32, #tpu.memory_space<hbm>>
      tpu.wait_dma2 semaphore(%run_scoped3A : memref<!tpu.dma_semaphore, #tpu.memory_space<semaphore_mem>>) src(%arg16 : memref<1568x8xf32, #tpu.memory_space<vmem>>) dst(%dma_wait3A_136 : memref<1568x8xf32, #tpu.memory_space<hbm>>)
      tpu.yield
    }) : () -> ()
    %dma_start3A_37 = arith.constant 0 : i32
    %dma_start3A_38 = tpu.memref_slice %arg13[%dma_start3A_37] : memref<1568xi32, #tpu.memory_space<vmem>> -> memref<224xi32, #tpu.memory_space<vmem>>
    %dma_start3A_39 = arith.constant 0 : i32
    %dma_start3A_40 = arith.constant 0 : i32
    %dma_start3A_41 = tpu.memref_slice %arg5[%dma_start3A_39, %dma_start3A_40] : memref<100000x128xf32, #tpu.memory_space<hbm>> -> memref<100000x128xf32, #tpu.memory_space<hbm>>
    tpu.enqueue_indirect_dma source(%dma_start3A_41 : memref<100000x128xf32, #tpu.memory_space<hbm>>) target(%arg17 : memref<224x128xf32, #tpu.memory_space<vmem>>) offsets(%dma_start3A_38 : memref<224xi32, #tpu.memory_space<vmem>>) semaphore(%arg19 : memref<!tpu.dma_semaphore, #tpu.memory_space<semaphore_mem>>)
    %dma_start3A_42 = arith.constant 224 : i32
    %dma_start3A_43 = tpu.memref_slice %arg13[%dma_start3A_42] : memref<1568xi32, #tpu.memory_space<vmem>> -> memref<224xi32, #tpu.memory_space<vmem>>
    %dma_start3A_44 = arith.constant 0 : i32
    %dma_start3A_45 = arith.constant 0 : i32
    %dma_start3A_46 = tpu.memref_slice %arg5[%dma_start3A_44, %dma_start3A_45] : memref<100000x128xf32, #tpu.memory_space<hbm>> -> memref<100000x128xf32, #tpu.memory_space<hbm>>
    tpu.enqueue_indirect_dma source(%dma_start3A_46 : memref<100000x128xf32, #tpu.memory_space<hbm>>) target(%arg18 : memref<224x128xf32, #tpu.memory_space<vmem>>) offsets(%dma_start3A_43 : memref<224xi32, #tpu.memory_space<vmem>>) semaphore(%arg20 : memref<!tpu.dma_semaphore, #tpu.memory_space<semaphore_mem>>)
    %scan3A_47 = arith.constant 0 : i32
    %scan3A_48 = arith.constant 0 : i32
    %scan3A_49 = arith.constant 2 : i32
    %scan3A_50 = arith.addi %scan3A_48, %scan3A_49 : i32
    %scan3A_51 = arith.constant 1 : i32
    %scan3A_52 = scf.for %scan3A_129 = %scan3A_48 to %scan3A_50 step %scan3A_51 iter_args(%scan3A_130 = %scan3A_47) -> (i32)  : i32 {
      %mul3A_131 = arith.constant 2 : i32
      %mul3A_132 = arith.muli %mul3A_131, %scan3A_129 : i32
      %dma_wait3A_133 = arith.constant 0 : i32
      %dma_wait3A_134 = arith.constant 0 : i32
      %dma_wait3A_135 = tpu.memref_slice %arg5[%dma_wait3A_133, %dma_wait3A_134] : memref<100000x128xf32, #tpu.memory_space<hbm>> -> memref<224x128xf32, #tpu.memory_space<hbm>>
      %dma_wait3A_136 = arith.constant 0 : i32
      %dma_wait3A_137 = arith.constant 0 : i32
      %dma_wait3A_138 = tpu.memref_slice %arg5[%dma_wait3A_136, %dma_wait3A_137] : memref<100000x128xf32, #tpu.memory_space<hbm>> -> memref<224x128xf32, #tpu.memory_space<hbm>>
      tpu.wait_dma2 semaphore(%arg19 : memref<!tpu.dma_semaphore, #tpu.memory_space<semaphore_mem>>) src(%dma_wait3A_138 : memref<224x128xf32, #tpu.memory_space<hbm>>) dst(%arg17 : memref<224x128xf32, #tpu.memory_space<vmem>>)
      %mul3A_139 = arith.constant 224 : i32
      %mul3A_140 = arith.muli %mul3A_132, %mul3A_139 : i32
      %add3A_141 = arith.addi %mul3A_6, %mul3A_140 : i32
      "tpu.region"() ({
        %run_scoped3A = tpu.sem_alloc : memref<!tpu.dma_semaphore, #tpu.memory_space<semaphore_mem>>
        %dma_start3A_170 = arith.constant 0 : i32
        %dma_start3A_171 = tpu.memref_slice %arg8[%add3A_141, %dma_start3A_170] : memref<50176x128xf32, #tpu.memory_space<hbm>> -> memref<224x128xf32, #tpu.memory_space<hbm>>
        %dma_start3A_172 = arith.constant 0 : i32
        %dma_start3A_173 = tpu.memref_slice %arg8[%add3A_141, %dma_start3A_172] : memref<50176x128xf32, #tpu.memory_space<hbm>> -> memref<224x128xf32, #tpu.memory_space<hbm>>
        tpu.enqueue_dma source(%arg17 : memref<224x128xf32, #tpu.memory_space<vmem>>) target(%dma_start3A_173 : memref<224x128xf32, #tpu.memory_space<hbm>>) target_semaphore(%run_scoped3A : memref<!tpu.dma_semaphore, #tpu.memory_space<semaphore_mem>>)
        %dma_wait3A_174 = arith.constant 0 : i32
        %dma_wait3A_175 = tpu.memref_slice %arg8[%add3A_141, %dma_wait3A_174] : memref<50176x128xf32, #tpu.memory_space<hbm>> -> memref<224x128xf32, #tpu.memory_space<hbm>>
        %dma_wait3A_176 = arith.constant 0 : i32
        %dma_wait3A_177 = tpu.memref_slice %arg8[%add3A_141, %dma_wait3A_176] : memref<50176x128xf32, #tpu.memory_space<hbm>> -> memref<224x128xf32, #tpu.memory_space<hbm>>
        tpu.wait_dma2 semaphore(%run_scoped3A : memref<!tpu.dma_semaphore, #tpu.memory_space<semaphore_mem>>) src(%arg17 : memref<224x128xf32, #tpu.memory_space<vmem>>) dst(%dma_wait3A_177 : memref<224x128xf32, #tpu.memory_space<hbm>>)
        tpu.yield
      }) : () -> ()
      %add3A_142 = arith.constant 2 : i32
      %add3A_143 = arith.addi %mul3A_132, %add3A_142 : i32
      %mul3A_144 = arith.constant 224 : i32
      %mul3A_145 = arith.muli %add3A_143, %mul3A_144 : i32
      %dma_start3A_146 = tpu.memref_slice %arg13[%mul3A_145] : memref<1568xi32, #tpu.memory_space<vmem>> -> memref<224xi32, #tpu.memory_space<vmem>>
      %dma_start3A_147 = arith.constant 0 : i32
      %dma_start3A_148 = arith.constant 0 : i32
      %dma_start3A_149 = tpu.memref_slice %arg5[%dma_start3A_147, %dma_start3A_148] : memref<100000x128xf32, #tpu.memory_space<hbm>> -> memref<100000x128xf32, #tpu.memory_space<hbm>>
      tpu.enqueue_indirect_dma source(%dma_start3A_149 : memref<100000x128xf32, #tpu.memory_space<hbm>>) target(%arg17 : memref<224x128xf32, #tpu.memory_space<vmem>>) offsets(%dma_start3A_146 : memref<224xi32, #tpu.memory_space<vmem>>) semaphore(%arg19 : memref<!tpu.dma_semaphore, #tpu.memory_space<semaphore_mem>>)
      %dma_wait3A_150 = arith.constant 0 : i32
      %dma_wait3A_151 = arith.constant 0 : i32
      %dma_wait3A_152 = tpu.memref_slice %arg5[%dma_wait3A_150, %dma_wait3A_151] : memref<100000x128xf32, #tpu.memory_space<hbm>> -> memref<224x128xf32, #tpu.memory_space<hbm>>
      %dma_wait3A_153 = arith.constant 0 : i32
      %dma_wait3A_154 = arith.constant 0 : i32
      %dma_wait3A_155 = tpu.memref_slice %arg5[%dma_wait3A_153, %dma_wait3A_154] : memref<100000x128xf32, #tpu.memory_space<hbm>> -> memref<224x128xf32, #tpu.memory_space<hbm>>
      tpu.wait_dma2 semaphore(%arg20 : memref<!tpu.dma_semaphore, #tpu.memory_space<semaphore_mem>>) src(%dma_wait3A_155 : memref<224x128xf32, #tpu.memory_space<hbm>>) dst(%arg18 : memref<224x128xf32, #tpu.memory_space<vmem>>)
      %add3A_156 = arith.constant 1 : i32
      %add3A_157 = arith.addi %mul3A_132, %add3A_156 : i32
      %mul3A_158 = arith.constant 224 : i32
      %mul3A_159 = arith.muli %add3A_157, %mul3A_158 : i32
      %add3A_160 = arith.addi %mul3A_6, %mul3A_159 : i32
      "tpu.region"() ({
        %run_scoped3A = tpu.sem_alloc : memref<!tpu.dma_semaphore, #tpu.memory_space<semaphore_mem>>
        %dma_start3A_170 = arith.constant 0 : i32
        %dma_start3A_171 = tpu.memref_slice %arg8[%add3A_160, %dma_start3A_170] : memref<50176x128xf32, #tpu.memory_space<hbm>> -> memref<224x128xf32, #tpu.memory_space<hbm>>
        %dma_start3A_172 = arith.constant 0 : i32
        %dma_start3A_173 = tpu.memref_slice %arg8[%add3A_160, %dma_start3A_172] : memref<50176x128xf32, #tpu.memory_space<hbm>> -> memref<224x128xf32, #tpu.memory_space<hbm>>
        tpu.enqueue_dma source(%arg18 : memref<224x128xf32, #tpu.memory_space<vmem>>) target(%dma_start3A_173 : memref<224x128xf32, #tpu.memory_space<hbm>>) target_semaphore(%run_scoped3A : memref<!tpu.dma_semaphore, #tpu.memory_space<semaphore_mem>>)
        %dma_wait3A_174 = arith.constant 0 : i32
        %dma_wait3A_175 = tpu.memref_slice %arg8[%add3A_160, %dma_wait3A_174] : memref<50176x128xf32, #tpu.memory_space<hbm>> -> memref<224x128xf32, #tpu.memory_space<hbm>>
        %dma_wait3A_176 = arith.constant 0 : i32
        %dma_wait3A_177 = tpu.memref_slice %arg8[%add3A_160, %dma_wait3A_176] : memref<50176x128xf32, #tpu.memory_space<hbm>> -> memref<224x128xf32, #tpu.memory_space<hbm>>
        tpu.wait_dma2 semaphore(%run_scoped3A : memref<!tpu.dma_semaphore, #tpu.memory_space<semaphore_mem>>) src(%arg18 : memref<224x128xf32, #tpu.memory_space<vmem>>) dst(%dma_wait3A_177 : memref<224x128xf32, #tpu.memory_space<hbm>>)
        tpu.yield
      }) : () -> ()
      %add3A_161 = arith.constant 3 : i32
      %add3A_162 = arith.addi %mul3A_132, %add3A_161 : i32
      %mul3A_163 = arith.constant 224 : i32
      %mul3A_164 = arith.muli %add3A_162, %mul3A_163 : i32
      %dma_start3A_165 = tpu.memref_slice %arg13[%mul3A_164] : memref<1568xi32, #tpu.memory_space<vmem>> -> memref<224xi32, #tpu.memory_space<vmem>>
      %dma_start3A_166 = arith.constant 0 : i32
      %dma_start3A_167 = arith.constant 0 : i32
      %dma_start3A_168 = tpu.memref_slice %arg5[%dma_start3A_166, %dma_start3A_167] : memref<100000x128xf32, #tpu.memory_space<hbm>> -> memref<100000x128xf32, #tpu.memory_space<hbm>>
      tpu.enqueue_indirect_dma source(%dma_start3A_168 : memref<100000x128xf32, #tpu.memory_space<hbm>>) target(%arg18 : memref<224x128xf32, #tpu.memory_space<vmem>>) offsets(%dma_start3A_165 : memref<224xi32, #tpu.memory_space<vmem>>) semaphore(%arg20 : memref<!tpu.dma_semaphore, #tpu.memory_space<semaphore_mem>>)
      %scan3A_169 = arith.constant 0 : i32
      scf.yield %scan3A_169 : i32
    }
    %scan3A_53 = arith.constant 2 : i32
    %dma_wait3A_54 = arith.constant 0 : i32
    %dma_wait3A_55 = arith.constant 0 : i32
    %dma_wait3A_56 = tpu.memref_slice %arg5[%dma_wait3A_54, %dma_wait3A_55] : memref<100000x128xf32, #tpu.memory_space<hbm>> -> memref<224x128xf32, #tpu.memory_space<hbm>>
    %dma_wait3A_57 = arith.constant 0 : i32
    %dma_wait3A_58 = arith.constant 0 : i32
    %dma_wait3A_59 = tpu.memref_slice %arg5[%dma_wait3A_57, %dma_wait3A_58] : memref<100000x128xf32, #tpu.memory_space<hbm>> -> memref<224x128xf32, #tpu.memory_space<hbm>>
    tpu.wait_dma2 semaphore(%arg19 : memref<!tpu.dma_semaphore, #tpu.memory_space<semaphore_mem>>) src(%dma_wait3A_59 : memref<224x128xf32, #tpu.memory_space<hbm>>) dst(%arg17 : memref<224x128xf32, #tpu.memory_space<vmem>>)
    %add3A_60 = arith.constant 896 : i32
    %add3A_61 = arith.addi %mul3A_6, %add3A_60 : i32
    "tpu.region"() ({
      %run_scoped3A = tpu.sem_alloc : memref<!tpu.dma_semaphore, #tpu.memory_space<semaphore_mem>>
      %dma_start3A_129 = arith.constant 0 : i32
      %dma_start3A_130 = tpu.memref_slice %arg8[%add3A_61, %dma_start3A_129] : memref<50176x128xf32, #tpu.memory_space<hbm>> -> memref<224x128xf32, #tpu.memory_space<hbm>>
      %dma_start3A_131 = arith.constant 0 : i32
      %dma_start3A_132 = tpu.memref_slice %arg8[%add3A_61, %dma_start3A_131] : memref<50176x128xf32, #tpu.memory_space<hbm>> -> memref<224x128xf32, #tpu.memory_space<hbm>>
      tpu.enqueue_dma source(%arg17 : memref<224x128xf32, #tpu.memory_space<vmem>>) target(%dma_start3A_132 : memref<224x128xf32, #tpu.memory_space<hbm>>) target_semaphore(%run_scoped3A : memref<!tpu.dma_semaphore, #tpu.memory_space<semaphore_mem>>)
      %dma_wait3A_133 = arith.constant 0 : i32
      %dma_wait3A_134 = tpu.memref_slice %arg8[%add3A_61, %dma_wait3A_133] : memref<50176x128xf32, #tpu.memory_space<hbm>> -> memref<224x128xf32, #tpu.memory_space<hbm>>
      %dma_wait3A_135 = arith.constant 0 : i32
      %dma_wait3A_136 = tpu.memref_slice %arg8[%add3A_61, %dma_wait3A_135] : memref<50176x128xf32, #tpu.memory_space<hbm>> -> memref<224x128xf32, #tpu.memory_space<hbm>>
      tpu.wait_dma2 semaphore(%run_scoped3A : memref<!tpu.dma_semaphore, #tpu.memory_space<semaphore_mem>>) src(%arg17 : memref<224x128xf32, #tpu.memory_space<vmem>>) dst(%dma_wait3A_136 : memref<224x128xf32, #tpu.memory_space<hbm>>)
      tpu.yield
    }) : () -> ()
    %dma_start3A_62 = arith.constant 1344 : i32
    %dma_start3A_63 = tpu.memref_slice %arg13[%dma_start3A_62] : memref<1568xi32, #tpu.memory_space<vmem>> -> memref<224xi32, #tpu.memory_space<vmem>>
    %dma_start3A_64 = arith.constant 0 : i32
    %dma_start3A_65 = arith.constant 0 : i32
    %dma_start3A_66 = tpu.memref_slice %arg5[%dma_start3A_64, %dma_start3A_65] : memref<100000x128xf32, #tpu.memory_space<hbm>> -> memref<100000x128xf32, #tpu.memory_space<hbm>>
    tpu.enqueue_indirect_dma source(%dma_start3A_66 : memref<100000x128xf32, #tpu.memory_space<hbm>>) target(%arg17 : memref<224x128xf32, #tpu.memory_space<vmem>>) offsets(%dma_start3A_63 : memref<224xi32, #tpu.memory_space<vmem>>) semaphore(%arg19 : memref<!tpu.dma_semaphore, #tpu.memory_space<semaphore_mem>>)
    %dma_wait3A_67 = arith.constant 0 : i32
    %dma_wait3A_68 = arith.constant 0 : i32
    %dma_wait3A_69 = tpu.memref_slice %arg5[%dma_wait3A_67, %dma_wait3A_68] : memref<100000x128xf32, #tpu.memory_space<hbm>> -> memref<224x128xf32, #tpu.memory_space<hbm>>
    %dma_wait3A_70 = arith.constant 0 : i32
    %dma_wait3A_71 = arith.constant 0 : i32
    %dma_wait3A_72 = tpu.memref_slice %arg5[%dma_wait3A_70, %dma_wait3A_71] : memref<100000x128xf32, #tpu.memory_space<hbm>> -> memref<224x128xf32, #tpu.memory_space<hbm>>
    tpu.wait_dma2 semaphore(%arg20 : memref<!tpu.dma_semaphore, #tpu.memory_space<semaphore_mem>>) src(%dma_wait3A_72 : memref<224x128xf32, #tpu.memory_space<hbm>>) dst(%arg18 : memref<224x128xf32, #tpu.memory_space<vmem>>)
    %add3A_73 = arith.constant 1120 : i32
    %add3A_74 = arith.addi %mul3A_6, %add3A_73 : i32
    "tpu.region"() ({
      %run_scoped3A = tpu.sem_alloc : memref<!tpu.dma_semaphore, #tpu.memory_space<semaphore_mem>>
      %dma_start3A_129 = arith.constant 0 : i32
      %dma_start3A_130 = tpu.memref_slice %arg8[%add3A_74, %dma_start3A_129] : memref<50176x128xf32, #tpu.memory_space<hbm>> -> memref<224x128xf32, #tpu.memory_space<hbm>>
      %dma_start3A_131 = arith.constant 0 : i32
      %dma_start3A_132 = tpu.memref_slice %arg8[%add3A_74, %dma_start3A_131] : memref<50176x128xf32, #tpu.memory_space<hbm>> -> memref<224x128xf32, #tpu.memory_space<hbm>>
      tpu.enqueue_dma source(%arg18 : memref<224x128xf32, #tpu.memory_space<vmem>>) target(%dma_start3A_132 : memref<224x128xf32, #tpu.memory_space<hbm>>) target_semaphore(%run_scoped3A : memref<!tpu.dma_semaphore, #tpu.memory_space<semaphore_mem>>)
      %dma_wait3A_133 = arith.constant 0 : i32
      %dma_wait3A_134 = tpu.memref_slice %arg8[%add3A_74, %dma_wait3A_133] : memref<50176x128xf32, #tpu.memory_space<hbm>> -> memref<224x128xf32, #tpu.memory_space<hbm>>
      %dma_wait3A_135 = arith.constant 0 : i32
      %dma_wait3A_136 = tpu.memref_slice %arg8[%add3A_74, %dma_wait3A_135] : memref<50176x128xf32, #tpu.memory_space<hbm>> -> memref<224x128xf32, #tpu.memory_space<hbm>>
      tpu.wait_dma2 semaphore(%run_scoped3A : memref<!tpu.dma_semaphore, #tpu.memory_space<semaphore_mem>>) src(%arg18 : memref<224x128xf32, #tpu.memory_space<vmem>>) dst(%dma_wait3A_136 : memref<224x128xf32, #tpu.memory_space<hbm>>)
      tpu.yield
    }) : () -> ()
    %dma_wait3A_75 = arith.constant 0 : i32
    %dma_wait3A_76 = arith.constant 0 : i32
    %dma_wait3A_77 = tpu.memref_slice %arg5[%dma_wait3A_75, %dma_wait3A_76] : memref<100000x128xf32, #tpu.memory_space<hbm>> -> memref<224x128xf32, #tpu.memory_space<hbm>>
    %dma_wait3A_78 = arith.constant 0 : i32
    %dma_wait3A_79 = arith.constant 0 : i32
    %dma_wait3A_80 = tpu.memref_slice %arg5[%dma_wait3A_78, %dma_wait3A_79] : memref<100000x128xf32, #tpu.memory_space<hbm>> -> memref<224x128xf32, #tpu.memory_space<hbm>>
    tpu.wait_dma2 semaphore(%arg19 : memref<!tpu.dma_semaphore, #tpu.memory_space<semaphore_mem>>) src(%dma_wait3A_80 : memref<224x128xf32, #tpu.memory_space<hbm>>) dst(%arg17 : memref<224x128xf32, #tpu.memory_space<vmem>>)
    %add3A_81 = arith.constant 1344 : i32
    %add3A_82 = arith.addi %mul3A_6, %add3A_81 : i32
    "tpu.region"() ({
      %run_scoped3A = tpu.sem_alloc : memref<!tpu.dma_semaphore, #tpu.memory_space<semaphore_mem>>
      %dma_start3A_129 = arith.constant 0 : i32
      %dma_start3A_130 = tpu.memref_slice %arg8[%add3A_82, %dma_start3A_129] : memref<50176x128xf32, #tpu.memory_space<hbm>> -> memref<224x128xf32, #tpu.memory_space<hbm>>
      %dma_start3A_131 = arith.constant 0 : i32
      %dma_start3A_132 = tpu.memref_slice %arg8[%add3A_82, %dma_start3A_131] : memref<50176x128xf32, #tpu.memory_space<hbm>> -> memref<224x128xf32, #tpu.memory_space<hbm>>
      tpu.enqueue_dma source(%arg17 : memref<224x128xf32, #tpu.memory_space<vmem>>) target(%dma_start3A_132 : memref<224x128xf32, #tpu.memory_space<hbm>>) target_semaphore(%run_scoped3A : memref<!tpu.dma_semaphore, #tpu.memory_space<semaphore_mem>>)
      %dma_wait3A_133 = arith.constant 0 : i32
      %dma_wait3A_134 = tpu.memref_slice %arg8[%add3A_82, %dma_wait3A_133] : memref<50176x128xf32, #tpu.memory_space<hbm>> -> memref<224x128xf32, #tpu.memory_space<hbm>>
      %dma_wait3A_135 = arith.constant 0 : i32
      %dma_wait3A_136 = tpu.memref_slice %arg8[%add3A_82, %dma_wait3A_135] : memref<50176x128xf32, #tpu.memory_space<hbm>> -> memref<224x128xf32, #tpu.memory_space<hbm>>
      tpu.wait_dma2 semaphore(%run_scoped3A : memref<!tpu.dma_semaphore, #tpu.memory_space<semaphore_mem>>) src(%arg17 : memref<224x128xf32, #tpu.memory_space<vmem>>) dst(%dma_wait3A_136 : memref<224x128xf32, #tpu.memory_space<hbm>>)
      tpu.yield
    }) : () -> ()
    %dma_start3A_83 = arith.constant 0 : i32
    %dma_start3A_84 = tpu.memref_slice %arg14[%dma_start3A_83] : memref<1568xi32, #tpu.memory_space<vmem>> -> memref<224xi32, #tpu.memory_space<vmem>>
    %dma_start3A_85 = arith.constant 0 : i32
    %dma_start3A_86 = arith.constant 0 : i32
    %dma_start3A_87 = tpu.memref_slice %arg5[%dma_start3A_85, %dma_start3A_86] : memref<100000x128xf32, #tpu.memory_space<hbm>> -> memref<100000x128xf32, #tpu.memory_space<hbm>>
    tpu.enqueue_indirect_dma source(%dma_start3A_87 : memref<100000x128xf32, #tpu.memory_space<hbm>>) target(%arg17 : memref<224x128xf32, #tpu.memory_space<vmem>>) offsets(%dma_start3A_84 : memref<224xi32, #tpu.memory_space<vmem>>) semaphore(%arg19 : memref<!tpu.dma_semaphore, #tpu.memory_space<semaphore_mem>>)
    %dma_start3A_88 = arith.constant 224 : i32
    %dma_start3A_89 = tpu.memref_slice %arg14[%dma_start3A_88] : memref<1568xi32, #tpu.memory_space<vmem>> -> memref<224xi32, #tpu.memory_space<vmem>>
    %dma_start3A_90 = arith.constant 0 : i32
    %dma_start3A_91 = arith.constant 0 : i32
    %dma_start3A_92 = tpu.memref_slice %arg5[%dma_start3A_90, %dma_start3A_91] : memref<100000x128xf32, #tpu.memory_space<hbm>> -> memref<100000x128xf32, #tpu.memory_space<hbm>>
    tpu.enqueue_indirect_dma source(%dma_start3A_92 : memref<100000x128xf32, #tpu.memory_space<hbm>>) target(%arg18 : memref<224x128xf32, #tpu.memory_space<vmem>>) offsets(%dma_start3A_89 : memref<224xi32, #tpu.memory_space<vmem>>) semaphore(%arg20 : memref<!tpu.dma_semaphore, #tpu.memory_space<semaphore_mem>>)
    %scan3A_93 = arith.constant 0 : i32
    %scan3A_94 = arith.constant 0 : i32
    %scan3A_95 = arith.constant 2 : i32
    %scan3A_96 = arith.addi %scan3A_94, %scan3A_95 : i32
    %scan3A_97 = arith.constant 1 : i32
    %scan3A_98 = scf.for %scan3A_129 = %scan3A_94 to %scan3A_96 step %scan3A_97 iter_args(%scan3A_130 = %scan3A_93) -> (i32)  : i32 {
      %mul3A_131 = arith.constant 2 : i32
      %mul3A_132 = arith.muli %mul3A_131, %scan3A_129 : i32
      %dma_wait3A_133 = arith.constant 0 : i32
      %dma_wait3A_134 = arith.constant 0 : i32
      %dma_wait3A_135 = tpu.memref_slice %arg5[%dma_wait3A_133, %dma_wait3A_134] : memref<100000x128xf32, #tpu.memory_space<hbm>> -> memref<224x128xf32, #tpu.memory_space<hbm>>
      %dma_wait3A_136 = arith.constant 0 : i32
      %dma_wait3A_137 = arith.constant 0 : i32
      %dma_wait3A_138 = tpu.memref_slice %arg5[%dma_wait3A_136, %dma_wait3A_137] : memref<100000x128xf32, #tpu.memory_space<hbm>> -> memref<224x128xf32, #tpu.memory_space<hbm>>
      tpu.wait_dma2 semaphore(%arg19 : memref<!tpu.dma_semaphore, #tpu.memory_space<semaphore_mem>>) src(%dma_wait3A_138 : memref<224x128xf32, #tpu.memory_space<hbm>>) dst(%arg17 : memref<224x128xf32, #tpu.memory_space<vmem>>)
      %mul3A_139 = arith.constant 224 : i32
      %mul3A_140 = arith.muli %mul3A_132, %mul3A_139 : i32
      %add3A_141 = arith.addi %mul3A_6, %mul3A_140 : i32
      "tpu.region"() ({
        %run_scoped3A = tpu.sem_alloc : memref<!tpu.dma_semaphore, #tpu.memory_space<semaphore_mem>>
        %dma_start3A_170 = arith.constant 0 : i32
        %dma_start3A_171 = tpu.memref_slice %arg9[%add3A_141, %dma_start3A_170] : memref<50176x128xf32, #tpu.memory_space<hbm>> -> memref<224x128xf32, #tpu.memory_space<hbm>>
        %dma_start3A_172 = arith.constant 0 : i32
        %dma_start3A_173 = tpu.memref_slice %arg9[%add3A_141, %dma_start3A_172] : memref<50176x128xf32, #tpu.memory_space<hbm>> -> memref<224x128xf32, #tpu.memory_space<hbm>>
        tpu.enqueue_dma source(%arg17 : memref<224x128xf32, #tpu.memory_space<vmem>>) target(%dma_start3A_173 : memref<224x128xf32, #tpu.memory_space<hbm>>) target_semaphore(%run_scoped3A : memref<!tpu.dma_semaphore, #tpu.memory_space<semaphore_mem>>)
        %dma_wait3A_174 = arith.constant 0 : i32
        %dma_wait3A_175 = tpu.memref_slice %arg9[%add3A_141, %dma_wait3A_174] : memref<50176x128xf32, #tpu.memory_space<hbm>> -> memref<224x128xf32, #tpu.memory_space<hbm>>
        %dma_wait3A_176 = arith.constant 0 : i32
        %dma_wait3A_177 = tpu.memref_slice %arg9[%add3A_141, %dma_wait3A_176] : memref<50176x128xf32, #tpu.memory_space<hbm>> -> memref<224x128xf32, #tpu.memory_space<hbm>>
        tpu.wait_dma2 semaphore(%run_scoped3A : memref<!tpu.dma_semaphore, #tpu.memory_space<semaphore_mem>>) src(%arg17 : memref<224x128xf32, #tpu.memory_space<vmem>>) dst(%dma_wait3A_177 : memref<224x128xf32, #tpu.memory_space<hbm>>)
        tpu.yield
      }) : () -> ()
      %add3A_142 = arith.constant 2 : i32
      %add3A_143 = arith.addi %mul3A_132, %add3A_142 : i32
      %mul3A_144 = arith.constant 224 : i32
      %mul3A_145 = arith.muli %add3A_143, %mul3A_144 : i32
      %dma_start3A_146 = tpu.memref_slice %arg14[%mul3A_145] : memref<1568xi32, #tpu.memory_space<vmem>> -> memref<224xi32, #tpu.memory_space<vmem>>
      %dma_start3A_147 = arith.constant 0 : i32
      %dma_start3A_148 = arith.constant 0 : i32
      %dma_start3A_149 = tpu.memref_slice %arg5[%dma_start3A_147, %dma_start3A_148] : memref<100000x128xf32, #tpu.memory_space<hbm>> -> memref<100000x128xf32, #tpu.memory_space<hbm>>
      tpu.enqueue_indirect_dma source(%dma_start3A_149 : memref<100000x128xf32, #tpu.memory_space<hbm>>) target(%arg17 : memref<224x128xf32, #tpu.memory_space<vmem>>) offsets(%dma_start3A_146 : memref<224xi32, #tpu.memory_space<vmem>>) semaphore(%arg19 : memref<!tpu.dma_semaphore, #tpu.memory_space<semaphore_mem>>)
      %dma_wait3A_150 = arith.constant 0 : i32
      %dma_wait3A_151 = arith.constant 0 : i32
      %dma_wait3A_152 = tpu.memref_slice %arg5[%dma_wait3A_150, %dma_wait3A_151] : memref<100000x128xf32, #tpu.memory_space<hbm>> -> memref<224x128xf32, #tpu.memory_space<hbm>>
      %dma_wait3A_153 = arith.constant 0 : i32
      %dma_wait3A_154 = arith.constant 0 : i32
      %dma_wait3A_155 = tpu.memref_slice %arg5[%dma_wait3A_153, %dma_wait3A_154] : memref<100000x128xf32, #tpu.memory_space<hbm>> -> memref<224x128xf32, #tpu.memory_space<hbm>>
      tpu.wait_dma2 semaphore(%arg20 : memref<!tpu.dma_semaphore, #tpu.memory_space<semaphore_mem>>) src(%dma_wait3A_155 : memref<224x128xf32, #tpu.memory_space<hbm>>) dst(%arg18 : memref<224x128xf32, #tpu.memory_space<vmem>>)
      %add3A_156 = arith.constant 1 : i32
      %add3A_157 = arith.addi %mul3A_132, %add3A_156 : i32
      %mul3A_158 = arith.constant 224 : i32
      %mul3A_159 = arith.muli %add3A_157, %mul3A_158 : i32
      %add3A_160 = arith.addi %mul3A_6, %mul3A_159 : i32
      "tpu.region"() ({
        %run_scoped3A = tpu.sem_alloc : memref<!tpu.dma_semaphore, #tpu.memory_space<semaphore_mem>>
        %dma_start3A_170 = arith.constant 0 : i32
        %dma_start3A_171 = tpu.memref_slice %arg9[%add3A_160, %dma_start3A_170] : memref<50176x128xf32, #tpu.memory_space<hbm>> -> memref<224x128xf32, #tpu.memory_space<hbm>>
        %dma_start3A_172 = arith.constant 0 : i32
        %dma_start3A_173 = tpu.memref_slice %arg9[%add3A_160, %dma_start3A_172] : memref<50176x128xf32, #tpu.memory_space<hbm>> -> memref<224x128xf32, #tpu.memory_space<hbm>>
        tpu.enqueue_dma source(%arg18 : memref<224x128xf32, #tpu.memory_space<vmem>>) target(%dma_start3A_173 : memref<224x128xf32, #tpu.memory_space<hbm>>) target_semaphore(%run_scoped3A : memref<!tpu.dma_semaphore, #tpu.memory_space<semaphore_mem>>)
        %dma_wait3A_174 = arith.constant 0 : i32
        %dma_wait3A_175 = tpu.memref_slice %arg9[%add3A_160, %dma_wait3A_174] : memref<50176x128xf32, #tpu.memory_space<hbm>> -> memref<224x128xf32, #tpu.memory_space<hbm>>
        %dma_wait3A_176 = arith.constant 0 : i32
        %dma_wait3A_177 = tpu.memref_slice %arg9[%add3A_160, %dma_wait3A_176] : memref<50176x128xf32, #tpu.memory_space<hbm>> -> memref<224x128xf32, #tpu.memory_space<hbm>>
        tpu.wait_dma2 semaphore(%run_scoped3A : memref<!tpu.dma_semaphore, #tpu.memory_space<semaphore_mem>>) src(%arg18 : memref<224x128xf32, #tpu.memory_space<vmem>>) dst(%dma_wait3A_177 : memref<224x128xf32, #tpu.memory_space<hbm>>)
        tpu.yield
      }) : () -> ()
      %add3A_161 = arith.constant 3 : i32
      %add3A_162 = arith.addi %mul3A_132, %add3A_161 : i32
      %mul3A_163 = arith.constant 224 : i32
      %mul3A_164 = arith.muli %add3A_162, %mul3A_163 : i32
      %dma_start3A_165 = tpu.memref_slice %arg14[%mul3A_164] : memref<1568xi32, #tpu.memory_space<vmem>> -> memref<224xi32, #tpu.memory_space<vmem>>
      %dma_start3A_166 = arith.constant 0 : i32
      %dma_start3A_167 = arith.constant 0 : i32
      %dma_start3A_168 = tpu.memref_slice %arg5[%dma_start3A_166, %dma_start3A_167] : memref<100000x128xf32, #tpu.memory_space<hbm>> -> memref<100000x128xf32, #tpu.memory_space<hbm>>
      tpu.enqueue_indirect_dma source(%dma_start3A_168 : memref<100000x128xf32, #tpu.memory_space<hbm>>) target(%arg18 : memref<224x128xf32, #tpu.memory_space<vmem>>) offsets(%dma_start3A_165 : memref<224xi32, #tpu.memory_space<vmem>>) semaphore(%arg20 : memref<!tpu.dma_semaphore, #tpu.memory_space<semaphore_mem>>)
      %scan3A_169 = arith.constant 0 : i32
      scf.yield %scan3A_169 : i32
    }
    %scan3A_99 = arith.constant 2 : i32
    %dma_wait3A_100 = arith.constant 0 : i32
    %dma_wait3A_101 = arith.constant 0 : i32
    %dma_wait3A_102 = tpu.memref_slice %arg5[%dma_wait3A_100, %dma_wait3A_101] : memref<100000x128xf32, #tpu.memory_space<hbm>> -> memref<224x128xf32, #tpu.memory_space<hbm>>
    %dma_wait3A_103 = arith.constant 0 : i32
    %dma_wait3A_104 = arith.constant 0 : i32
    %dma_wait3A_105 = tpu.memref_slice %arg5[%dma_wait3A_103, %dma_wait3A_104] : memref<100000x128xf32, #tpu.memory_space<hbm>> -> memref<224x128xf32, #tpu.memory_space<hbm>>
    tpu.wait_dma2 semaphore(%arg19 : memref<!tpu.dma_semaphore, #tpu.memory_space<semaphore_mem>>) src(%dma_wait3A_105 : memref<224x128xf32, #tpu.memory_space<hbm>>) dst(%arg17 : memref<224x128xf32, #tpu.memory_space<vmem>>)
    %add3A_106 = arith.constant 896 : i32
    %add3A_107 = arith.addi %mul3A_6, %add3A_106 : i32
    "tpu.region"() ({
      %run_scoped3A = tpu.sem_alloc : memref<!tpu.dma_semaphore, #tpu.memory_space<semaphore_mem>>
      %dma_start3A_129 = arith.constant 0 : i32
      %dma_start3A_130 = tpu.memref_slice %arg9[%add3A_107, %dma_start3A_129] : memref<50176x128xf32, #tpu.memory_space<hbm>> -> memref<224x128xf32, #tpu.memory_space<hbm>>
      %dma_start3A_131 = arith.constant 0 : i32
      %dma_start3A_132 = tpu.memref_slice %arg9[%add3A_107, %dma_start3A_131] : memref<50176x128xf32, #tpu.memory_space<hbm>> -> memref<224x128xf32, #tpu.memory_space<hbm>>
      tpu.enqueue_dma source(%arg17 : memref<224x128xf32, #tpu.memory_space<vmem>>) target(%dma_start3A_132 : memref<224x128xf32, #tpu.memory_space<hbm>>) target_semaphore(%run_scoped3A : memref<!tpu.dma_semaphore, #tpu.memory_space<semaphore_mem>>)
      %dma_wait3A_133 = arith.constant 0 : i32
      %dma_wait3A_134 = tpu.memref_slice %arg9[%add3A_107, %dma_wait3A_133] : memref<50176x128xf32, #tpu.memory_space<hbm>> -> memref<224x128xf32, #tpu.memory_space<hbm>>
      %dma_wait3A_135 = arith.constant 0 : i32
      %dma_wait3A_136 = tpu.memref_slice %arg9[%add3A_107, %dma_wait3A_135] : memref<50176x128xf32, #tpu.memory_space<hbm>> -> memref<224x128xf32, #tpu.memory_space<hbm>>
      tpu.wait_dma2 semaphore(%run_scoped3A : memref<!tpu.dma_semaphore, #tpu.memory_space<semaphore_mem>>) src(%arg17 : memref<224x128xf32, #tpu.memory_space<vmem>>) dst(%dma_wait3A_136 : memref<224x128xf32, #tpu.memory_space<hbm>>)
      tpu.yield
    }) : () -> ()
    %dma_start3A_108 = arith.constant 1344 : i32
    %dma_start3A_109 = tpu.memref_slice %arg14[%dma_start3A_108] : memref<1568xi32, #tpu.memory_space<vmem>> -> memref<224xi32, #tpu.memory_space<vmem>>
    %dma_start3A_110 = arith.constant 0 : i32
    %dma_start3A_111 = arith.constant 0 : i32
    %dma_start3A_112 = tpu.memref_slice %arg5[%dma_start3A_110, %dma_start3A_111] : memref<100000x128xf32, #tpu.memory_space<hbm>> -> memref<100000x128xf32, #tpu.memory_space<hbm>>
    tpu.enqueue_indirect_dma source(%dma_start3A_112 : memref<100000x128xf32, #tpu.memory_space<hbm>>) target(%arg17 : memref<224x128xf32, #tpu.memory_space<vmem>>) offsets(%dma_start3A_109 : memref<224xi32, #tpu.memory_space<vmem>>) semaphore(%arg19 : memref<!tpu.dma_semaphore, #tpu.memory_space<semaphore_mem>>)
    %dma_wait3A_113 = arith.constant 0 : i32
    %dma_wait3A_114 = arith.constant 0 : i32
    %dma_wait3A_115 = tpu.memref_slice %arg5[%dma_wait3A_113, %dma_wait3A_114] : memref<100000x128xf32, #tpu.memory_space<hbm>> -> memref<224x128xf32, #tpu.memory_space<hbm>>
    %dma_wait3A_116 = arith.constant 0 : i32
    %dma_wait3A_117 = arith.constant 0 : i32
    %dma_wait3A_118 = tpu.memref_slice %arg5[%dma_wait3A_116, %dma_wait3A_117] : memref<100000x128xf32, #tpu.memory_space<hbm>> -> memref<224x128xf32, #tpu.memory_space<hbm>>
    tpu.wait_dma2 semaphore(%arg20 : memref<!tpu.dma_semaphore, #tpu.memory_space<semaphore_mem>>) src(%dma_wait3A_118 : memref<224x128xf32, #tpu.memory_space<hbm>>) dst(%arg18 : memref<224x128xf32, #tpu.memory_space<vmem>>)
    %add3A_119 = arith.constant 1120 : i32
    %add3A_120 = arith.addi %mul3A_6, %add3A_119 : i32
    "tpu.region"() ({
      %run_scoped3A = tpu.sem_alloc : memref<!tpu.dma_semaphore, #tpu.memory_space<semaphore_mem>>
      %dma_start3A_129 = arith.constant 0 : i32
      %dma_start3A_130 = tpu.memref_slice %arg9[%add3A_120, %dma_start3A_129] : memref<50176x128xf32, #tpu.memory_space<hbm>> -> memref<224x128xf32, #tpu.memory_space<hbm>>
      %dma_start3A_131 = arith.constant 0 : i32
      %dma_start3A_132 = tpu.memref_slice %arg9[%add3A_120, %dma_start3A_131] : memref<50176x128xf32, #tpu.memory_space<hbm>> -> memref<224x128xf32, #tpu.memory_space<hbm>>
      tpu.enqueue_dma source(%arg18 : memref<224x128xf32, #tpu.memory_space<vmem>>) target(%dma_start3A_132 : memref<224x128xf32, #tpu.memory_space<hbm>>) target_semaphore(%run_scoped3A : memref<!tpu.dma_semaphore, #tpu.memory_space<semaphore_mem>>)
      %dma_wait3A_133 = arith.constant 0 : i32
      %dma_wait3A_134 = tpu.memref_slice %arg9[%add3A_120, %dma_wait3A_133] : memref<50176x128xf32, #tpu.memory_space<hbm>> -> memref<224x128xf32, #tpu.memory_space<hbm>>
      %dma_wait3A_135 = arith.constant 0 : i32
      %dma_wait3A_136 = tpu.memref_slice %arg9[%add3A_120, %dma_wait3A_135] : memref<50176x128xf32, #tpu.memory_space<hbm>> -> memref<224x128xf32, #tpu.memory_space<hbm>>
      tpu.wait_dma2 semaphore(%run_scoped3A : memref<!tpu.dma_semaphore, #tpu.memory_space<semaphore_mem>>) src(%arg18 : memref<224x128xf32, #tpu.memory_space<vmem>>) dst(%dma_wait3A_136 : memref<224x128xf32, #tpu.memory_space<hbm>>)
      tpu.yield
    }) : () -> ()
    %dma_wait3A_121 = arith.constant 0 : i32
    %dma_wait3A_122 = arith.constant 0 : i32
    %dma_wait3A_123 = tpu.memref_slice %arg5[%dma_wait3A_121, %dma_wait3A_122] : memref<100000x128xf32, #tpu.memory_space<hbm>> -> memref<224x128xf32, #tpu.memory_space<hbm>>
    %dma_wait3A_124 = arith.constant 0 : i32
    %dma_wait3A_125 = arith.constant 0 : i32
    %dma_wait3A_126 = tpu.memref_slice %arg5[%dma_wait3A_124, %dma_wait3A_125] : memref<100000x128xf32, #tpu.memory_space<hbm>> -> memref<224x128xf32, #tpu.memory_space<hbm>>
    tpu.wait_dma2 semaphore(%arg19 : memref<!tpu.dma_semaphore, #tpu.memory_space<semaphore_mem>>) src(%dma_wait3A_126 : memref<224x128xf32, #tpu.memory_space<hbm>>) dst(%arg17 : memref<224x128xf32, #tpu.memory_space<vmem>>)
    %add3A_127 = arith.constant 1344 : i32
    %add3A_128 = arith.addi %mul3A_6, %add3A_127 : i32
    "tpu.region"() ({
      %run_scoped3A = tpu.sem_alloc : memref<!tpu.dma_semaphore, #tpu.memory_space<semaphore_mem>>
      %dma_start3A_129 = arith.constant 0 : i32
      %dma_start3A_130 = tpu.memref_slice %arg9[%add3A_128, %dma_start3A_129] : memref<50176x128xf32, #tpu.memory_space<hbm>> -> memref<224x128xf32, #tpu.memory_space<hbm>>
      %dma_start3A_131 = arith.constant 0 : i32
      %dma_start3A_132 = tpu.memref_slice %arg9[%add3A_128, %dma_start3A_131] : memref<50176x128xf32, #tpu.memory_space<hbm>> -> memref<224x128xf32, #tpu.memory_space<hbm>>
      tpu.enqueue_dma source(%arg17 : memref<224x128xf32, #tpu.memory_space<vmem>>) target(%dma_start3A_132 : memref<224x128xf32, #tpu.memory_space<hbm>>) target_semaphore(%run_scoped3A : memref<!tpu.dma_semaphore, #tpu.memory_space<semaphore_mem>>)
      %dma_wait3A_133 = arith.constant 0 : i32
      %dma_wait3A_134 = tpu.memref_slice %arg9[%add3A_128, %dma_wait3A_133] : memref<50176x128xf32, #tpu.memory_space<hbm>> -> memref<224x128xf32, #tpu.memory_space<hbm>>
      %dma_wait3A_135 = arith.constant 0 : i32
      %dma_wait3A_136 = tpu.memref_slice %arg9[%add3A_128, %dma_wait3A_135] : memref<50176x128xf32, #tpu.memory_space<hbm>> -> memref<224x128xf32, #tpu.memory_space<hbm>>
      tpu.wait_dma2 semaphore(%run_scoped3A : memref<!tpu.dma_semaphore, #tpu.memory_space<semaphore_mem>>) src(%arg17 : memref<224x128xf32, #tpu.memory_space<vmem>>) dst(%dma_wait3A_136 : memref<224x128xf32, #tpu.memory_space<hbm>>)
      tpu.yield
    }) : () -> ()
    return
  }
}

#map = affine_map<(d0, d1) -> (0, 0)>
#map1 = affine_map<(d0, d1) -> (0)>
module attributes {stable_mosaic.version = 14 : i64} {
  func.func @a2b_chunk1(%arg0: i32, %arg1: i32, %arg2: memref<32x100352xi32, #tpu.memory_space<hbm>>, %arg3: memref<500224xi32, #tpu.memory_space<hbm>>, %arg4: memref<500224xi32, #tpu.memory_space<hbm>>, %arg5: memref<100000x128xf32, #tpu.memory_space<hbm>>, %arg6: memref<100000x8xf32, #tpu.memory_space<hbm>>, %arg7: memref<1024x8xf32, #tpu.memory_space<hbm>>, %arg8: memref<50176x128xf32, #tpu.memory_space<hbm>>, %arg9: memref<50176x128xf32, #tpu.memory_space<hbm>>, %arg10: memref<50176x128xf32, #tpu.memory_space<hbm>>, %arg11: memref<32x1568xi32, #tpu.memory_space<vmem>>, %arg12: memref<1568xi32, #tpu.memory_space<vmem>>, %arg13: memref<1568xi32, #tpu.memory_space<vmem>>, %arg14: memref<1568xi32, #tpu.memory_space<vmem>>, %arg15: memref<1568xi32, #tpu.memory_space<vmem>>, %arg16: memref<1568x8xf32, #tpu.memory_space<vmem>>, %arg17: memref<224x128xf32, #tpu.memory_space<vmem>>, %arg18: memref<224x128xf32, #tpu.memory_space<vmem>>, %arg19: memref<!tpu.dma_semaphore, #tpu.memory_space<semaphore_mem>>, %arg20: memref<!tpu.dma_semaphore, #tpu.memory_space<semaphore_mem>>, %arg21: memref<!tpu.dma_semaphore, #tpu.memory_space<semaphore_mem>>) attributes {dimension_semantics = [#tpu.dimension_semantics<core_parallel>, #tpu.dimension_semantics<subcore_parallel>], iteration_bounds = array<i64: 2, 16>, scalar_prefetch = 0 : i64, scratch_operands = 11 : i64, tpu.core_type = #tpu.core_type<sc_vector_subcore>, window_params = [{transform_indices = #map}, {transform_indices = #map1}, {transform_indices = #map1}, {transform_indices = #map}, {transform_indices = #map}, {transform_indices = #map}, {transform_indices = #map}, {transform_indices = #map}, {transform_indices = #map}]} {
    %mul3A = arith.constant 2 : i32
    %mul3A_0 = arith.muli %arg1, %mul3A : i32
    %add3A = arith.addi %mul3A_0, %arg0 : i32
    %mul3A_1 = arith.constant 1568 : i32
    %mul3A_2 = arith.muli %add3A, %mul3A_1 : i32
    %add3A_3 = arith.constant 50176 : i32
    %add3A_4 = arith.addi %add3A_3, %mul3A_2 : i32
    %mul3A_5 = arith.constant 1568 : i32
    %mul3A_6 = arith.muli %add3A, %mul3A_5 : i32
    "tpu.region"() ({
      %run_scoped3A = tpu.sem_alloc : memref<!tpu.dma_semaphore, #tpu.memory_space<semaphore_mem>>
      %dma_start3A_129 = arith.constant 0 : i32
      %dma_start3A_130 = tpu.memref_slice %arg2[%dma_start3A_129, %add3A_4] : memref<32x100352xi32, #tpu.memory_space<hbm>> -> memref<32x1568xi32, #tpu.memory_space<hbm>>
      %dma_start3A_131 = arith.constant 0 : i32
      %dma_start3A_132 = tpu.memref_slice %arg2[%dma_start3A_131, %add3A_4] : memref<32x100352xi32, #tpu.memory_space<hbm>> -> memref<32x1568xi32, #tpu.memory_space<hbm>>
      tpu.enqueue_dma source(%dma_start3A_132 : memref<32x1568xi32, #tpu.memory_space<hbm>>) target(%arg11 : memref<32x1568xi32, #tpu.memory_space<vmem>>) target_semaphore(%run_scoped3A : memref<!tpu.dma_semaphore, #tpu.memory_space<semaphore_mem>>)
      %dma_wait3A_133 = arith.constant 0 : i32
      %dma_wait3A_134 = tpu.memref_slice %arg2[%dma_wait3A_133, %add3A_4] : memref<32x100352xi32, #tpu.memory_space<hbm>> -> memref<32x1568xi32, #tpu.memory_space<hbm>>
      %dma_wait3A_135 = arith.constant 0 : i32
      %dma_wait3A_136 = tpu.memref_slice %arg2[%dma_wait3A_135, %add3A_4] : memref<32x100352xi32, #tpu.memory_space<hbm>> -> memref<32x1568xi32, #tpu.memory_space<hbm>>
      tpu.wait_dma2 semaphore(%run_scoped3A : memref<!tpu.dma_semaphore, #tpu.memory_space<semaphore_mem>>) src(%dma_wait3A_136 : memref<32x1568xi32, #tpu.memory_space<hbm>>) dst(%arg11 : memref<32x1568xi32, #tpu.memory_space<vmem>>)
      tpu.yield
    }) : () -> ()
    %iota3A = tpu.iota {dimensions = array<i32: 0>} : vector<16xi32>
    %scan3A = arith.constant 0 : i32
    %scan3A_7 = arith.constant 0 : i32
    %scan3A_8 = arith.constant 98 : i32
    %scan3A_9 = arith.addi %scan3A_7, %scan3A_8 : i32
    %scan3A_10 = arith.constant 1 : i32
    %scan3A_11 = scf.for %scan3A_129 = %scan3A_7 to %scan3A_9 step %scan3A_10 iter_args(%scan3A_130 = %scan3A) -> (i32)  : i32 {
      %mul3A_131 = arith.constant 16 : i32
      %mul3A_132 = arith.muli %scan3A_129, %mul3A_131 : i32
      %get3A = arith.constant 0 : i32
      %get3A_133 = arith.index_cast %get3A : i32 to index
      %get3A_134 = arith.index_cast %mul3A_132 : i32 to index
      %get3A_135 = tpu.vector_load %arg11[%get3A_133, %get3A_134] {strides = array<i32>} : memref<32x1568xi32, #tpu.memory_space<vmem>>, vector<16xi32>,
      %get3A_136 = arith.constant 1 : i32
      %get3A_137 = arith.index_cast %get3A_136 : i32 to index
      %get3A_138 = arith.index_cast %mul3A_132 : i32 to index
      %get3A_139 = tpu.vector_load %arg11[%get3A_137, %get3A_138] {strides = array<i32>} : memref<32x1568xi32, #tpu.memory_space<vmem>>, vector<16xi32>,
      %ge3A = arith.constant 0 : i32
      %ge3A_140 = vector.broadcast %ge3A : i32 to vector<16xi32>
      %ge3A_141 = arith.cmpi sge, %get3A_139, %ge3A_140 : vector<16xi32>
      %select_n3A = arith.select %ge3A_141, %get3A_139, %get3A_135 : vector<16xi1>, vector<16xi32>
      %get3A_142 = arith.constant 2 : i32
      %get3A_143 = arith.index_cast %get3A_142 : i32 to index
      %get3A_144 = arith.index_cast %mul3A_132 : i32 to index
      %get3A_145 = tpu.vector_load %arg11[%get3A_143, %get3A_144] {strides = array<i32>} : memref<32x1568xi32, #tpu.memory_space<vmem>>, vector<16xi32>,
      %ge3A_146 = arith.constant 0 : i32
      %ge3A_147 = vector.broadcast %ge3A_146 : i32 to vector<16xi32>
      %ge3A_148 = arith.cmpi sge, %get3A_145, %ge3A_147 : vector<16xi32>
      %select_n3A_149 = arith.select %ge3A_148, %get3A_145, %select_n3A : vector<16xi1>, vector<16xi32>
      %get3A_150 = arith.constant 3 : i32
      %get3A_151 = arith.index_cast %get3A_150 : i32 to index
      %get3A_152 = arith.index_cast %mul3A_132 : i32 to index
      %get3A_153 = tpu.vector_load %arg11[%get3A_151, %get3A_152] {strides = array<i32>} : memref<32x1568xi32, #tpu.memory_space<vmem>>, vector<16xi32>,
      %ge3A_154 = arith.constant 0 : i32
      %ge3A_155 = vector.broadcast %ge3A_154 : i32 to vector<16xi32>
      %ge3A_156 = arith.cmpi sge, %get3A_153, %ge3A_155 : vector<16xi32>
      %select_n3A_157 = arith.select %ge3A_156, %get3A_153, %select_n3A_149 : vector<16xi1>, vector<16xi32>
      %get3A_158 = arith.constant 4 : i32
      %get3A_159 = arith.index_cast %get3A_158 : i32 to index
      %get3A_160 = arith.index_cast %mul3A_132 : i32 to index
      %get3A_161 = tpu.vector_load %arg11[%get3A_159, %get3A_160] {strides = array<i32>} : memref<32x1568xi32, #tpu.memory_space<vmem>>, vector<16xi32>,
      %ge3A_162 = arith.constant 0 : i32
      %ge3A_163 = vector.broadcast %ge3A_162 : i32 to vector<16xi32>
      %ge3A_164 = arith.cmpi sge, %get3A_161, %ge3A_163 : vector<16xi32>
      %select_n3A_165 = arith.select %ge3A_164, %get3A_161, %select_n3A_157 : vector<16xi1>, vector<16xi32>
      %get3A_166 = arith.constant 5 : i32
      %get3A_167 = arith.index_cast %get3A_166 : i32 to index
      %get3A_168 = arith.index_cast %mul3A_132 : i32 to index
      %get3A_169 = tpu.vector_load %arg11[%get3A_167, %get3A_168] {strides = array<i32>} : memref<32x1568xi32, #tpu.memory_space<vmem>>, vector<16xi32>,
      %ge3A_170 = arith.constant 0 : i32
      %ge3A_171 = vector.broadcast %ge3A_170 : i32 to vector<16xi32>
      %ge3A_172 = arith.cmpi sge, %get3A_169, %ge3A_171 : vector<16xi32>
      %select_n3A_173 = arith.select %ge3A_172, %get3A_169, %select_n3A_165 : vector<16xi1>, vector<16xi32>
      %get3A_174 = arith.constant 6 : i32
      %get3A_175 = arith.index_cast %get3A_174 : i32 to index
      %get3A_176 = arith.index_cast %mul3A_132 : i32 to index
      %get3A_177 = tpu.vector_load %arg11[%get3A_175, %get3A_176] {strides = array<i32>} : memref<32x1568xi32, #tpu.memory_space<vmem>>, vector<16xi32>,
      %ge3A_178 = arith.constant 0 : i32
      %ge3A_179 = vector.broadcast %ge3A_178 : i32 to vector<16xi32>
      %ge3A_180 = arith.cmpi sge, %get3A_177, %ge3A_179 : vector<16xi32>
      %select_n3A_181 = arith.select %ge3A_180, %get3A_177, %select_n3A_173 : vector<16xi1>, vector<16xi32>
      %get3A_182 = arith.constant 7 : i32
      %get3A_183 = arith.index_cast %get3A_182 : i32 to index
      %get3A_184 = arith.index_cast %mul3A_132 : i32 to index
      %get3A_185 = tpu.vector_load %arg11[%get3A_183, %get3A_184] {strides = array<i32>} : memref<32x1568xi32, #tpu.memory_space<vmem>>, vector<16xi32>,
      %ge3A_186 = arith.constant 0 : i32
      %ge3A_187 = vector.broadcast %ge3A_186 : i32 to vector<16xi32>
      %ge3A_188 = arith.cmpi sge, %get3A_185, %ge3A_187 : vector<16xi32>
      %select_n3A_189 = arith.select %ge3A_188, %get3A_185, %select_n3A_181 : vector<16xi1>, vector<16xi32>
      %get3A_190 = arith.constant 8 : i32
      %get3A_191 = arith.index_cast %get3A_190 : i32 to index
      %get3A_192 = arith.index_cast %mul3A_132 : i32 to index
      %get3A_193 = tpu.vector_load %arg11[%get3A_191, %get3A_192] {strides = array<i32>} : memref<32x1568xi32, #tpu.memory_space<vmem>>, vector<16xi32>,
      %ge3A_194 = arith.constant 0 : i32
      %ge3A_195 = vector.broadcast %ge3A_194 : i32 to vector<16xi32>
      %ge3A_196 = arith.cmpi sge, %get3A_193, %ge3A_195 : vector<16xi32>
      %select_n3A_197 = arith.select %ge3A_196, %get3A_193, %select_n3A_189 : vector<16xi1>, vector<16xi32>
      %get3A_198 = arith.constant 9 : i32
      %get3A_199 = arith.index_cast %get3A_198 : i32 to index
      %get3A_200 = arith.index_cast %mul3A_132 : i32 to index
      %get3A_201 = tpu.vector_load %arg11[%get3A_199, %get3A_200] {strides = array<i32>} : memref<32x1568xi32, #tpu.memory_space<vmem>>, vector<16xi32>,
      %ge3A_202 = arith.constant 0 : i32
      %ge3A_203 = vector.broadcast %ge3A_202 : i32 to vector<16xi32>
      %ge3A_204 = arith.cmpi sge, %get3A_201, %ge3A_203 : vector<16xi32>
      %select_n3A_205 = arith.select %ge3A_204, %get3A_201, %select_n3A_197 : vector<16xi1>, vector<16xi32>
      %get3A_206 = arith.constant 10 : i32
      %get3A_207 = arith.index_cast %get3A_206 : i32 to index
      %get3A_208 = arith.index_cast %mul3A_132 : i32 to index
      %get3A_209 = tpu.vector_load %arg11[%get3A_207, %get3A_208] {strides = array<i32>} : memref<32x1568xi32, #tpu.memory_space<vmem>>, vector<16xi32>,
      %ge3A_210 = arith.constant 0 : i32
      %ge3A_211 = vector.broadcast %ge3A_210 : i32 to vector<16xi32>
      %ge3A_212 = arith.cmpi sge, %get3A_209, %ge3A_211 : vector<16xi32>
      %select_n3A_213 = arith.select %ge3A_212, %get3A_209, %select_n3A_205 : vector<16xi1>, vector<16xi32>
      %get3A_214 = arith.constant 11 : i32
      %get3A_215 = arith.index_cast %get3A_214 : i32 to index
      %get3A_216 = arith.index_cast %mul3A_132 : i32 to index
      %get3A_217 = tpu.vector_load %arg11[%get3A_215, %get3A_216] {strides = array<i32>} : memref<32x1568xi32, #tpu.memory_space<vmem>>, vector<16xi32>,
      %ge3A_218 = arith.constant 0 : i32
      %ge3A_219 = vector.broadcast %ge3A_218 : i32 to vector<16xi32>
      %ge3A_220 = arith.cmpi sge, %get3A_217, %ge3A_219 : vector<16xi32>
      %select_n3A_221 = arith.select %ge3A_220, %get3A_217, %select_n3A_213 : vector<16xi1>, vector<16xi32>
      %get3A_222 = arith.constant 12 : i32
      %get3A_223 = arith.index_cast %get3A_222 : i32 to index
      %get3A_224 = arith.index_cast %mul3A_132 : i32 to index
      %get3A_225 = tpu.vector_load %arg11[%get3A_223, %get3A_224] {strides = array<i32>} : memref<32x1568xi32, #tpu.memory_space<vmem>>, vector<16xi32>,
      %ge3A_226 = arith.constant 0 : i32
      %ge3A_227 = vector.broadcast %ge3A_226 : i32 to vector<16xi32>
      %ge3A_228 = arith.cmpi sge, %get3A_225, %ge3A_227 : vector<16xi32>
      %select_n3A_229 = arith.select %ge3A_228, %get3A_225, %select_n3A_221 : vector<16xi1>, vector<16xi32>
      %get3A_230 = arith.constant 13 : i32
      %get3A_231 = arith.index_cast %get3A_230 : i32 to index
      %get3A_232 = arith.index_cast %mul3A_132 : i32 to index
      %get3A_233 = tpu.vector_load %arg11[%get3A_231, %get3A_232] {strides = array<i32>} : memref<32x1568xi32, #tpu.memory_space<vmem>>, vector<16xi32>,
      %ge3A_234 = arith.constant 0 : i32
      %ge3A_235 = vector.broadcast %ge3A_234 : i32 to vector<16xi32>
      %ge3A_236 = arith.cmpi sge, %get3A_233, %ge3A_235 : vector<16xi32>
      %select_n3A_237 = arith.select %ge3A_236, %get3A_233, %select_n3A_229 : vector<16xi1>, vector<16xi32>
      %get3A_238 = arith.constant 14 : i32
      %get3A_239 = arith.index_cast %get3A_238 : i32 to index
      %get3A_240 = arith.index_cast %mul3A_132 : i32 to index
      %get3A_241 = tpu.vector_load %arg11[%get3A_239, %get3A_240] {strides = array<i32>} : memref<32x1568xi32, #tpu.memory_space<vmem>>, vector<16xi32>,
      %ge3A_242 = arith.constant 0 : i32
      %ge3A_243 = vector.broadcast %ge3A_242 : i32 to vector<16xi32>
      %ge3A_244 = arith.cmpi sge, %get3A_241, %ge3A_243 : vector<16xi32>
      %select_n3A_245 = arith.select %ge3A_244, %get3A_241, %select_n3A_237 : vector<16xi1>, vector<16xi32>
      %get3A_246 = arith.constant 15 : i32
      %get3A_247 = arith.index_cast %get3A_246 : i32 to index
      %get3A_248 = arith.index_cast %mul3A_132 : i32 to index
      %get3A_249 = tpu.vector_load %arg11[%get3A_247, %get3A_248] {strides = array<i32>} : memref<32x1568xi32, #tpu.memory_space<vmem>>, vector<16xi32>,
      %ge3A_250 = arith.constant 0 : i32
      %ge3A_251 = vector.broadcast %ge3A_250 : i32 to vector<16xi32>
      %ge3A_252 = arith.cmpi sge, %get3A_249, %ge3A_251 : vector<16xi32>
      %select_n3A_253 = arith.select %ge3A_252, %get3A_249, %select_n3A_245 : vector<16xi1>, vector<16xi32>
      %get3A_254 = arith.constant 16 : i32
      %get3A_255 = arith.index_cast %get3A_254 : i32 to index
      %get3A_256 = arith.index_cast %mul3A_132 : i32 to index
      %get3A_257 = tpu.vector_load %arg11[%get3A_255, %get3A_256] {strides = array<i32>} : memref<32x1568xi32, #tpu.memory_space<vmem>>, vector<16xi32>,
      %ge3A_258 = arith.constant 0 : i32
      %ge3A_259 = vector.broadcast %ge3A_258 : i32 to vector<16xi32>
      %ge3A_260 = arith.cmpi sge, %get3A_257, %ge3A_259 : vector<16xi32>
      %select_n3A_261 = arith.select %ge3A_260, %get3A_257, %select_n3A_253 : vector<16xi1>, vector<16xi32>
      %get3A_262 = arith.constant 17 : i32
      %get3A_263 = arith.index_cast %get3A_262 : i32 to index
      %get3A_264 = arith.index_cast %mul3A_132 : i32 to index
      %get3A_265 = tpu.vector_load %arg11[%get3A_263, %get3A_264] {strides = array<i32>} : memref<32x1568xi32, #tpu.memory_space<vmem>>, vector<16xi32>,
      %ge3A_266 = arith.constant 0 : i32
      %ge3A_267 = vector.broadcast %ge3A_266 : i32 to vector<16xi32>
      %ge3A_268 = arith.cmpi sge, %get3A_265, %ge3A_267 : vector<16xi32>
      %select_n3A_269 = arith.select %ge3A_268, %get3A_265, %select_n3A_261 : vector<16xi1>, vector<16xi32>
      %get3A_270 = arith.constant 18 : i32
      %get3A_271 = arith.index_cast %get3A_270 : i32 to index
      %get3A_272 = arith.index_cast %mul3A_132 : i32 to index
      %get3A_273 = tpu.vector_load %arg11[%get3A_271, %get3A_272] {strides = array<i32>} : memref<32x1568xi32, #tpu.memory_space<vmem>>, vector<16xi32>,
      %ge3A_274 = arith.constant 0 : i32
      %ge3A_275 = vector.broadcast %ge3A_274 : i32 to vector<16xi32>
      %ge3A_276 = arith.cmpi sge, %get3A_273, %ge3A_275 : vector<16xi32>
      %select_n3A_277 = arith.select %ge3A_276, %get3A_273, %select_n3A_269 : vector<16xi1>, vector<16xi32>
      %get3A_278 = arith.constant 19 : i32
      %get3A_279 = arith.index_cast %get3A_278 : i32 to index
      %get3A_280 = arith.index_cast %mul3A_132 : i32 to index
      %get3A_281 = tpu.vector_load %arg11[%get3A_279, %get3A_280] {strides = array<i32>} : memref<32x1568xi32, #tpu.memory_space<vmem>>, vector<16xi32>,
      %ge3A_282 = arith.constant 0 : i32
      %ge3A_283 = vector.broadcast %ge3A_282 : i32 to vector<16xi32>
      %ge3A_284 = arith.cmpi sge, %get3A_281, %ge3A_283 : vector<16xi32>
      %select_n3A_285 = arith.select %ge3A_284, %get3A_281, %select_n3A_277 : vector<16xi1>, vector<16xi32>
      %get3A_286 = arith.constant 20 : i32
      %get3A_287 = arith.index_cast %get3A_286 : i32 to index
      %get3A_288 = arith.index_cast %mul3A_132 : i32 to index
      %get3A_289 = tpu.vector_load %arg11[%get3A_287, %get3A_288] {strides = array<i32>} : memref<32x1568xi32, #tpu.memory_space<vmem>>, vector<16xi32>,
      %ge3A_290 = arith.constant 0 : i32
      %ge3A_291 = vector.broadcast %ge3A_290 : i32 to vector<16xi32>
      %ge3A_292 = arith.cmpi sge, %get3A_289, %ge3A_291 : vector<16xi32>
      %select_n3A_293 = arith.select %ge3A_292, %get3A_289, %select_n3A_285 : vector<16xi1>, vector<16xi32>
      %get3A_294 = arith.constant 21 : i32
      %get3A_295 = arith.index_cast %get3A_294 : i32 to index
      %get3A_296 = arith.index_cast %mul3A_132 : i32 to index
      %get3A_297 = tpu.vector_load %arg11[%get3A_295, %get3A_296] {strides = array<i32>} : memref<32x1568xi32, #tpu.memory_space<vmem>>, vector<16xi32>,
      %ge3A_298 = arith.constant 0 : i32
      %ge3A_299 = vector.broadcast %ge3A_298 : i32 to vector<16xi32>
      %ge3A_300 = arith.cmpi sge, %get3A_297, %ge3A_299 : vector<16xi32>
      %select_n3A_301 = arith.select %ge3A_300, %get3A_297, %select_n3A_293 : vector<16xi1>, vector<16xi32>
      %get3A_302 = arith.constant 22 : i32
      %get3A_303 = arith.index_cast %get3A_302 : i32 to index
      %get3A_304 = arith.index_cast %mul3A_132 : i32 to index
      %get3A_305 = tpu.vector_load %arg11[%get3A_303, %get3A_304] {strides = array<i32>} : memref<32x1568xi32, #tpu.memory_space<vmem>>, vector<16xi32>,
      %ge3A_306 = arith.constant 0 : i32
      %ge3A_307 = vector.broadcast %ge3A_306 : i32 to vector<16xi32>
      %ge3A_308 = arith.cmpi sge, %get3A_305, %ge3A_307 : vector<16xi32>
      %select_n3A_309 = arith.select %ge3A_308, %get3A_305, %select_n3A_301 : vector<16xi1>, vector<16xi32>
      %get3A_310 = arith.constant 23 : i32
      %get3A_311 = arith.index_cast %get3A_310 : i32 to index
      %get3A_312 = arith.index_cast %mul3A_132 : i32 to index
      %get3A_313 = tpu.vector_load %arg11[%get3A_311, %get3A_312] {strides = array<i32>} : memref<32x1568xi32, #tpu.memory_space<vmem>>, vector<16xi32>,
      %ge3A_314 = arith.constant 0 : i32
      %ge3A_315 = vector.broadcast %ge3A_314 : i32 to vector<16xi32>
      %ge3A_316 = arith.cmpi sge, %get3A_313, %ge3A_315 : vector<16xi32>
      %select_n3A_317 = arith.select %ge3A_316, %get3A_313, %select_n3A_309 : vector<16xi1>, vector<16xi32>
      %get3A_318 = arith.constant 24 : i32
      %get3A_319 = arith.index_cast %get3A_318 : i32 to index
      %get3A_320 = arith.index_cast %mul3A_132 : i32 to index
      %get3A_321 = tpu.vector_load %arg11[%get3A_319, %get3A_320] {strides = array<i32>} : memref<32x1568xi32, #tpu.memory_space<vmem>>, vector<16xi32>,
      %ge3A_322 = arith.constant 0 : i32
      %ge3A_323 = vector.broadcast %ge3A_322 : i32 to vector<16xi32>
      %ge3A_324 = arith.cmpi sge, %get3A_321, %ge3A_323 : vector<16xi32>
      %select_n3A_325 = arith.select %ge3A_324, %get3A_321, %select_n3A_317 : vector<16xi1>, vector<16xi32>
      %get3A_326 = arith.constant 25 : i32
      %get3A_327 = arith.index_cast %get3A_326 : i32 to index
      %get3A_328 = arith.index_cast %mul3A_132 : i32 to index
      %get3A_329 = tpu.vector_load %arg11[%get3A_327, %get3A_328] {strides = array<i32>} : memref<32x1568xi32, #tpu.memory_space<vmem>>, vector<16xi32>,
      %ge3A_330 = arith.constant 0 : i32
      %ge3A_331 = vector.broadcast %ge3A_330 : i32 to vector<16xi32>
      %ge3A_332 = arith.cmpi sge, %get3A_329, %ge3A_331 : vector<16xi32>
      %select_n3A_333 = arith.select %ge3A_332, %get3A_329, %select_n3A_325 : vector<16xi1>, vector<16xi32>
      %get3A_334 = arith.constant 26 : i32
      %get3A_335 = arith.index_cast %get3A_334 : i32 to index
      %get3A_336 = arith.index_cast %mul3A_132 : i32 to index
      %get3A_337 = tpu.vector_load %arg11[%get3A_335, %get3A_336] {strides = array<i32>} : memref<32x1568xi32, #tpu.memory_space<vmem>>, vector<16xi32>,
      %ge3A_338 = arith.constant 0 : i32
      %ge3A_339 = vector.broadcast %ge3A_338 : i32 to vector<16xi32>
      %ge3A_340 = arith.cmpi sge, %get3A_337, %ge3A_339 : vector<16xi32>
      %select_n3A_341 = arith.select %ge3A_340, %get3A_337, %select_n3A_333 : vector<16xi1>, vector<16xi32>
      %get3A_342 = arith.constant 27 : i32
      %get3A_343 = arith.index_cast %get3A_342 : i32 to index
      %get3A_344 = arith.index_cast %mul3A_132 : i32 to index
      %get3A_345 = tpu.vector_load %arg11[%get3A_343, %get3A_344] {strides = array<i32>} : memref<32x1568xi32, #tpu.memory_space<vmem>>, vector<16xi32>,
      %ge3A_346 = arith.constant 0 : i32
      %ge3A_347 = vector.broadcast %ge3A_346 : i32 to vector<16xi32>
      %ge3A_348 = arith.cmpi sge, %get3A_345, %ge3A_347 : vector<16xi32>
      %select_n3A_349 = arith.select %ge3A_348, %get3A_345, %select_n3A_341 : vector<16xi1>, vector<16xi32>
      %get3A_350 = arith.constant 28 : i32
      %get3A_351 = arith.index_cast %get3A_350 : i32 to index
      %get3A_352 = arith.index_cast %mul3A_132 : i32 to index
      %get3A_353 = tpu.vector_load %arg11[%get3A_351, %get3A_352] {strides = array<i32>} : memref<32x1568xi32, #tpu.memory_space<vmem>>, vector<16xi32>,
      %ge3A_354 = arith.constant 0 : i32
      %ge3A_355 = vector.broadcast %ge3A_354 : i32 to vector<16xi32>
      %ge3A_356 = arith.cmpi sge, %get3A_353, %ge3A_355 : vector<16xi32>
      %select_n3A_357 = arith.select %ge3A_356, %get3A_353, %select_n3A_349 : vector<16xi1>, vector<16xi32>
      %get3A_358 = arith.constant 29 : i32
      %get3A_359 = arith.index_cast %get3A_358 : i32 to index
      %get3A_360 = arith.index_cast %mul3A_132 : i32 to index
      %get3A_361 = tpu.vector_load %arg11[%get3A_359, %get3A_360] {strides = array<i32>} : memref<32x1568xi32, #tpu.memory_space<vmem>>, vector<16xi32>,
      %ge3A_362 = arith.constant 0 : i32
      %ge3A_363 = vector.broadcast %ge3A_362 : i32 to vector<16xi32>
      %ge3A_364 = arith.cmpi sge, %get3A_361, %ge3A_363 : vector<16xi32>
      %select_n3A_365 = arith.select %ge3A_364, %get3A_361, %select_n3A_357 : vector<16xi1>, vector<16xi32>
      %get3A_366 = arith.constant 30 : i32
      %get3A_367 = arith.index_cast %get3A_366 : i32 to index
      %get3A_368 = arith.index_cast %mul3A_132 : i32 to index
      %get3A_369 = tpu.vector_load %arg11[%get3A_367, %get3A_368] {strides = array<i32>} : memref<32x1568xi32, #tpu.memory_space<vmem>>, vector<16xi32>,
      %ge3A_370 = arith.constant 0 : i32
      %ge3A_371 = vector.broadcast %ge3A_370 : i32 to vector<16xi32>
      %ge3A_372 = arith.cmpi sge, %get3A_369, %ge3A_371 : vector<16xi32>
      %select_n3A_373 = arith.select %ge3A_372, %get3A_369, %select_n3A_365 : vector<16xi1>, vector<16xi32>
      %get3A_374 = arith.constant 31 : i32
      %get3A_375 = arith.index_cast %get3A_374 : i32 to index
      %get3A_376 = arith.index_cast %mul3A_132 : i32 to index
      %get3A_377 = tpu.vector_load %arg11[%get3A_375, %get3A_376] {strides = array<i32>} : memref<32x1568xi32, #tpu.memory_space<vmem>>, vector<16xi32>,
      %ge3A_378 = arith.constant 0 : i32
      %ge3A_379 = vector.broadcast %ge3A_378 : i32 to vector<16xi32>
      %ge3A_380 = arith.cmpi sge, %get3A_377, %ge3A_379 : vector<16xi32>
      %select_n3A_381 = arith.select %ge3A_380, %get3A_377, %select_n3A_373 : vector<16xi1>, vector<16xi32>
      %jit3A = arith.constant 0 : i32
      %jit3A_382 = arith.constant 500223 : i32
      %max3A = vector.broadcast %jit3A : i32 to vector<16xi32>
      %max3A_383 = arith.maxsi %max3A, %select_n3A_381 : vector<16xi32>
      %min3A = vector.broadcast %jit3A_382 : i32 to vector<16xi32>
      %min3A_384 = arith.minsi %min3A, %max3A_383 : vector<16xi32>
      %swap3A = arith.index_cast %mul3A_132 : i32 to index
      %swap3A_385 = tpu.vector_load %arg12[%swap3A] {strides = array<i32>} : memref<1568xi32, #tpu.memory_space<vmem>>, vector<16xi32>,
      tpu.vector_store %arg12[%swap3A], %min3A_384 {strides = array<i32>} : memref<1568xi32, #tpu.memory_space<vmem>>, vector<16xi32>,
      %mul3A_386 = arith.constant 16 : i32
      %mul3A_387 = arith.muli %scan3A_129, %mul3A_386 : i32
      %add3A_388 = arith.addi %add3A_4, %mul3A_387 : i32
      %add3A_389 = vector.broadcast %add3A_388 : i32 to vector<16xi32>
      %add3A_390 = arith.addi %add3A_389, %iota3A : vector<16xi32>
      %ge3A_391 = arith.constant 0 : i32
      %ge3A_392 = vector.broadcast %ge3A_391 : i32 to vector<16xi32>
      %ge3A_393 = arith.cmpi sge, %select_n3A_381, %ge3A_392 : vector<16xi32>
      %jit3A_394 = arith.constant 512 : i32
      %jit3A_395 = arith.constant 0 : i32
      %broadcast_in_dim3A = vector.broadcast %jit3A_394 : i32 to vector<16xi32>
      %broadcast_in_dim3A_396 = vector.broadcast %jit3A_395 : i32 to vector<16xi32>
      %select_n3A_397 = arith.select %ge3A_393, %broadcast_in_dim3A, %broadcast_in_dim3A_396 : vector<16xi1>, vector<16xi32>
      %and3A = arith.constant 511 : i32
      %and3A_398 = vector.broadcast %and3A : i32 to vector<16xi32>
      %and3A_399 = arith.andi %add3A_390, %and3A_398 : vector<16xi32>
      %add3A_400 = arith.addi %select_n3A_397, %and3A_399 : vector<16xi32>
      %swap3A_401 = arith.index_cast %mul3A_132 : i32 to index
      %swap3A_402 = tpu.vector_load %arg15[%swap3A_401] {strides = array<i32>} : memref<1568xi32, #tpu.memory_space<vmem>>, vector<16xi32>,
      tpu.vector_store %arg15[%swap3A_401], %add3A_400 {strides = array<i32>} : memref<1568xi32, #tpu.memory_space<vmem>>, vector<16xi32>,
      %scan3A_403 = arith.constant 0 : i32
      scf.yield %scan3A_403 : i32
    }
    %scan3A_12 = arith.constant 98 : i32
    %dma_start3A = arith.constant 0 : i32
    %dma_start3A_13 = tpu.memref_slice %arg3[%dma_start3A] : memref<500224xi32, #tpu.memory_space<hbm>> -> memref<500224xi32, #tpu.memory_space<hbm>>
    tpu.enqueue_indirect_dma source(%dma_start3A_13 : memref<500224xi32, #tpu.memory_space<hbm>>) target(%arg13 : memref<1568xi32, #tpu.memory_space<vmem>>) offsets(%arg12 : memref<1568xi32, #tpu.memory_space<vmem>>) semaphore(%arg19 : memref<!tpu.dma_semaphore, #tpu.memory_space<semaphore_mem>>)
    %dma_start3A_14 = arith.constant 0 : i32
    %dma_start3A_15 = tpu.memref_slice %arg4[%dma_start3A_14] : memref<500224xi32, #tpu.memory_space<hbm>> -> memref<500224xi32, #tpu.memory_space<hbm>>
    tpu.enqueue_indirect_dma source(%dma_start3A_15 : memref<500224xi32, #tpu.memory_space<hbm>>) target(%arg14 : memref<1568xi32, #tpu.memory_space<vmem>>) offsets(%arg12 : memref<1568xi32, #tpu.memory_space<vmem>>) semaphore(%arg20 : memref<!tpu.dma_semaphore, #tpu.memory_space<semaphore_mem>>)
    %dma_wait3A = arith.constant 0 : i32
    %dma_wait3A_16 = tpu.memref_slice %arg3[%dma_wait3A] : memref<500224xi32, #tpu.memory_space<hbm>> -> memref<500224xi32, #tpu.memory_space<hbm>>
    tpu.wait_indirect_dma semaphore(%arg19 : memref<!tpu.dma_semaphore, #tpu.memory_space<semaphore_mem>>) src(%dma_wait3A_16 : memref<500224xi32, #tpu.memory_space<hbm>>) dst(%arg13 : memref<1568xi32, #tpu.memory_space<vmem>>)
    %dma_wait3A_17 = arith.constant 0 : i32
    %dma_wait3A_18 = tpu.memref_slice %arg4[%dma_wait3A_17] : memref<500224xi32, #tpu.memory_space<hbm>> -> memref<500224xi32, #tpu.memory_space<hbm>>
    tpu.wait_indirect_dma semaphore(%arg20 : memref<!tpu.dma_semaphore, #tpu.memory_space<semaphore_mem>>) src(%dma_wait3A_18 : memref<500224xi32, #tpu.memory_space<hbm>>) dst(%arg14 : memref<1568xi32, #tpu.memory_space<vmem>>)
    %dma_start3A_19 = arith.constant 0 : i32
    %dma_start3A_20 = arith.constant 0 : i32
    %dma_start3A_21 = tpu.memref_slice %arg6[%dma_start3A_19, %dma_start3A_20] : memref<100000x8xf32, #tpu.memory_space<hbm>> -> memref<100000x8xf32, #tpu.memory_space<hbm>>
    tpu.enqueue_indirect_dma source(%dma_start3A_21 : memref<100000x8xf32, #tpu.memory_space<hbm>>) target(%arg16 : memref<1568x8xf32, #tpu.memory_space<vmem>>) offsets(%arg13 : memref<1568xi32, #tpu.memory_space<vmem>>) semaphore(%arg21 : memref<!tpu.dma_semaphore, #tpu.memory_space<semaphore_mem>>)
    %dma_wait3A_22 = arith.constant 0 : i32
    %dma_wait3A_23 = arith.constant 0 : i32
    %dma_wait3A_24 = tpu.memref_slice %arg6[%dma_wait3A_22, %dma_wait3A_23] : memref<100000x8xf32, #tpu.memory_space<hbm>> -> memref<100000x8xf32, #tpu.memory_space<hbm>>
    tpu.wait_indirect_dma semaphore(%arg21 : memref<!tpu.dma_semaphore, #tpu.memory_space<semaphore_mem>>) src(%dma_wait3A_24 : memref<100000x8xf32, #tpu.memory_space<hbm>>) dst(%arg16 : memref<1568x8xf32, #tpu.memory_space<vmem>>)
    "tpu.region"() ({
      %run_scoped3A = tpu.sem_alloc : memref<!tpu.dma_semaphore, #tpu.memory_space<semaphore_mem>>
      %dma_start3A_129 = arith.constant 0 : i32
      %dma_start3A_130 = tpu.memref_slice %arg10[%mul3A_6, %dma_start3A_129] : memref<50176x128xf32, #tpu.memory_space<hbm>> -> memref<1568x8xf32, #tpu.memory_space<hbm>>
      %dma_start3A_131 = arith.constant 0 : i32
      %dma_start3A_132 = tpu.memref_slice %arg10[%mul3A_6, %dma_start3A_131] : memref<50176x128xf32, #tpu.memory_space<hbm>> -> memref<1568x8xf32, #tpu.memory_space<hbm>>
      tpu.enqueue_dma source(%arg16 : memref<1568x8xf32, #tpu.memory_space<vmem>>) target(%dma_start3A_132 : memref<1568x8xf32, #tpu.memory_space<hbm>>) target_semaphore(%run_scoped3A : memref<!tpu.dma_semaphore, #tpu.memory_space<semaphore_mem>>)
      %dma_wait3A_133 = arith.constant 0 : i32
      %dma_wait3A_134 = tpu.memref_slice %arg10[%mul3A_6, %dma_wait3A_133] : memref<50176x128xf32, #tpu.memory_space<hbm>> -> memref<1568x8xf32, #tpu.memory_space<hbm>>
      %dma_wait3A_135 = arith.constant 0 : i32
      %dma_wait3A_136 = tpu.memref_slice %arg10[%mul3A_6, %dma_wait3A_135] : memref<50176x128xf32, #tpu.memory_space<hbm>> -> memref<1568x8xf32, #tpu.memory_space<hbm>>
      tpu.wait_dma2 semaphore(%run_scoped3A : memref<!tpu.dma_semaphore, #tpu.memory_space<semaphore_mem>>) src(%arg16 : memref<1568x8xf32, #tpu.memory_space<vmem>>) dst(%dma_wait3A_136 : memref<1568x8xf32, #tpu.memory_space<hbm>>)
      tpu.yield
    }) : () -> ()
    %dma_start3A_25 = arith.constant 0 : i32
    %dma_start3A_26 = arith.constant 0 : i32
    %dma_start3A_27 = tpu.memref_slice %arg6[%dma_start3A_25, %dma_start3A_26] : memref<100000x8xf32, #tpu.memory_space<hbm>> -> memref<100000x8xf32, #tpu.memory_space<hbm>>
    tpu.enqueue_indirect_dma source(%dma_start3A_27 : memref<100000x8xf32, #tpu.memory_space<hbm>>) target(%arg16 : memref<1568x8xf32, #tpu.memory_space<vmem>>) offsets(%arg14 : memref<1568xi32, #tpu.memory_space<vmem>>) semaphore(%arg21 : memref<!tpu.dma_semaphore, #tpu.memory_space<semaphore_mem>>)
    %dma_wait3A_28 = arith.constant 0 : i32
    %dma_wait3A_29 = arith.constant 0 : i32
    %dma_wait3A_30 = tpu.memref_slice %arg6[%dma_wait3A_28, %dma_wait3A_29] : memref<100000x8xf32, #tpu.memory_space<hbm>> -> memref<100000x8xf32, #tpu.memory_space<hbm>>
    tpu.wait_indirect_dma semaphore(%arg21 : memref<!tpu.dma_semaphore, #tpu.memory_space<semaphore_mem>>) src(%dma_wait3A_30 : memref<100000x8xf32, #tpu.memory_space<hbm>>) dst(%arg16 : memref<1568x8xf32, #tpu.memory_space<vmem>>)
    "tpu.region"() ({
      %run_scoped3A = tpu.sem_alloc : memref<!tpu.dma_semaphore, #tpu.memory_space<semaphore_mem>>
      %dma_start3A_129 = arith.constant 8 : i32
      %dma_start3A_130 = tpu.memref_slice %arg10[%mul3A_6, %dma_start3A_129] : memref<50176x128xf32, #tpu.memory_space<hbm>> -> memref<1568x8xf32, #tpu.memory_space<hbm>>
      %dma_start3A_131 = arith.constant 8 : i32
      %dma_start3A_132 = tpu.memref_slice %arg10[%mul3A_6, %dma_start3A_131] : memref<50176x128xf32, #tpu.memory_space<hbm>> -> memref<1568x8xf32, #tpu.memory_space<hbm>>
      tpu.enqueue_dma source(%arg16 : memref<1568x8xf32, #tpu.memory_space<vmem>>) target(%dma_start3A_132 : memref<1568x8xf32, #tpu.memory_space<hbm>>) target_semaphore(%run_scoped3A : memref<!tpu.dma_semaphore, #tpu.memory_space<semaphore_mem>>)
      %dma_wait3A_133 = arith.constant 8 : i32
      %dma_wait3A_134 = tpu.memref_slice %arg10[%mul3A_6, %dma_wait3A_133] : memref<50176x128xf32, #tpu.memory_space<hbm>> -> memref<1568x8xf32, #tpu.memory_space<hbm>>
      %dma_wait3A_135 = arith.constant 8 : i32
      %dma_wait3A_136 = tpu.memref_slice %arg10[%mul3A_6, %dma_wait3A_135] : memref<50176x128xf32, #tpu.memory_space<hbm>> -> memref<1568x8xf32, #tpu.memory_space<hbm>>
      tpu.wait_dma2 semaphore(%run_scoped3A : memref<!tpu.dma_semaphore, #tpu.memory_space<semaphore_mem>>) src(%arg16 : memref<1568x8xf32, #tpu.memory_space<vmem>>) dst(%dma_wait3A_136 : memref<1568x8xf32, #tpu.memory_space<hbm>>)
      tpu.yield
    }) : () -> ()
    %dma_start3A_31 = arith.constant 0 : i32
    %dma_start3A_32 = arith.constant 0 : i32
    %dma_start3A_33 = tpu.memref_slice %arg7[%dma_start3A_31, %dma_start3A_32] : memref<1024x8xf32, #tpu.memory_space<hbm>> -> memref<1024x8xf32, #tpu.memory_space<hbm>>
    tpu.enqueue_indirect_dma source(%dma_start3A_33 : memref<1024x8xf32, #tpu.memory_space<hbm>>) target(%arg16 : memref<1568x8xf32, #tpu.memory_space<vmem>>) offsets(%arg15 : memref<1568xi32, #tpu.memory_space<vmem>>) semaphore(%arg21 : memref<!tpu.dma_semaphore, #tpu.memory_space<semaphore_mem>>)
    %dma_wait3A_34 = arith.constant 0 : i32
    %dma_wait3A_35 = arith.constant 0 : i32
    %dma_wait3A_36 = tpu.memref_slice %arg7[%dma_wait3A_34, %dma_wait3A_35] : memref<1024x8xf32, #tpu.memory_space<hbm>> -> memref<1024x8xf32, #tpu.memory_space<hbm>>
    tpu.wait_indirect_dma semaphore(%arg21 : memref<!tpu.dma_semaphore, #tpu.memory_space<semaphore_mem>>) src(%dma_wait3A_36 : memref<1024x8xf32, #tpu.memory_space<hbm>>) dst(%arg16 : memref<1568x8xf32, #tpu.memory_space<vmem>>)
    "tpu.region"() ({
      %run_scoped3A = tpu.sem_alloc : memref<!tpu.dma_semaphore, #tpu.memory_space<semaphore_mem>>
      %dma_start3A_129 = arith.constant 16 : i32
      %dma_start3A_130 = tpu.memref_slice %arg10[%mul3A_6, %dma_start3A_129] : memref<50176x128xf32, #tpu.memory_space<hbm>> -> memref<1568x8xf32, #tpu.memory_space<hbm>>
      %dma_start3A_131 = arith.constant 16 : i32
      %dma_start3A_132 = tpu.memref_slice %arg10[%mul3A_6, %dma_start3A_131] : memref<50176x128xf32, #tpu.memory_space<hbm>> -> memref<1568x8xf32, #tpu.memory_space<hbm>>
      tpu.enqueue_dma source(%arg16 : memref<1568x8xf32, #tpu.memory_space<vmem>>) target(%dma_start3A_132 : memref<1568x8xf32, #tpu.memory_space<hbm>>) target_semaphore(%run_scoped3A : memref<!tpu.dma_semaphore, #tpu.memory_space<semaphore_mem>>)
      %dma_wait3A_133 = arith.constant 16 : i32
      %dma_wait3A_134 = tpu.memref_slice %arg10[%mul3A_6, %dma_wait3A_133] : memref<50176x128xf32, #tpu.memory_space<hbm>> -> memref<1568x8xf32, #tpu.memory_space<hbm>>
      %dma_wait3A_135 = arith.constant 16 : i32
      %dma_wait3A_136 = tpu.memref_slice %arg10[%mul3A_6, %dma_wait3A_135] : memref<50176x128xf32, #tpu.memory_space<hbm>> -> memref<1568x8xf32, #tpu.memory_space<hbm>>
      tpu.wait_dma2 semaphore(%run_scoped3A : memref<!tpu.dma_semaphore, #tpu.memory_space<semaphore_mem>>) src(%arg16 : memref<1568x8xf32, #tpu.memory_space<vmem>>) dst(%dma_wait3A_136 : memref<1568x8xf32, #tpu.memory_space<hbm>>)
      tpu.yield
    }) : () -> ()
    %dma_start3A_37 = arith.constant 0 : i32
    %dma_start3A_38 = tpu.memref_slice %arg13[%dma_start3A_37] : memref<1568xi32, #tpu.memory_space<vmem>> -> memref<224xi32, #tpu.memory_space<vmem>>
    %dma_start3A_39 = arith.constant 0 : i32
    %dma_start3A_40 = arith.constant 0 : i32
    %dma_start3A_41 = tpu.memref_slice %arg5[%dma_start3A_39, %dma_start3A_40] : memref<100000x128xf32, #tpu.memory_space<hbm>> -> memref<100000x128xf32, #tpu.memory_space<hbm>>
    tpu.enqueue_indirect_dma source(%dma_start3A_41 : memref<100000x128xf32, #tpu.memory_space<hbm>>) target(%arg17 : memref<224x128xf32, #tpu.memory_space<vmem>>) offsets(%dma_start3A_38 : memref<224xi32, #tpu.memory_space<vmem>>) semaphore(%arg19 : memref<!tpu.dma_semaphore, #tpu.memory_space<semaphore_mem>>)
    %dma_start3A_42 = arith.constant 224 : i32
    %dma_start3A_43 = tpu.memref_slice %arg13[%dma_start3A_42] : memref<1568xi32, #tpu.memory_space<vmem>> -> memref<224xi32, #tpu.memory_space<vmem>>
    %dma_start3A_44 = arith.constant 0 : i32
    %dma_start3A_45 = arith.constant 0 : i32
    %dma_start3A_46 = tpu.memref_slice %arg5[%dma_start3A_44, %dma_start3A_45] : memref<100000x128xf32, #tpu.memory_space<hbm>> -> memref<100000x128xf32, #tpu.memory_space<hbm>>
    tpu.enqueue_indirect_dma source(%dma_start3A_46 : memref<100000x128xf32, #tpu.memory_space<hbm>>) target(%arg18 : memref<224x128xf32, #tpu.memory_space<vmem>>) offsets(%dma_start3A_43 : memref<224xi32, #tpu.memory_space<vmem>>) semaphore(%arg20 : memref<!tpu.dma_semaphore, #tpu.memory_space<semaphore_mem>>)
    %scan3A_47 = arith.constant 0 : i32
    %scan3A_48 = arith.constant 0 : i32
    %scan3A_49 = arith.constant 2 : i32
    %scan3A_50 = arith.addi %scan3A_48, %scan3A_49 : i32
    %scan3A_51 = arith.constant 1 : i32
    %scan3A_52 = scf.for %scan3A_129 = %scan3A_48 to %scan3A_50 step %scan3A_51 iter_args(%scan3A_130 = %scan3A_47) -> (i32)  : i32 {
      %mul3A_131 = arith.constant 2 : i32
      %mul3A_132 = arith.muli %mul3A_131, %scan3A_129 : i32
      %dma_wait3A_133 = arith.constant 0 : i32
      %dma_wait3A_134 = arith.constant 0 : i32
      %dma_wait3A_135 = tpu.memref_slice %arg5[%dma_wait3A_133, %dma_wait3A_134] : memref<100000x128xf32, #tpu.memory_space<hbm>> -> memref<224x128xf32, #tpu.memory_space<hbm>>
      %dma_wait3A_136 = arith.constant 0 : i32
      %dma_wait3A_137 = arith.constant 0 : i32
      %dma_wait3A_138 = tpu.memref_slice %arg5[%dma_wait3A_136, %dma_wait3A_137] : memref<100000x128xf32, #tpu.memory_space<hbm>> -> memref<224x128xf32, #tpu.memory_space<hbm>>
      tpu.wait_dma2 semaphore(%arg19 : memref<!tpu.dma_semaphore, #tpu.memory_space<semaphore_mem>>) src(%dma_wait3A_138 : memref<224x128xf32, #tpu.memory_space<hbm>>) dst(%arg17 : memref<224x128xf32, #tpu.memory_space<vmem>>)
      %mul3A_139 = arith.constant 224 : i32
      %mul3A_140 = arith.muli %mul3A_132, %mul3A_139 : i32
      %add3A_141 = arith.addi %mul3A_6, %mul3A_140 : i32
      "tpu.region"() ({
        %run_scoped3A = tpu.sem_alloc : memref<!tpu.dma_semaphore, #tpu.memory_space<semaphore_mem>>
        %dma_start3A_170 = arith.constant 0 : i32
        %dma_start3A_171 = tpu.memref_slice %arg8[%add3A_141, %dma_start3A_170] : memref<50176x128xf32, #tpu.memory_space<hbm>> -> memref<224x128xf32, #tpu.memory_space<hbm>>
        %dma_start3A_172 = arith.constant 0 : i32
        %dma_start3A_173 = tpu.memref_slice %arg8[%add3A_141, %dma_start3A_172] : memref<50176x128xf32, #tpu.memory_space<hbm>> -> memref<224x128xf32, #tpu.memory_space<hbm>>
        tpu.enqueue_dma source(%arg17 : memref<224x128xf32, #tpu.memory_space<vmem>>) target(%dma_start3A_173 : memref<224x128xf32, #tpu.memory_space<hbm>>) target_semaphore(%run_scoped3A : memref<!tpu.dma_semaphore, #tpu.memory_space<semaphore_mem>>)
        %dma_wait3A_174 = arith.constant 0 : i32
        %dma_wait3A_175 = tpu.memref_slice %arg8[%add3A_141, %dma_wait3A_174] : memref<50176x128xf32, #tpu.memory_space<hbm>> -> memref<224x128xf32, #tpu.memory_space<hbm>>
        %dma_wait3A_176 = arith.constant 0 : i32
        %dma_wait3A_177 = tpu.memref_slice %arg8[%add3A_141, %dma_wait3A_176] : memref<50176x128xf32, #tpu.memory_space<hbm>> -> memref<224x128xf32, #tpu.memory_space<hbm>>
        tpu.wait_dma2 semaphore(%run_scoped3A : memref<!tpu.dma_semaphore, #tpu.memory_space<semaphore_mem>>) src(%arg17 : memref<224x128xf32, #tpu.memory_space<vmem>>) dst(%dma_wait3A_177 : memref<224x128xf32, #tpu.memory_space<hbm>>)
        tpu.yield
      }) : () -> ()
      %add3A_142 = arith.constant 2 : i32
      %add3A_143 = arith.addi %mul3A_132, %add3A_142 : i32
      %mul3A_144 = arith.constant 224 : i32
      %mul3A_145 = arith.muli %add3A_143, %mul3A_144 : i32
      %dma_start3A_146 = tpu.memref_slice %arg13[%mul3A_145] : memref<1568xi32, #tpu.memory_space<vmem>> -> memref<224xi32, #tpu.memory_space<vmem>>
      %dma_start3A_147 = arith.constant 0 : i32
      %dma_start3A_148 = arith.constant 0 : i32
      %dma_start3A_149 = tpu.memref_slice %arg5[%dma_start3A_147, %dma_start3A_148] : memref<100000x128xf32, #tpu.memory_space<hbm>> -> memref<100000x128xf32, #tpu.memory_space<hbm>>
      tpu.enqueue_indirect_dma source(%dma_start3A_149 : memref<100000x128xf32, #tpu.memory_space<hbm>>) target(%arg17 : memref<224x128xf32, #tpu.memory_space<vmem>>) offsets(%dma_start3A_146 : memref<224xi32, #tpu.memory_space<vmem>>) semaphore(%arg19 : memref<!tpu.dma_semaphore, #tpu.memory_space<semaphore_mem>>)
      %dma_wait3A_150 = arith.constant 0 : i32
      %dma_wait3A_151 = arith.constant 0 : i32
      %dma_wait3A_152 = tpu.memref_slice %arg5[%dma_wait3A_150, %dma_wait3A_151] : memref<100000x128xf32, #tpu.memory_space<hbm>> -> memref<224x128xf32, #tpu.memory_space<hbm>>
      %dma_wait3A_153 = arith.constant 0 : i32
      %dma_wait3A_154 = arith.constant 0 : i32
      %dma_wait3A_155 = tpu.memref_slice %arg5[%dma_wait3A_153, %dma_wait3A_154] : memref<100000x128xf32, #tpu.memory_space<hbm>> -> memref<224x128xf32, #tpu.memory_space<hbm>>
      tpu.wait_dma2 semaphore(%arg20 : memref<!tpu.dma_semaphore, #tpu.memory_space<semaphore_mem>>) src(%dma_wait3A_155 : memref<224x128xf32, #tpu.memory_space<hbm>>) dst(%arg18 : memref<224x128xf32, #tpu.memory_space<vmem>>)
      %add3A_156 = arith.constant 1 : i32
      %add3A_157 = arith.addi %mul3A_132, %add3A_156 : i32
      %mul3A_158 = arith.constant 224 : i32
      %mul3A_159 = arith.muli %add3A_157, %mul3A_158 : i32
      %add3A_160 = arith.addi %mul3A_6, %mul3A_159 : i32
      "tpu.region"() ({
        %run_scoped3A = tpu.sem_alloc : memref<!tpu.dma_semaphore, #tpu.memory_space<semaphore_mem>>
        %dma_start3A_170 = arith.constant 0 : i32
        %dma_start3A_171 = tpu.memref_slice %arg8[%add3A_160, %dma_start3A_170] : memref<50176x128xf32, #tpu.memory_space<hbm>> -> memref<224x128xf32, #tpu.memory_space<hbm>>
        %dma_start3A_172 = arith.constant 0 : i32
        %dma_start3A_173 = tpu.memref_slice %arg8[%add3A_160, %dma_start3A_172] : memref<50176x128xf32, #tpu.memory_space<hbm>> -> memref<224x128xf32, #tpu.memory_space<hbm>>
        tpu.enqueue_dma source(%arg18 : memref<224x128xf32, #tpu.memory_space<vmem>>) target(%dma_start3A_173 : memref<224x128xf32, #tpu.memory_space<hbm>>) target_semaphore(%run_scoped3A : memref<!tpu.dma_semaphore, #tpu.memory_space<semaphore_mem>>)
        %dma_wait3A_174 = arith.constant 0 : i32
        %dma_wait3A_175 = tpu.memref_slice %arg8[%add3A_160, %dma_wait3A_174] : memref<50176x128xf32, #tpu.memory_space<hbm>> -> memref<224x128xf32, #tpu.memory_space<hbm>>
        %dma_wait3A_176 = arith.constant 0 : i32
        %dma_wait3A_177 = tpu.memref_slice %arg8[%add3A_160, %dma_wait3A_176] : memref<50176x128xf32, #tpu.memory_space<hbm>> -> memref<224x128xf32, #tpu.memory_space<hbm>>
        tpu.wait_dma2 semaphore(%run_scoped3A : memref<!tpu.dma_semaphore, #tpu.memory_space<semaphore_mem>>) src(%arg18 : memref<224x128xf32, #tpu.memory_space<vmem>>) dst(%dma_wait3A_177 : memref<224x128xf32, #tpu.memory_space<hbm>>)
        tpu.yield
      }) : () -> ()
      %add3A_161 = arith.constant 3 : i32
      %add3A_162 = arith.addi %mul3A_132, %add3A_161 : i32
      %mul3A_163 = arith.constant 224 : i32
      %mul3A_164 = arith.muli %add3A_162, %mul3A_163 : i32
      %dma_start3A_165 = tpu.memref_slice %arg13[%mul3A_164] : memref<1568xi32, #tpu.memory_space<vmem>> -> memref<224xi32, #tpu.memory_space<vmem>>
      %dma_start3A_166 = arith.constant 0 : i32
      %dma_start3A_167 = arith.constant 0 : i32
      %dma_start3A_168 = tpu.memref_slice %arg5[%dma_start3A_166, %dma_start3A_167] : memref<100000x128xf32, #tpu.memory_space<hbm>> -> memref<100000x128xf32, #tpu.memory_space<hbm>>
      tpu.enqueue_indirect_dma source(%dma_start3A_168 : memref<100000x128xf32, #tpu.memory_space<hbm>>) target(%arg18 : memref<224x128xf32, #tpu.memory_space<vmem>>) offsets(%dma_start3A_165 : memref<224xi32, #tpu.memory_space<vmem>>) semaphore(%arg20 : memref<!tpu.dma_semaphore, #tpu.memory_space<semaphore_mem>>)
      %scan3A_169 = arith.constant 0 : i32
      scf.yield %scan3A_169 : i32
    }
    %scan3A_53 = arith.constant 2 : i32
    %dma_wait3A_54 = arith.constant 0 : i32
    %dma_wait3A_55 = arith.constant 0 : i32
    %dma_wait3A_56 = tpu.memref_slice %arg5[%dma_wait3A_54, %dma_wait3A_55] : memref<100000x128xf32, #tpu.memory_space<hbm>> -> memref<224x128xf32, #tpu.memory_space<hbm>>
    %dma_wait3A_57 = arith.constant 0 : i32
    %dma_wait3A_58 = arith.constant 0 : i32
    %dma_wait3A_59 = tpu.memref_slice %arg5[%dma_wait3A_57, %dma_wait3A_58] : memref<100000x128xf32, #tpu.memory_space<hbm>> -> memref<224x128xf32, #tpu.memory_space<hbm>>
    tpu.wait_dma2 semaphore(%arg19 : memref<!tpu.dma_semaphore, #tpu.memory_space<semaphore_mem>>) src(%dma_wait3A_59 : memref<224x128xf32, #tpu.memory_space<hbm>>) dst(%arg17 : memref<224x128xf32, #tpu.memory_space<vmem>>)
    %add3A_60 = arith.constant 896 : i32
    %add3A_61 = arith.addi %mul3A_6, %add3A_60 : i32
    "tpu.region"() ({
      %run_scoped3A = tpu.sem_alloc : memref<!tpu.dma_semaphore, #tpu.memory_space<semaphore_mem>>
      %dma_start3A_129 = arith.constant 0 : i32
      %dma_start3A_130 = tpu.memref_slice %arg8[%add3A_61, %dma_start3A_129] : memref<50176x128xf32, #tpu.memory_space<hbm>> -> memref<224x128xf32, #tpu.memory_space<hbm>>
      %dma_start3A_131 = arith.constant 0 : i32
      %dma_start3A_132 = tpu.memref_slice %arg8[%add3A_61, %dma_start3A_131] : memref<50176x128xf32, #tpu.memory_space<hbm>> -> memref<224x128xf32, #tpu.memory_space<hbm>>
      tpu.enqueue_dma source(%arg17 : memref<224x128xf32, #tpu.memory_space<vmem>>) target(%dma_start3A_132 : memref<224x128xf32, #tpu.memory_space<hbm>>) target_semaphore(%run_scoped3A : memref<!tpu.dma_semaphore, #tpu.memory_space<semaphore_mem>>)
      %dma_wait3A_133 = arith.constant 0 : i32
      %dma_wait3A_134 = tpu.memref_slice %arg8[%add3A_61, %dma_wait3A_133] : memref<50176x128xf32, #tpu.memory_space<hbm>> -> memref<224x128xf32, #tpu.memory_space<hbm>>
      %dma_wait3A_135 = arith.constant 0 : i32
      %dma_wait3A_136 = tpu.memref_slice %arg8[%add3A_61, %dma_wait3A_135] : memref<50176x128xf32, #tpu.memory_space<hbm>> -> memref<224x128xf32, #tpu.memory_space<hbm>>
      tpu.wait_dma2 semaphore(%run_scoped3A : memref<!tpu.dma_semaphore, #tpu.memory_space<semaphore_mem>>) src(%arg17 : memref<224x128xf32, #tpu.memory_space<vmem>>) dst(%dma_wait3A_136 : memref<224x128xf32, #tpu.memory_space<hbm>>)
      tpu.yield
    }) : () -> ()
    %dma_start3A_62 = arith.constant 1344 : i32
    %dma_start3A_63 = tpu.memref_slice %arg13[%dma_start3A_62] : memref<1568xi32, #tpu.memory_space<vmem>> -> memref<224xi32, #tpu.memory_space<vmem>>
    %dma_start3A_64 = arith.constant 0 : i32
    %dma_start3A_65 = arith.constant 0 : i32
    %dma_start3A_66 = tpu.memref_slice %arg5[%dma_start3A_64, %dma_start3A_65] : memref<100000x128xf32, #tpu.memory_space<hbm>> -> memref<100000x128xf32, #tpu.memory_space<hbm>>
    tpu.enqueue_indirect_dma source(%dma_start3A_66 : memref<100000x128xf32, #tpu.memory_space<hbm>>) target(%arg17 : memref<224x128xf32, #tpu.memory_space<vmem>>) offsets(%dma_start3A_63 : memref<224xi32, #tpu.memory_space<vmem>>) semaphore(%arg19 : memref<!tpu.dma_semaphore, #tpu.memory_space<semaphore_mem>>)
    %dma_wait3A_67 = arith.constant 0 : i32
    %dma_wait3A_68 = arith.constant 0 : i32
    %dma_wait3A_69 = tpu.memref_slice %arg5[%dma_wait3A_67, %dma_wait3A_68] : memref<100000x128xf32, #tpu.memory_space<hbm>> -> memref<224x128xf32, #tpu.memory_space<hbm>>
    %dma_wait3A_70 = arith.constant 0 : i32
    %dma_wait3A_71 = arith.constant 0 : i32
    %dma_wait3A_72 = tpu.memref_slice %arg5[%dma_wait3A_70, %dma_wait3A_71] : memref<100000x128xf32, #tpu.memory_space<hbm>> -> memref<224x128xf32, #tpu.memory_space<hbm>>
    tpu.wait_dma2 semaphore(%arg20 : memref<!tpu.dma_semaphore, #tpu.memory_space<semaphore_mem>>) src(%dma_wait3A_72 : memref<224x128xf32, #tpu.memory_space<hbm>>) dst(%arg18 : memref<224x128xf32, #tpu.memory_space<vmem>>)
    %add3A_73 = arith.constant 1120 : i32
    %add3A_74 = arith.addi %mul3A_6, %add3A_73 : i32
    "tpu.region"() ({
      %run_scoped3A = tpu.sem_alloc : memref<!tpu.dma_semaphore, #tpu.memory_space<semaphore_mem>>
      %dma_start3A_129 = arith.constant 0 : i32
      %dma_start3A_130 = tpu.memref_slice %arg8[%add3A_74, %dma_start3A_129] : memref<50176x128xf32, #tpu.memory_space<hbm>> -> memref<224x128xf32, #tpu.memory_space<hbm>>
      %dma_start3A_131 = arith.constant 0 : i32
      %dma_start3A_132 = tpu.memref_slice %arg8[%add3A_74, %dma_start3A_131] : memref<50176x128xf32, #tpu.memory_space<hbm>> -> memref<224x128xf32, #tpu.memory_space<hbm>>
      tpu.enqueue_dma source(%arg18 : memref<224x128xf32, #tpu.memory_space<vmem>>) target(%dma_start3A_132 : memref<224x128xf32, #tpu.memory_space<hbm>>) target_semaphore(%run_scoped3A : memref<!tpu.dma_semaphore, #tpu.memory_space<semaphore_mem>>)
      %dma_wait3A_133 = arith.constant 0 : i32
      %dma_wait3A_134 = tpu.memref_slice %arg8[%add3A_74, %dma_wait3A_133] : memref<50176x128xf32, #tpu.memory_space<hbm>> -> memref<224x128xf32, #tpu.memory_space<hbm>>
      %dma_wait3A_135 = arith.constant 0 : i32
      %dma_wait3A_136 = tpu.memref_slice %arg8[%add3A_74, %dma_wait3A_135] : memref<50176x128xf32, #tpu.memory_space<hbm>> -> memref<224x128xf32, #tpu.memory_space<hbm>>
      tpu.wait_dma2 semaphore(%run_scoped3A : memref<!tpu.dma_semaphore, #tpu.memory_space<semaphore_mem>>) src(%arg18 : memref<224x128xf32, #tpu.memory_space<vmem>>) dst(%dma_wait3A_136 : memref<224x128xf32, #tpu.memory_space<hbm>>)
      tpu.yield
    }) : () -> ()
    %dma_wait3A_75 = arith.constant 0 : i32
    %dma_wait3A_76 = arith.constant 0 : i32
    %dma_wait3A_77 = tpu.memref_slice %arg5[%dma_wait3A_75, %dma_wait3A_76] : memref<100000x128xf32, #tpu.memory_space<hbm>> -> memref<224x128xf32, #tpu.memory_space<hbm>>
    %dma_wait3A_78 = arith.constant 0 : i32
    %dma_wait3A_79 = arith.constant 0 : i32
    %dma_wait3A_80 = tpu.memref_slice %arg5[%dma_wait3A_78, %dma_wait3A_79] : memref<100000x128xf32, #tpu.memory_space<hbm>> -> memref<224x128xf32, #tpu.memory_space<hbm>>
    tpu.wait_dma2 semaphore(%arg19 : memref<!tpu.dma_semaphore, #tpu.memory_space<semaphore_mem>>) src(%dma_wait3A_80 : memref<224x128xf32, #tpu.memory_space<hbm>>) dst(%arg17 : memref<224x128xf32, #tpu.memory_space<vmem>>)
    %add3A_81 = arith.constant 1344 : i32
    %add3A_82 = arith.addi %mul3A_6, %add3A_81 : i32
    "tpu.region"() ({
      %run_scoped3A = tpu.sem_alloc : memref<!tpu.dma_semaphore, #tpu.memory_space<semaphore_mem>>
      %dma_start3A_129 = arith.constant 0 : i32
      %dma_start3A_130 = tpu.memref_slice %arg8[%add3A_82, %dma_start3A_129] : memref<50176x128xf32, #tpu.memory_space<hbm>> -> memref<224x128xf32, #tpu.memory_space<hbm>>
      %dma_start3A_131 = arith.constant 0 : i32
      %dma_start3A_132 = tpu.memref_slice %arg8[%add3A_82, %dma_start3A_131] : memref<50176x128xf32, #tpu.memory_space<hbm>> -> memref<224x128xf32, #tpu.memory_space<hbm>>
      tpu.enqueue_dma source(%arg17 : memref<224x128xf32, #tpu.memory_space<vmem>>) target(%dma_start3A_132 : memref<224x128xf32, #tpu.memory_space<hbm>>) target_semaphore(%run_scoped3A : memref<!tpu.dma_semaphore, #tpu.memory_space<semaphore_mem>>)
      %dma_wait3A_133 = arith.constant 0 : i32
      %dma_wait3A_134 = tpu.memref_slice %arg8[%add3A_82, %dma_wait3A_133] : memref<50176x128xf32, #tpu.memory_space<hbm>> -> memref<224x128xf32, #tpu.memory_space<hbm>>
      %dma_wait3A_135 = arith.constant 0 : i32
      %dma_wait3A_136 = tpu.memref_slice %arg8[%add3A_82, %dma_wait3A_135] : memref<50176x128xf32, #tpu.memory_space<hbm>> -> memref<224x128xf32, #tpu.memory_space<hbm>>
      tpu.wait_dma2 semaphore(%run_scoped3A : memref<!tpu.dma_semaphore, #tpu.memory_space<semaphore_mem>>) src(%arg17 : memref<224x128xf32, #tpu.memory_space<vmem>>) dst(%dma_wait3A_136 : memref<224x128xf32, #tpu.memory_space<hbm>>)
      tpu.yield
    }) : () -> ()
    %dma_start3A_83 = arith.constant 0 : i32
    %dma_start3A_84 = tpu.memref_slice %arg14[%dma_start3A_83] : memref<1568xi32, #tpu.memory_space<vmem>> -> memref<224xi32, #tpu.memory_space<vmem>>
    %dma_start3A_85 = arith.constant 0 : i32
    %dma_start3A_86 = arith.constant 0 : i32
    %dma_start3A_87 = tpu.memref_slice %arg5[%dma_start3A_85, %dma_start3A_86] : memref<100000x128xf32, #tpu.memory_space<hbm>> -> memref<100000x128xf32, #tpu.memory_space<hbm>>
    tpu.enqueue_indirect_dma source(%dma_start3A_87 : memref<100000x128xf32, #tpu.memory_space<hbm>>) target(%arg17 : memref<224x128xf32, #tpu.memory_space<vmem>>) offsets(%dma_start3A_84 : memref<224xi32, #tpu.memory_space<vmem>>) semaphore(%arg19 : memref<!tpu.dma_semaphore, #tpu.memory_space<semaphore_mem>>)
    %dma_start3A_88 = arith.constant 224 : i32
    %dma_start3A_89 = tpu.memref_slice %arg14[%dma_start3A_88] : memref<1568xi32, #tpu.memory_space<vmem>> -> memref<224xi32, #tpu.memory_space<vmem>>
    %dma_start3A_90 = arith.constant 0 : i32
    %dma_start3A_91 = arith.constant 0 : i32
    %dma_start3A_92 = tpu.memref_slice %arg5[%dma_start3A_90, %dma_start3A_91] : memref<100000x128xf32, #tpu.memory_space<hbm>> -> memref<100000x128xf32, #tpu.memory_space<hbm>>
    tpu.enqueue_indirect_dma source(%dma_start3A_92 : memref<100000x128xf32, #tpu.memory_space<hbm>>) target(%arg18 : memref<224x128xf32, #tpu.memory_space<vmem>>) offsets(%dma_start3A_89 : memref<224xi32, #tpu.memory_space<vmem>>) semaphore(%arg20 : memref<!tpu.dma_semaphore, #tpu.memory_space<semaphore_mem>>)
    %scan3A_93 = arith.constant 0 : i32
    %scan3A_94 = arith.constant 0 : i32
    %scan3A_95 = arith.constant 2 : i32
    %scan3A_96 = arith.addi %scan3A_94, %scan3A_95 : i32
    %scan3A_97 = arith.constant 1 : i32
    %scan3A_98 = scf.for %scan3A_129 = %scan3A_94 to %scan3A_96 step %scan3A_97 iter_args(%scan3A_130 = %scan3A_93) -> (i32)  : i32 {
      %mul3A_131 = arith.constant 2 : i32
      %mul3A_132 = arith.muli %mul3A_131, %scan3A_129 : i32
      %dma_wait3A_133 = arith.constant 0 : i32
      %dma_wait3A_134 = arith.constant 0 : i32
      %dma_wait3A_135 = tpu.memref_slice %arg5[%dma_wait3A_133, %dma_wait3A_134] : memref<100000x128xf32, #tpu.memory_space<hbm>> -> memref<224x128xf32, #tpu.memory_space<hbm>>
      %dma_wait3A_136 = arith.constant 0 : i32
      %dma_wait3A_137 = arith.constant 0 : i32
      %dma_wait3A_138 = tpu.memref_slice %arg5[%dma_wait3A_136, %dma_wait3A_137] : memref<100000x128xf32, #tpu.memory_space<hbm>> -> memref<224x128xf32, #tpu.memory_space<hbm>>
      tpu.wait_dma2 semaphore(%arg19 : memref<!tpu.dma_semaphore, #tpu.memory_space<semaphore_mem>>) src(%dma_wait3A_138 : memref<224x128xf32, #tpu.memory_space<hbm>>) dst(%arg17 : memref<224x128xf32, #tpu.memory_space<vmem>>)
      %mul3A_139 = arith.constant 224 : i32
      %mul3A_140 = arith.muli %mul3A_132, %mul3A_139 : i32
      %add3A_141 = arith.addi %mul3A_6, %mul3A_140 : i32
      "tpu.region"() ({
        %run_scoped3A = tpu.sem_alloc : memref<!tpu.dma_semaphore, #tpu.memory_space<semaphore_mem>>
        %dma_start3A_170 = arith.constant 0 : i32
        %dma_start3A_171 = tpu.memref_slice %arg9[%add3A_141, %dma_start3A_170] : memref<50176x128xf32, #tpu.memory_space<hbm>> -> memref<224x128xf32, #tpu.memory_space<hbm>>
        %dma_start3A_172 = arith.constant 0 : i32
        %dma_start3A_173 = tpu.memref_slice %arg9[%add3A_141, %dma_start3A_172] : memref<50176x128xf32, #tpu.memory_space<hbm>> -> memref<224x128xf32, #tpu.memory_space<hbm>>
        tpu.enqueue_dma source(%arg17 : memref<224x128xf32, #tpu.memory_space<vmem>>) target(%dma_start3A_173 : memref<224x128xf32, #tpu.memory_space<hbm>>) target_semaphore(%run_scoped3A : memref<!tpu.dma_semaphore, #tpu.memory_space<semaphore_mem>>)
        %dma_wait3A_174 = arith.constant 0 : i32
        %dma_wait3A_175 = tpu.memref_slice %arg9[%add3A_141, %dma_wait3A_174] : memref<50176x128xf32, #tpu.memory_space<hbm>> -> memref<224x128xf32, #tpu.memory_space<hbm>>
        %dma_wait3A_176 = arith.constant 0 : i32
        %dma_wait3A_177 = tpu.memref_slice %arg9[%add3A_141, %dma_wait3A_176] : memref<50176x128xf32, #tpu.memory_space<hbm>> -> memref<224x128xf32, #tpu.memory_space<hbm>>
        tpu.wait_dma2 semaphore(%run_scoped3A : memref<!tpu.dma_semaphore, #tpu.memory_space<semaphore_mem>>) src(%arg17 : memref<224x128xf32, #tpu.memory_space<vmem>>) dst(%dma_wait3A_177 : memref<224x128xf32, #tpu.memory_space<hbm>>)
        tpu.yield
      }) : () -> ()
      %add3A_142 = arith.constant 2 : i32
      %add3A_143 = arith.addi %mul3A_132, %add3A_142 : i32
      %mul3A_144 = arith.constant 224 : i32
      %mul3A_145 = arith.muli %add3A_143, %mul3A_144 : i32
      %dma_start3A_146 = tpu.memref_slice %arg14[%mul3A_145] : memref<1568xi32, #tpu.memory_space<vmem>> -> memref<224xi32, #tpu.memory_space<vmem>>
      %dma_start3A_147 = arith.constant 0 : i32
      %dma_start3A_148 = arith.constant 0 : i32
      %dma_start3A_149 = tpu.memref_slice %arg5[%dma_start3A_147, %dma_start3A_148] : memref<100000x128xf32, #tpu.memory_space<hbm>> -> memref<100000x128xf32, #tpu.memory_space<hbm>>
      tpu.enqueue_indirect_dma source(%dma_start3A_149 : memref<100000x128xf32, #tpu.memory_space<hbm>>) target(%arg17 : memref<224x128xf32, #tpu.memory_space<vmem>>) offsets(%dma_start3A_146 : memref<224xi32, #tpu.memory_space<vmem>>) semaphore(%arg19 : memref<!tpu.dma_semaphore, #tpu.memory_space<semaphore_mem>>)
      %dma_wait3A_150 = arith.constant 0 : i32
      %dma_wait3A_151 = arith.constant 0 : i32
      %dma_wait3A_152 = tpu.memref_slice %arg5[%dma_wait3A_150, %dma_wait3A_151] : memref<100000x128xf32, #tpu.memory_space<hbm>> -> memref<224x128xf32, #tpu.memory_space<hbm>>
      %dma_wait3A_153 = arith.constant 0 : i32
      %dma_wait3A_154 = arith.constant 0 : i32
      %dma_wait3A_155 = tpu.memref_slice %arg5[%dma_wait3A_153, %dma_wait3A_154] : memref<100000x128xf32, #tpu.memory_space<hbm>> -> memref<224x128xf32, #tpu.memory_space<hbm>>
      tpu.wait_dma2 semaphore(%arg20 : memref<!tpu.dma_semaphore, #tpu.memory_space<semaphore_mem>>) src(%dma_wait3A_155 : memref<224x128xf32, #tpu.memory_space<hbm>>) dst(%arg18 : memref<224x128xf32, #tpu.memory_space<vmem>>)
      %add3A_156 = arith.constant 1 : i32
      %add3A_157 = arith.addi %mul3A_132, %add3A_156 : i32
      %mul3A_158 = arith.constant 224 : i32
      %mul3A_159 = arith.muli %add3A_157, %mul3A_158 : i32
      %add3A_160 = arith.addi %mul3A_6, %mul3A_159 : i32
      "tpu.region"() ({
        %run_scoped3A = tpu.sem_alloc : memref<!tpu.dma_semaphore, #tpu.memory_space<semaphore_mem>>
        %dma_start3A_170 = arith.constant 0 : i32
        %dma_start3A_171 = tpu.memref_slice %arg9[%add3A_160, %dma_start3A_170] : memref<50176x128xf32, #tpu.memory_space<hbm>> -> memref<224x128xf32, #tpu.memory_space<hbm>>
        %dma_start3A_172 = arith.constant 0 : i32
        %dma_start3A_173 = tpu.memref_slice %arg9[%add3A_160, %dma_start3A_172] : memref<50176x128xf32, #tpu.memory_space<hbm>> -> memref<224x128xf32, #tpu.memory_space<hbm>>
        tpu.enqueue_dma source(%arg18 : memref<224x128xf32, #tpu.memory_space<vmem>>) target(%dma_start3A_173 : memref<224x128xf32, #tpu.memory_space<hbm>>) target_semaphore(%run_scoped3A : memref<!tpu.dma_semaphore, #tpu.memory_space<semaphore_mem>>)
        %dma_wait3A_174 = arith.constant 0 : i32
        %dma_wait3A_175 = tpu.memref_slice %arg9[%add3A_160, %dma_wait3A_174] : memref<50176x128xf32, #tpu.memory_space<hbm>> -> memref<224x128xf32, #tpu.memory_space<hbm>>
        %dma_wait3A_176 = arith.constant 0 : i32
        %dma_wait3A_177 = tpu.memref_slice %arg9[%add3A_160, %dma_wait3A_176] : memref<50176x128xf32, #tpu.memory_space<hbm>> -> memref<224x128xf32, #tpu.memory_space<hbm>>
        tpu.wait_dma2 semaphore(%run_scoped3A : memref<!tpu.dma_semaphore, #tpu.memory_space<semaphore_mem>>) src(%arg18 : memref<224x128xf32, #tpu.memory_space<vmem>>) dst(%dma_wait3A_177 : memref<224x128xf32, #tpu.memory_space<hbm>>)
        tpu.yield
      }) : () -> ()
      %add3A_161 = arith.constant 3 : i32
      %add3A_162 = arith.addi %mul3A_132, %add3A_161 : i32
      %mul3A_163 = arith.constant 224 : i32
      %mul3A_164 = arith.muli %add3A_162, %mul3A_163 : i32
      %dma_start3A_165 = tpu.memref_slice %arg14[%mul3A_164] : memref<1568xi32, #tpu.memory_space<vmem>> -> memref<224xi32, #tpu.memory_space<vmem>>
      %dma_start3A_166 = arith.constant 0 : i32
      %dma_start3A_167 = arith.constant 0 : i32
      %dma_start3A_168 = tpu.memref_slice %arg5[%dma_start3A_166, %dma_start3A_167] : memref<100000x128xf32, #tpu.memory_space<hbm>> -> memref<100000x128xf32, #tpu.memory_space<hbm>>
      tpu.enqueue_indirect_dma source(%dma_start3A_168 : memref<100000x128xf32, #tpu.memory_space<hbm>>) target(%arg18 : memref<224x128xf32, #tpu.memory_space<vmem>>) offsets(%dma_start3A_165 : memref<224xi32, #tpu.memory_space<vmem>>) semaphore(%arg20 : memref<!tpu.dma_semaphore, #tpu.memory_space<semaphore_mem>>)
      %scan3A_169 = arith.constant 0 : i32
      scf.yield %scan3A_169 : i32
    }
    %scan3A_99 = arith.constant 2 : i32
    %dma_wait3A_100 = arith.constant 0 : i32
    %dma_wait3A_101 = arith.constant 0 : i32
    %dma_wait3A_102 = tpu.memref_slice %arg5[%dma_wait3A_100, %dma_wait3A_101] : memref<100000x128xf32, #tpu.memory_space<hbm>> -> memref<224x128xf32, #tpu.memory_space<hbm>>
    %dma_wait3A_103 = arith.constant 0 : i32
    %dma_wait3A_104 = arith.constant 0 : i32
    %dma_wait3A_105 = tpu.memref_slice %arg5[%dma_wait3A_103, %dma_wait3A_104] : memref<100000x128xf32, #tpu.memory_space<hbm>> -> memref<224x128xf32, #tpu.memory_space<hbm>>
    tpu.wait_dma2 semaphore(%arg19 : memref<!tpu.dma_semaphore, #tpu.memory_space<semaphore_mem>>) src(%dma_wait3A_105 : memref<224x128xf32, #tpu.memory_space<hbm>>) dst(%arg17 : memref<224x128xf32, #tpu.memory_space<vmem>>)
    %add3A_106 = arith.constant 896 : i32
    %add3A_107 = arith.addi %mul3A_6, %add3A_106 : i32
    "tpu.region"() ({
      %run_scoped3A = tpu.sem_alloc : memref<!tpu.dma_semaphore, #tpu.memory_space<semaphore_mem>>
      %dma_start3A_129 = arith.constant 0 : i32
      %dma_start3A_130 = tpu.memref_slice %arg9[%add3A_107, %dma_start3A_129] : memref<50176x128xf32, #tpu.memory_space<hbm>> -> memref<224x128xf32, #tpu.memory_space<hbm>>
      %dma_start3A_131 = arith.constant 0 : i32
      %dma_start3A_132 = tpu.memref_slice %arg9[%add3A_107, %dma_start3A_131] : memref<50176x128xf32, #tpu.memory_space<hbm>> -> memref<224x128xf32, #tpu.memory_space<hbm>>
      tpu.enqueue_dma source(%arg17 : memref<224x128xf32, #tpu.memory_space<vmem>>) target(%dma_start3A_132 : memref<224x128xf32, #tpu.memory_space<hbm>>) target_semaphore(%run_scoped3A : memref<!tpu.dma_semaphore, #tpu.memory_space<semaphore_mem>>)
      %dma_wait3A_133 = arith.constant 0 : i32
      %dma_wait3A_134 = tpu.memref_slice %arg9[%add3A_107, %dma_wait3A_133] : memref<50176x128xf32, #tpu.memory_space<hbm>> -> memref<224x128xf32, #tpu.memory_space<hbm>>
      %dma_wait3A_135 = arith.constant 0 : i32
      %dma_wait3A_136 = tpu.memref_slice %arg9[%add3A_107, %dma_wait3A_135] : memref<50176x128xf32, #tpu.memory_space<hbm>> -> memref<224x128xf32, #tpu.memory_space<hbm>>
      tpu.wait_dma2 semaphore(%run_scoped3A : memref<!tpu.dma_semaphore, #tpu.memory_space<semaphore_mem>>) src(%arg17 : memref<224x128xf32, #tpu.memory_space<vmem>>) dst(%dma_wait3A_136 : memref<224x128xf32, #tpu.memory_space<hbm>>)
      tpu.yield
    }) : () -> ()
    %dma_start3A_108 = arith.constant 1344 : i32
    %dma_start3A_109 = tpu.memref_slice %arg14[%dma_start3A_108] : memref<1568xi32, #tpu.memory_space<vmem>> -> memref<224xi32, #tpu.memory_space<vmem>>
    %dma_start3A_110 = arith.constant 0 : i32
    %dma_start3A_111 = arith.constant 0 : i32
    %dma_start3A_112 = tpu.memref_slice %arg5[%dma_start3A_110, %dma_start3A_111] : memref<100000x128xf32, #tpu.memory_space<hbm>> -> memref<100000x128xf32, #tpu.memory_space<hbm>>
    tpu.enqueue_indirect_dma source(%dma_start3A_112 : memref<100000x128xf32, #tpu.memory_space<hbm>>) target(%arg17 : memref<224x128xf32, #tpu.memory_space<vmem>>) offsets(%dma_start3A_109 : memref<224xi32, #tpu.memory_space<vmem>>) semaphore(%arg19 : memref<!tpu.dma_semaphore, #tpu.memory_space<semaphore_mem>>)
    %dma_wait3A_113 = arith.constant 0 : i32
    %dma_wait3A_114 = arith.constant 0 : i32
    %dma_wait3A_115 = tpu.memref_slice %arg5[%dma_wait3A_113, %dma_wait3A_114] : memref<100000x128xf32, #tpu.memory_space<hbm>> -> memref<224x128xf32, #tpu.memory_space<hbm>>
    %dma_wait3A_116 = arith.constant 0 : i32
    %dma_wait3A_117 = arith.constant 0 : i32
    %dma_wait3A_118 = tpu.memref_slice %arg5[%dma_wait3A_116, %dma_wait3A_117] : memref<100000x128xf32, #tpu.memory_space<hbm>> -> memref<224x128xf32, #tpu.memory_space<hbm>>
    tpu.wait_dma2 semaphore(%arg20 : memref<!tpu.dma_semaphore, #tpu.memory_space<semaphore_mem>>) src(%dma_wait3A_118 : memref<224x128xf32, #tpu.memory_space<hbm>>) dst(%arg18 : memref<224x128xf32, #tpu.memory_space<vmem>>)
    %add3A_119 = arith.constant 1120 : i32
    %add3A_120 = arith.addi %mul3A_6, %add3A_119 : i32
    "tpu.region"() ({
      %run_scoped3A = tpu.sem_alloc : memref<!tpu.dma_semaphore, #tpu.memory_space<semaphore_mem>>
      %dma_start3A_129 = arith.constant 0 : i32
      %dma_start3A_130 = tpu.memref_slice %arg9[%add3A_120, %dma_start3A_129] : memref<50176x128xf32, #tpu.memory_space<hbm>> -> memref<224x128xf32, #tpu.memory_space<hbm>>
      %dma_start3A_131 = arith.constant 0 : i32
      %dma_start3A_132 = tpu.memref_slice %arg9[%add3A_120, %dma_start3A_131] : memref<50176x128xf32, #tpu.memory_space<hbm>> -> memref<224x128xf32, #tpu.memory_space<hbm>>
      tpu.enqueue_dma source(%arg18 : memref<224x128xf32, #tpu.memory_space<vmem>>) target(%dma_start3A_132 : memref<224x128xf32, #tpu.memory_space<hbm>>) target_semaphore(%run_scoped3A : memref<!tpu.dma_semaphore, #tpu.memory_space<semaphore_mem>>)
      %dma_wait3A_133 = arith.constant 0 : i32
      %dma_wait3A_134 = tpu.memref_slice %arg9[%add3A_120, %dma_wait3A_133] : memref<50176x128xf32, #tpu.memory_space<hbm>> -> memref<224x128xf32, #tpu.memory_space<hbm>>
      %dma_wait3A_135 = arith.constant 0 : i32
      %dma_wait3A_136 = tpu.memref_slice %arg9[%add3A_120, %dma_wait3A_135] : memref<50176x128xf32, #tpu.memory_space<hbm>> -> memref<224x128xf32, #tpu.memory_space<hbm>>
      tpu.wait_dma2 semaphore(%run_scoped3A : memref<!tpu.dma_semaphore, #tpu.memory_space<semaphore_mem>>) src(%arg18 : memref<224x128xf32, #tpu.memory_space<vmem>>) dst(%dma_wait3A_136 : memref<224x128xf32, #tpu.memory_space<hbm>>)
      tpu.yield
    }) : () -> ()
    %dma_wait3A_121 = arith.constant 0 : i32
    %dma_wait3A_122 = arith.constant 0 : i32
    %dma_wait3A_123 = tpu.memref_slice %arg5[%dma_wait3A_121, %dma_wait3A_122] : memref<100000x128xf32, #tpu.memory_space<hbm>> -> memref<224x128xf32, #tpu.memory_space<hbm>>
    %dma_wait3A_124 = arith.constant 0 : i32
    %dma_wait3A_125 = arith.constant 0 : i32
    %dma_wait3A_126 = tpu.memref_slice %arg5[%dma_wait3A_124, %dma_wait3A_125] : memref<100000x128xf32, #tpu.memory_space<hbm>> -> memref<224x128xf32, #tpu.memory_space<hbm>>
    tpu.wait_dma2 semaphore(%arg19 : memref<!tpu.dma_semaphore, #tpu.memory_space<semaphore_mem>>) src(%dma_wait3A_126 : memref<224x128xf32, #tpu.memory_space<hbm>>) dst(%arg17 : memref<224x128xf32, #tpu.memory_space<vmem>>)
    %add3A_127 = arith.constant 1344 : i32
    %add3A_128 = arith.addi %mul3A_6, %add3A_127 : i32
    "tpu.region"() ({
      %run_scoped3A = tpu.sem_alloc : memref<!tpu.dma_semaphore, #tpu.memory_space<semaphore_mem>>
      %dma_start3A_129 = arith.constant 0 : i32
      %dma_start3A_130 = tpu.memref_slice %arg9[%add3A_128, %dma_start3A_129] : memref<50176x128xf32, #tpu.memory_space<hbm>> -> memref<224x128xf32, #tpu.memory_space<hbm>>
      %dma_start3A_131 = arith.constant 0 : i32
      %dma_start3A_132 = tpu.memref_slice %arg9[%add3A_128, %dma_start3A_131] : memref<50176x128xf32, #tpu.memory_space<hbm>> -> memref<224x128xf32, #tpu.memory_space<hbm>>
      tpu.enqueue_dma source(%arg17 : memref<224x128xf32, #tpu.memory_space<vmem>>) target(%dma_start3A_132 : memref<224x128xf32, #tpu.memory_space<hbm>>) target_semaphore(%run_scoped3A : memref<!tpu.dma_semaphore, #tpu.memory_space<semaphore_mem>>)
      %dma_wait3A_133 = arith.constant 0 : i32
      %dma_wait3A_134 = tpu.memref_slice %arg9[%add3A_128, %dma_wait3A_133] : memref<50176x128xf32, #tpu.memory_space<hbm>> -> memref<224x128xf32, #tpu.memory_space<hbm>>
      %dma_wait3A_135 = arith.constant 0 : i32
      %dma_wait3A_136 = tpu.memref_slice %arg9[%add3A_128, %dma_wait3A_135] : memref<50176x128xf32, #tpu.memory_space<hbm>> -> memref<224x128xf32, #tpu.memory_space<hbm>>
      tpu.wait_dma2 semaphore(%run_scoped3A : memref<!tpu.dma_semaphore, #tpu.memory_space<semaphore_mem>>) src(%arg17 : memref<224x128xf32, #tpu.memory_space<vmem>>) dst(%dma_wait3A_136 : memref<224x128xf32, #tpu.memory_space<hbm>>)
      tpu.yield
    }) : () -> ()
    return
  }
}

#map = affine_map<(d0, d1) -> (0)>
module attributes {stable_mosaic.version = 14 : i64} {
  func.func @_a1_body(%arg0: i32, %arg1: i32, %arg2: memref<500224xi32, #tpu.memory_space<hbm>>, %arg3: memref<100352xi32, #tpu.memory_space<hbm>>, %arg4: memref<3211264xi32, #tpu.memory_space<hbm>>, %arg5: memref<100352xi32, #tpu.memory_space<vmem>>, %arg6: memref<15632xi32, #tpu.memory_space<vmem>>) attributes {dimension_semantics = [#tpu.dimension_semantics<core_parallel>, #tpu.dimension_semantics<subcore_parallel>], iteration_bounds = array<i64: 2, 16>, scalar_prefetch = 0 : i64, scratch_operands = 2 : i64, tpu.core_type = #tpu.core_type<sc_vector_subcore>, window_params = [{transform_indices = #map}, {transform_indices = #map}, {transform_indices = #map}]} {
    %mul3A = arith.constant 2 : i32
    %mul3A_0 = arith.muli %arg1, %mul3A : i32
    %add3A = arith.addi %mul3A_0, %arg0 : i32
    "tpu.region"() ({
      %run_scoped3A = tpu.sem_alloc : memref<!tpu.dma_semaphore, #tpu.memory_space<semaphore_mem>>
      tpu.enqueue_dma source(%arg3 : memref<100352xi32, #tpu.memory_space<hbm>>) target(%arg5 : memref<100352xi32, #tpu.memory_space<vmem>>) target_semaphore(%run_scoped3A : memref<!tpu.dma_semaphore, #tpu.memory_space<semaphore_mem>>)
      tpu.wait_dma2 semaphore(%run_scoped3A : memref<!tpu.dma_semaphore, #tpu.memory_space<semaphore_mem>>) src(%arg3 : memref<100352xi32, #tpu.memory_space<hbm>>) dst(%arg5 : memref<100352xi32, #tpu.memory_space<vmem>>)
      tpu.yield
    }) : () -> ()
    %mul3A_1 = arith.constant 15632 : i32
    %mul3A_2 = arith.muli %add3A, %mul3A_1 : i32
    "tpu.region"() ({
      %run_scoped3A = tpu.sem_alloc : memref<!tpu.dma_semaphore, #tpu.memory_space<semaphore_mem>>
      %dma_start3A = tpu.memref_slice %arg2[%mul3A_2] : memref<500224xi32, #tpu.memory_space<hbm>> -> memref<15632xi32, #tpu.memory_space<hbm>>
      %dma_start3A_13 = tpu.memref_slice %arg2[%mul3A_2] : memref<500224xi32, #tpu.memory_space<hbm>> -> memref<15632xi32, #tpu.memory_space<hbm>>
      tpu.enqueue_dma source(%dma_start3A_13 : memref<15632xi32, #tpu.memory_space<hbm>>) target(%arg6 : memref<15632xi32, #tpu.memory_space<vmem>>) target_semaphore(%run_scoped3A : memref<!tpu.dma_semaphore, #tpu.memory_space<semaphore_mem>>)
      %dma_wait3A = tpu.memref_slice %arg2[%mul3A_2] : memref<500224xi32, #tpu.memory_space<hbm>> -> memref<15632xi32, #tpu.memory_space<hbm>>
      %dma_wait3A_14 = tpu.memref_slice %arg2[%mul3A_2] : memref<500224xi32, #tpu.memory_space<hbm>> -> memref<15632xi32, #tpu.memory_space<hbm>>
      tpu.wait_dma2 semaphore(%run_scoped3A : memref<!tpu.dma_semaphore, #tpu.memory_space<semaphore_mem>>) src(%dma_wait3A_14 : memref<15632xi32, #tpu.memory_space<hbm>>) dst(%arg6 : memref<15632xi32, #tpu.memory_space<vmem>>)
      tpu.yield
    }) : () -> ()
    %mul3A_3 = arith.constant 15632 : i32
    %mul3A_4 = arith.muli %add3A, %mul3A_3 : i32
    %iota3A = tpu.iota {dimensions = array<i32: 0>} : vector<16xi32>
    %scan3A = arith.constant 0 : i32
    %scan3A_5 = arith.constant 0 : i32
    %scan3A_6 = arith.constant 977 : i32
    %scan3A_7 = arith.addi %scan3A_5, %scan3A_6 : i32
    %scan3A_8 = arith.constant 1 : i32
    %scan3A_9 = scf.for %scan3A_13 = %scan3A_5 to %scan3A_7 step %scan3A_8 iter_args(%scan3A_14 = %scan3A) -> (i32)  : i32 {
      %mul3A_15 = arith.constant 16 : i32
      %mul3A_16 = arith.muli %scan3A_13, %mul3A_15 : i32
      %get3A = arith.index_cast %mul3A_16 : i32 to index
      %get3A_17 = tpu.vector_load %arg6[%get3A] {strides = array<i32>} : memref<15632xi32, #tpu.memory_space<vmem>>, vector<16xi32>,
      %mul3A_18 = arith.constant 16 : i32
      %mul3A_19 = arith.muli %scan3A_13, %mul3A_18 : i32
      %add3A_20 = arith.addi %mul3A_4, %mul3A_19 : i32
      %add3A_21 = vector.broadcast %add3A_20 : i32 to vector<16xi32>
      %add3A_22 = arith.addi %add3A_21, %iota3A : vector<16xi32>
      tpu.vector_store_idx %arg5[%get3A_17], %add3A_22 : memref<100352xi32, #tpu.memory_space<vmem>>[vector<16xi32>], vector<16xi32>,
      %gather3A = tpu.vector_load_idx %arg5[%get3A_17] : memref<100352xi32, #tpu.memory_space<vmem>>[vector<16xi32>], vector<16xi32>,
      %lt3A = arith.cmpi slt, %gather3A, %add3A_22 : vector<16xi32>
      %while3A = scf.while (%while3A_24 = %lt3A) : (vector<16xi1>) -> vector<16xi1> {
        %jit3A = arith.constant 1 : i32
        %jit3A_25 = arith.constant 0 : i32
        %broadcast_in_dim3A = vector.broadcast %jit3A : i32 to vector<16xi32>
        %broadcast_in_dim3A_26 = vector.broadcast %jit3A_25 : i32 to vector<16xi32>
        %select_n3A = arith.select %while3A_24, %broadcast_in_dim3A, %broadcast_in_dim3A_26 : vector<16xi1>, vector<16xi32>
        %reduce_max3A = arith.constant true
        %reduce_max3A_27 = vector.broadcast %reduce_max3A : i1 to vector<16xi1>
        %reduce_max3A_28 = arith.constant -2147483648 : i32
        %reduce_max3A_29 = vector.broadcast %reduce_max3A_28 : i32 to vector<16xi32>
        %reduce_max3A_30 = arith.xori %select_n3A, %reduce_max3A_29 : vector<16xi32>
        %reduce_max3A_31 = tpu.scan <max>, %reduce_max3A_30 masked %reduce_max3A_27 : vector<16xi32>, vector<16xi1> -> vector<16xi32>
        %reduce_max3A_32 = arith.xori %reduce_max3A_31, %reduce_max3A_29 : vector<16xi32>
        %reduce_max3A_33 = vector.extract %reduce_max3A_32[15] : i32 from vector<16xi32>
        %gt3A = arith.constant 0 : i32
        %gt3A_34 = arith.cmpi sgt, %reduce_max3A_33, %gt3A : i32
        scf.condition(%gt3A_34) %while3A_24 : vector<16xi1>
      } do {
      ^bb0(%while3A_24: vector<16xi1>):
        tpu.vector_store_idx %arg5[%get3A_17], %add3A_22 masked %while3A_24 : memref<100352xi32, #tpu.memory_space<vmem>>[vector<16xi32>], vector<16xi32>, vector<16xi1>
        %gather3A_25 = tpu.vector_load_idx %arg5[%get3A_17] : memref<100352xi32, #tpu.memory_space<vmem>>[vector<16xi32>], vector<16xi32>,
        %lt3A_26 = arith.cmpi slt, %gather3A_25, %add3A_22 : vector<16xi32>
        scf.yield %lt3A_26 : vector<16xi1>
      }
      %scan3A_23 = arith.constant 0 : i32
      scf.yield %scan3A_23 : i32
    }
    %scan3A_10 = arith.constant 977 : i32
    %mul3A_11 = arith.constant 100352 : i32
    %mul3A_12 = arith.muli %add3A, %mul3A_11 : i32
    "tpu.region"() ({
      %run_scoped3A = tpu.sem_alloc : memref<!tpu.dma_semaphore, #tpu.memory_space<semaphore_mem>>
      %dma_start3A = tpu.memref_slice %arg4[%mul3A_12] : memref<3211264xi32, #tpu.memory_space<hbm>> -> memref<100352xi32, #tpu.memory_space<hbm>>
      %dma_start3A_13 = tpu.memref_slice %arg4[%mul3A_12] : memref<3211264xi32, #tpu.memory_space<hbm>> -> memref<100352xi32, #tpu.memory_space<hbm>>
      tpu.enqueue_dma source(%arg5 : memref<100352xi32, #tpu.memory_space<vmem>>) target(%dma_start3A_13 : memref<100352xi32, #tpu.memory_space<hbm>>) target_semaphore(%run_scoped3A : memref<!tpu.dma_semaphore, #tpu.memory_space<semaphore_mem>>)
      %dma_wait3A = tpu.memref_slice %arg4[%mul3A_12] : memref<3211264xi32, #tpu.memory_space<hbm>> -> memref<100352xi32, #tpu.memory_space<hbm>>
      %dma_wait3A_14 = tpu.memref_slice %arg4[%mul3A_12] : memref<3211264xi32, #tpu.memory_space<hbm>> -> memref<100352xi32, #tpu.memory_space<hbm>>
      tpu.wait_dma2 semaphore(%run_scoped3A : memref<!tpu.dma_semaphore, #tpu.memory_space<semaphore_mem>>) src(%arg5 : memref<100352xi32, #tpu.memory_space<vmem>>) dst(%dma_wait3A_14 : memref<100352xi32, #tpu.memory_space<hbm>>)
      tpu.yield
    }) : () -> ()
    return
  }
}

module attributes {stable_mosaic.version = 14 : i64} {
  func.func @_lstm_block(%arg0: i32, %arg1: memref<1568x128xf32, #tpu.memory_space<vmem>>, %arg2: memref<1568x128xf32, #tpu.memory_space<vmem>>, %arg3: memref<1568x128xf32, #tpu.memory_space<vmem>>, %arg4: memref<1568x128xf32, #tpu.memory_space<vmem>>, %arg5: memref<8x256xf32, #tpu.memory_space<vmem>>, %arg6: memref<64x256xf32, #tpu.memory_space<vmem>>, %arg7: memref<1x256xf32, #tpu.memory_space<vmem>>, %arg8: memref<1568x128xf32, #tpu.memory_space<vmem>>) attributes {dimension_semantics = [#tpu.dimension_semantics<arbitrary>], iteration_bounds = array<i64: 32>, scalar_prefetch = 0 : i64, scratch_operands = 0 : i64, tpu.core_type = #tpu.core_type<tc>, window_params = [{transform_indices = @transform_0, window_bounds = array<i64: 1568, 128>}, {transform_indices = @transform_1, window_bounds = array<i64: 1568, 128>}, {transform_indices = @transform_2, window_bounds = array<i64: 1568, 128>}, {transform_indices = @transform_3, window_bounds = array<i64: 1568, 128>}, {pipeline_mode = #tpu.pipeline_mode<synchronous>, transform_indices = @transform_4, window_bounds = array<i64: 8, 256>}, {pipeline_mode = #tpu.pipeline_mode<synchronous>, transform_indices = @transform_5, window_bounds = array<i64: 64, 256>}, {pipeline_mode = #tpu.pipeline_mode<synchronous>, transform_indices = @transform_6, window_bounds = array<i64: 1, 256>}, {transform_indices = @transform_7, window_bounds = array<i64: 1568, 128>}]} {
    %get3A = arith.constant 0 : index
    %get3A_0 = arith.constant 0 : index
    %get3A_1 = vector.load %arg5[%get3A, %get3A_0] : memref<8x256xf32, #tpu.memory_space<vmem>>, vector<8x256xf32>
    %get3A_2 = arith.constant 0 : index
    %get3A_3 = arith.constant 0 : index
    %get3A_4 = vector.load %arg6[%get3A_2, %get3A_3] : memref<64x256xf32, #tpu.memory_space<vmem>>, vector<64x256xf32>
    %get3A_5 = arith.constant 0 : index
    %get3A_6 = arith.constant 0 : index
    %get3A_7 = vector.load %arg7[%get3A_5, %get3A_6] : memref<1x256xf32, #tpu.memory_space<vmem>>, vector<1x256xf32>
    %get3A_8 = arith.constant 0 : index
    %get3A_9 = arith.constant 0 : index
    %get3A_10 = vector.load %arg1[%get3A_8, %get3A_9] : memref<1568x128xf32, #tpu.memory_space<vmem>>, vector<1568x128xf32>
    %slice3A = vector.extract_strided_slice %get3A_10 {offsets = [0, 0], sizes = [1568, 8], strides = [1, 1]} : vector<1568x128xf32> to vector<1568x8xf32>
    %get3A_11 = arith.constant 0 : index
    %get3A_12 = arith.constant 0 : index
    %get3A_13 = vector.load %arg2[%get3A_11, %get3A_12] : memref<1568x128xf32, #tpu.memory_space<vmem>>, vector<1568x128xf32>
    %dot_general3A = arith.constant dense<0.000000e+00> : vector<1568x256xf32>
    %dot_general3A_14 = tpu.matmul %slice3A, %get3A_1, %dot_general3A {dimension_numbers = #tpu.dot_dimension_numbers<[1], [0], [0], [1], [0, 0, 1, 1], [], []>, transpose_lhs_hint = false} : vector<1568x8xf32>, vector<8x256xf32>, vector<1568x256xf32> -> vector<1568x256xf32>
    %slice3A_15 = vector.extract_strided_slice %get3A_13 {offsets = [0, 0], sizes = [1568, 64], strides = [1, 1]} : vector<1568x128xf32> to vector<1568x64xf32>
    %dot_general3A_16 = arith.constant dense<0.000000e+00> : vector<1568x256xf32>
    %dot_general3A_17 = tpu.matmul %slice3A_15, %get3A_4, %dot_general3A_16 {dimension_numbers = #tpu.dot_dimension_numbers<[1], [0], [0], [1], [0, 0, 1, 1], [], []>, transpose_lhs_hint = false} : vector<1568x64xf32>, vector<64x256xf32>, vector<1568x256xf32> -> vector<1568x256xf32>
    %add3A = arith.addf %dot_general3A_14, %dot_general3A_17 : vector<1568x256xf32>
    %add3A_18 = vector.broadcast %get3A_7 : vector<1x256xf32> to vector<1568x256xf32>
    %add3A_19 = arith.addf %add3A, %add3A_18 : vector<1568x256xf32>
    %slice3A_20 = vector.extract_strided_slice %add3A_19 {offsets = [0, 0], sizes = [1568, 64], strides = [1, 1]} : vector<1568x256xf32> to vector<1568x64xf32>
    %mul3A = arith.constant 5.000000e-01 : f32
    %mul3A_21 = vector.broadcast %mul3A : f32 to vector<1568x64xf32>
    %mul3A_22 = arith.mulf %mul3A_21, %slice3A_20 : vector<1568x64xf32>
    %tanh3A = math.tanh %mul3A_22 : vector<1568x64xf32>
    %mul3A_23 = arith.constant 5.000000e-01 : f32
    %mul3A_24 = vector.broadcast %mul3A_23 : f32 to vector<1568x64xf32>
    %mul3A_25 = arith.mulf %mul3A_24, %tanh3A : vector<1568x64xf32>
    %add3A_26 = arith.constant 5.000000e-01 : f32
    %add3A_27 = vector.broadcast %add3A_26 : f32 to vector<1568x64xf32>
    %add3A_28 = arith.addf %mul3A_25, %add3A_27 : vector<1568x64xf32>
    %slice3A_29 = vector.extract_strided_slice %add3A_19 {offsets = [0, 64], sizes = [1568, 64], strides = [1, 1]} : vector<1568x256xf32> to vector<1568x64xf32>
    %mul3A_30 = arith.constant 5.000000e-01 : f32
    %mul3A_31 = vector.broadcast %mul3A_30 : f32 to vector<1568x64xf32>
    %mul3A_32 = arith.mulf %mul3A_31, %slice3A_29 : vector<1568x64xf32>
    %tanh3A_33 = math.tanh %mul3A_32 : vector<1568x64xf32>
    %mul3A_34 = arith.constant 5.000000e-01 : f32
    %mul3A_35 = vector.broadcast %mul3A_34 : f32 to vector<1568x64xf32>
    %mul3A_36 = arith.mulf %mul3A_35, %tanh3A_33 : vector<1568x64xf32>
    %add3A_37 = arith.constant 5.000000e-01 : f32
    %add3A_38 = vector.broadcast %add3A_37 : f32 to vector<1568x64xf32>
    %add3A_39 = arith.addf %mul3A_36, %add3A_38 : vector<1568x64xf32>
    %slice3A_40 = vector.extract_strided_slice %add3A_19 {offsets = [0, 128], sizes = [1568, 64], strides = [1, 1]} : vector<1568x256xf32> to vector<1568x64xf32>
    %tanh3A_41 = math.tanh %slice3A_40 : vector<1568x64xf32>
    %slice3A_42 = vector.extract_strided_slice %add3A_19 {offsets = [0, 192], sizes = [1568, 64], strides = [1, 1]} : vector<1568x256xf32> to vector<1568x64xf32>
    %mul3A_43 = arith.constant 5.000000e-01 : f32
    %mul3A_44 = vector.broadcast %mul3A_43 : f32 to vector<1568x64xf32>
    %mul3A_45 = arith.mulf %mul3A_44, %slice3A_42 : vector<1568x64xf32>
    %tanh3A_46 = math.tanh %mul3A_45 : vector<1568x64xf32>
    %mul3A_47 = arith.constant 5.000000e-01 : f32
    %mul3A_48 = vector.broadcast %mul3A_47 : f32 to vector<1568x64xf32>
    %mul3A_49 = arith.mulf %mul3A_48, %tanh3A_46 : vector<1568x64xf32>
    %add3A_50 = arith.constant 5.000000e-01 : f32
    %add3A_51 = vector.broadcast %add3A_50 : f32 to vector<1568x64xf32>
    %add3A_52 = arith.addf %mul3A_49, %add3A_51 : vector<1568x64xf32>
    %slice3A_53 = vector.extract_strided_slice %get3A_13 {offsets = [0, 64], sizes = [1568, 64], strides = [1, 1]} : vector<1568x128xf32> to vector<1568x64xf32>
    %mul3A_54 = arith.mulf %add3A_39, %slice3A_53 : vector<1568x64xf32>
    %mul3A_55 = arith.mulf %add3A_28, %tanh3A_41 : vector<1568x64xf32>
    %add3A_56 = arith.addf %mul3A_54, %mul3A_55 : vector<1568x64xf32>
    %tanh3A_57 = math.tanh %add3A_56 : vector<1568x64xf32>
    %mul3A_58 = arith.mulf %add3A_52, %tanh3A_57 : vector<1568x64xf32>
    %slice3A_59 = vector.extract_strided_slice %get3A_10 {offsets = [0, 8], sizes = [1568, 8], strides = [1, 1]} : vector<1568x128xf32> to vector<1568x8xf32>
    %get3A_60 = arith.constant 0 : index
    %get3A_61 = arith.constant 0 : index
    %get3A_62 = vector.load %arg3[%get3A_60, %get3A_61] : memref<1568x128xf32, #tpu.memory_space<vmem>>, vector<1568x128xf32>
    %dot_general3A_63 = arith.constant dense<0.000000e+00> : vector<1568x256xf32>
    %dot_general3A_64 = tpu.matmul %slice3A_59, %get3A_1, %dot_general3A_63 {dimension_numbers = #tpu.dot_dimension_numbers<[1], [0], [0], [1], [0, 0, 1, 1], [], []>, transpose_lhs_hint = false} : vector<1568x8xf32>, vector<8x256xf32>, vector<1568x256xf32> -> vector<1568x256xf32>
    %slice3A_65 = vector.extract_strided_slice %get3A_62 {offsets = [0, 0], sizes = [1568, 64], strides = [1, 1]} : vector<1568x128xf32> to vector<1568x64xf32>
    %dot_general3A_66 = arith.constant dense<0.000000e+00> : vector<1568x256xf32>
    %dot_general3A_67 = tpu.matmul %slice3A_65, %get3A_4, %dot_general3A_66 {dimension_numbers = #tpu.dot_dimension_numbers<[1], [0], [0], [1], [0, 0, 1, 1], [], []>, transpose_lhs_hint = false} : vector<1568x64xf32>, vector<64x256xf32>, vector<1568x256xf32> -> vector<1568x256xf32>
    %add3A_68 = arith.addf %dot_general3A_64, %dot_general3A_67 : vector<1568x256xf32>
    %add3A_69 = vector.broadcast %get3A_7 : vector<1x256xf32> to vector<1568x256xf32>
    %add3A_70 = arith.addf %add3A_68, %add3A_69 : vector<1568x256xf32>
    %slice3A_71 = vector.extract_strided_slice %add3A_70 {offsets = [0, 0], sizes = [1568, 64], strides = [1, 1]} : vector<1568x256xf32> to vector<1568x64xf32>
    %mul3A_72 = arith.constant 5.000000e-01 : f32
    %mul3A_73 = vector.broadcast %mul3A_72 : f32 to vector<1568x64xf32>
    %mul3A_74 = arith.mulf %mul3A_73, %slice3A_71 : vector<1568x64xf32>
    %tanh3A_75 = math.tanh %mul3A_74 : vector<1568x64xf32>
    %mul3A_76 = arith.constant 5.000000e-01 : f32
    %mul3A_77 = vector.broadcast %mul3A_76 : f32 to vector<1568x64xf32>
    %mul3A_78 = arith.mulf %mul3A_77, %tanh3A_75 : vector<1568x64xf32>
    %add3A_79 = arith.constant 5.000000e-01 : f32
    %add3A_80 = vector.broadcast %add3A_79 : f32 to vector<1568x64xf32>
    %add3A_81 = arith.addf %mul3A_78, %add3A_80 : vector<1568x64xf32>
    %slice3A_82 = vector.extract_strided_slice %add3A_70 {offsets = [0, 64], sizes = [1568, 64], strides = [1, 1]} : vector<1568x256xf32> to vector<1568x64xf32>
    %mul3A_83 = arith.constant 5.000000e-01 : f32
    %mul3A_84 = vector.broadcast %mul3A_83 : f32 to vector<1568x64xf32>
    %mul3A_85 = arith.mulf %mul3A_84, %slice3A_82 : vector<1568x64xf32>
    %tanh3A_86 = math.tanh %mul3A_85 : vector<1568x64xf32>
    %mul3A_87 = arith.constant 5.000000e-01 : f32
    %mul3A_88 = vector.broadcast %mul3A_87 : f32 to vector<1568x64xf32>
    %mul3A_89 = arith.mulf %mul3A_88, %tanh3A_86 : vector<1568x64xf32>
    %add3A_90 = arith.constant 5.000000e-01 : f32
    %add3A_91 = vector.broadcast %add3A_90 : f32 to vector<1568x64xf32>
    %add3A_92 = arith.addf %mul3A_89, %add3A_91 : vector<1568x64xf32>
    %slice3A_93 = vector.extract_strided_slice %add3A_70 {offsets = [0, 128], sizes = [1568, 64], strides = [1, 1]} : vector<1568x256xf32> to vector<1568x64xf32>
    %tanh3A_94 = math.tanh %slice3A_93 : vector<1568x64xf32>
    %slice3A_95 = vector.extract_strided_slice %add3A_70 {offsets = [0, 192], sizes = [1568, 64], strides = [1, 1]} : vector<1568x256xf32> to vector<1568x64xf32>
    %mul3A_96 = arith.constant 5.000000e-01 : f32
    %mul3A_97 = vector.broadcast %mul3A_96 : f32 to vector<1568x64xf32>
    %mul3A_98 = arith.mulf %mul3A_97, %slice3A_95 : vector<1568x64xf32>
    %tanh3A_99 = math.tanh %mul3A_98 : vector<1568x64xf32>
    %mul3A_100 = arith.constant 5.000000e-01 : f32
    %mul3A_101 = vector.broadcast %mul3A_100 : f32 to vector<1568x64xf32>
    %mul3A_102 = arith.mulf %mul3A_101, %tanh3A_99 : vector<1568x64xf32>
    %add3A_103 = arith.constant 5.000000e-01 : f32
    %add3A_104 = vector.broadcast %add3A_103 : f32 to vector<1568x64xf32>
    %add3A_105 = arith.addf %mul3A_102, %add3A_104 : vector<1568x64xf32>
    %slice3A_106 = vector.extract_strided_slice %get3A_62 {offsets = [0, 64], sizes = [1568, 64], strides = [1, 1]} : vector<1568x128xf32> to vector<1568x64xf32>
    %mul3A_107 = arith.mulf %add3A_92, %slice3A_106 : vector<1568x64xf32>
    %mul3A_108 = arith.mulf %add3A_81, %tanh3A_94 : vector<1568x64xf32>
    %add3A_109 = arith.addf %mul3A_107, %mul3A_108 : vector<1568x64xf32>
    %tanh3A_110 = math.tanh %add3A_109 : vector<1568x64xf32>
    %mul3A_111 = arith.mulf %add3A_105, %tanh3A_110 : vector<1568x64xf32>
    %add3A_112 = arith.addf %mul3A_58, %mul3A_111 : vector<1568x64xf32>
    %add3A_113 = arith.addf %add3A_56, %add3A_109 : vector<1568x64xf32>
    %slice3A_114 = vector.extract_strided_slice %get3A_10 {offsets = [0, 16], sizes = [1568, 1], strides = [1, 1]} : vector<1568x128xf32> to vector<1568x1xf32>
    %gt3A = arith.constant 5.000000e-01 : f32
    %gt3A_115 = vector.broadcast %gt3A : f32 to vector<1568x1xf32>
    %gt3A_116 = arith.cmpf ogt, %slice3A_114, %gt3A_115 : vector<1568x1xf32>
    %concatenate3A = tpu.concatenate %add3A_112, %add3A_113 in 1 : vector<1568x64xf32>, vector<1568x64xf32> -> vector<1568x128xf32>
    %get3A_117 = arith.constant 0 : index
    %get3A_118 = arith.constant 0 : index
    %get3A_119 = vector.load %arg4[%get3A_117, %get3A_118] : memref<1568x128xf32, #tpu.memory_space<vmem>>, vector<1568x128xf32>
    %broadcast_in_dim3A = vector.shape_cast %gt3A_116 : vector<1568x1xi1> to vector<1568x1xi1>
    %broadcast_in_dim3A_120 = vector.broadcast %broadcast_in_dim3A : vector<1568x1xi1> to vector<1568x128xi1>
    %select_n3A = arith.select %broadcast_in_dim3A_120, %concatenate3A, %get3A_119 : vector<1568x128xi1>, vector<1568x128xf32>
    %swap3A = arith.constant 0 : index
    %swap3A_121 = arith.constant 0 : index
    %swap3A_122 = vector.load %arg8[%swap3A, %swap3A_121] : memref<1568x128xf32, #tpu.memory_space<vmem>>, vector<1568x128xf32>
    tpu.vector_store %arg8[%swap3A, %swap3A_121], %select_n3A {strides = array<i32>} : memref<1568x128xf32, #tpu.memory_space<vmem>>, vector<1568x128xf32>,
    return
  }
  func.func @transform_0(%arg0: i32) -> (i32, i32) {
    %c0_i32 = arith.constant 0 : i32
    %c0_i32_0 = arith.constant 0 : i32
    return %arg0, %c0_i32 : i32, i32
  }
  func.func @transform_1(%arg0: i32) -> (i32, i32) {
    %c0_i32 = arith.constant 0 : i32
    %c0_i32_0 = arith.constant 0 : i32
    return %arg0, %c0_i32 : i32, i32
  }
  func.func @transform_2(%arg0: i32) -> (i32, i32) {
    %c0_i32 = arith.constant 0 : i32
    %c0_i32_0 = arith.constant 0 : i32
    return %arg0, %c0_i32 : i32, i32
  }
  func.func @transform_3(%arg0: i32) -> (i32, i32) {
    %add3A = arith.constant 0 : i32
    %add3A_0 = arith.addi %arg0, %add3A : i32
    %c0_i32 = arith.constant 0 : i32
    %c0_i32_1 = arith.constant 0 : i32
    return %add3A_0, %c0_i32 : i32, i32
  }
  func.func @transform_4(%arg0: i32) -> (i32, i32) {
    %c0_i32 = arith.constant 0 : i32
    %c0_i32_0 = arith.constant 0 : i32
    %c0_i32_1 = arith.constant 0 : i32
    return %c0_i32, %c0_i32_0 : i32, i32
  }
  func.func @transform_5(%arg0: i32) -> (i32, i32) {
    %c0_i32 = arith.constant 0 : i32
    %c0_i32_0 = arith.constant 0 : i32
    %c0_i32_1 = arith.constant 0 : i32
    return %c0_i32, %c0_i32_0 : i32, i32
  }
  func.func @transform_6(%arg0: i32) -> (i32, i32) {
    %c0_i32 = arith.constant 0 : i32
    %c0_i32_0 = arith.constant 0 : i32
    %c0_i32_1 = arith.constant 0 : i32
    return %c0_i32, %c0_i32_0 : i32, i32
  }
  func.func @transform_7(%arg0: i32) -> (i32, i32) {
    %add3A = arith.constant 0 : i32
    %add3A_0 = arith.addi %arg0, %add3A : i32
    %c0_i32 = arith.constant 0 : i32
    %c0_i32_1 = arith.constant 0 : i32
    return %add3A_0, %c0_i32 : i32, i32
  }
}

module attributes {stable_mosaic.version = 14 : i64} {
  func.func @_lstm_block(%arg0: i32, %arg1: memref<1568x128xf32, #tpu.memory_space<vmem>>, %arg2: memref<1568x128xf32, #tpu.memory_space<vmem>>, %arg3: memref<1568x128xf32, #tpu.memory_space<vmem>>, %arg4: memref<1568x128xf32, #tpu.memory_space<vmem>>, %arg5: memref<8x256xf32, #tpu.memory_space<vmem>>, %arg6: memref<64x256xf32, #tpu.memory_space<vmem>>, %arg7: memref<1x256xf32, #tpu.memory_space<vmem>>, %arg8: memref<100000x128xf32, #tpu.memory_space<any>>, %arg9: memref<1568x128xf32, #tpu.memory_space<vmem>>) attributes {dimension_semantics = [#tpu.dimension_semantics<arbitrary>], iteration_bounds = array<i64: 32>, scalar_prefetch = 0 : i64, scratch_operands = 0 : i64, tpu.core_type = #tpu.core_type<tc>, window_params = [{transform_indices = @transform_0, window_bounds = array<i64: 1568, 128>}, {transform_indices = @transform_1, window_bounds = array<i64: 1568, 128>}, {transform_indices = @transform_2, window_bounds = array<i64: 1568, 128>}, {transform_indices = @transform_3, window_bounds = array<i64: 1568, 128>}, {pipeline_mode = #tpu.pipeline_mode<synchronous>, transform_indices = @transform_4, window_bounds = array<i64: 8, 256>}, {pipeline_mode = #tpu.pipeline_mode<synchronous>, transform_indices = @transform_5, window_bounds = array<i64: 64, 256>}, {pipeline_mode = #tpu.pipeline_mode<synchronous>, transform_indices = @transform_6, window_bounds = array<i64: 1, 256>}, {}, {transform_indices = @transform_8, window_bounds = array<i64: 1568, 128>}]} {
    %get3A = arith.constant 0 : index
    %get3A_0 = arith.constant 0 : index
    %get3A_1 = vector.load %arg5[%get3A, %get3A_0] : memref<8x256xf32, #tpu.memory_space<vmem>>, vector<8x256xf32>
    %get3A_2 = arith.constant 0 : index
    %get3A_3 = arith.constant 0 : index
    %get3A_4 = vector.load %arg6[%get3A_2, %get3A_3] : memref<64x256xf32, #tpu.memory_space<vmem>>, vector<64x256xf32>
    %get3A_5 = arith.constant 0 : index
    %get3A_6 = arith.constant 0 : index
    %get3A_7 = vector.load %arg7[%get3A_5, %get3A_6] : memref<1x256xf32, #tpu.memory_space<vmem>>, vector<1x256xf32>
    %get3A_8 = arith.constant 0 : index
    %get3A_9 = arith.constant 0 : index
    %get3A_10 = vector.load %arg1[%get3A_8, %get3A_9] : memref<1568x128xf32, #tpu.memory_space<vmem>>, vector<1568x128xf32>
    %slice3A = vector.extract_strided_slice %get3A_10 {offsets = [0, 0], sizes = [1568, 8], strides = [1, 1]} : vector<1568x128xf32> to vector<1568x8xf32>
    %get3A_11 = arith.constant 0 : index
    %get3A_12 = arith.constant 0 : index
    %get3A_13 = vector.load %arg2[%get3A_11, %get3A_12] : memref<1568x128xf32, #tpu.memory_space<vmem>>, vector<1568x128xf32>
    %dot_general3A = arith.constant dense<0.000000e+00> : vector<1568x256xf32>
    %dot_general3A_14 = tpu.matmul %slice3A, %get3A_1, %dot_general3A {dimension_numbers = #tpu.dot_dimension_numbers<[1], [0], [0], [1], [0, 0, 1, 1], [], []>, transpose_lhs_hint = false} : vector<1568x8xf32>, vector<8x256xf32>, vector<1568x256xf32> -> vector<1568x256xf32>
    %slice3A_15 = vector.extract_strided_slice %get3A_13 {offsets = [0, 0], sizes = [1568, 64], strides = [1, 1]} : vector<1568x128xf32> to vector<1568x64xf32>
    %dot_general3A_16 = arith.constant dense<0.000000e+00> : vector<1568x256xf32>
    %dot_general3A_17 = tpu.matmul %slice3A_15, %get3A_4, %dot_general3A_16 {dimension_numbers = #tpu.dot_dimension_numbers<[1], [0], [0], [1], [0, 0, 1, 1], [], []>, transpose_lhs_hint = false} : vector<1568x64xf32>, vector<64x256xf32>, vector<1568x256xf32> -> vector<1568x256xf32>
    %add3A = arith.addf %dot_general3A_14, %dot_general3A_17 : vector<1568x256xf32>
    %add3A_18 = vector.broadcast %get3A_7 : vector<1x256xf32> to vector<1568x256xf32>
    %add3A_19 = arith.addf %add3A, %add3A_18 : vector<1568x256xf32>
    %slice3A_20 = vector.extract_strided_slice %add3A_19 {offsets = [0, 0], sizes = [1568, 64], strides = [1, 1]} : vector<1568x256xf32> to vector<1568x64xf32>
    %mul3A = arith.constant 5.000000e-01 : f32
    %mul3A_21 = vector.broadcast %mul3A : f32 to vector<1568x64xf32>
    %mul3A_22 = arith.mulf %mul3A_21, %slice3A_20 : vector<1568x64xf32>
    %tanh3A = math.tanh %mul3A_22 : vector<1568x64xf32>
    %mul3A_23 = arith.constant 5.000000e-01 : f32
    %mul3A_24 = vector.broadcast %mul3A_23 : f32 to vector<1568x64xf32>
    %mul3A_25 = arith.mulf %mul3A_24, %tanh3A : vector<1568x64xf32>
    %add3A_26 = arith.constant 5.000000e-01 : f32
    %add3A_27 = vector.broadcast %add3A_26 : f32 to vector<1568x64xf32>
    %add3A_28 = arith.addf %mul3A_25, %add3A_27 : vector<1568x64xf32>
    %slice3A_29 = vector.extract_strided_slice %add3A_19 {offsets = [0, 64], sizes = [1568, 64], strides = [1, 1]} : vector<1568x256xf32> to vector<1568x64xf32>
    %mul3A_30 = arith.constant 5.000000e-01 : f32
    %mul3A_31 = vector.broadcast %mul3A_30 : f32 to vector<1568x64xf32>
    %mul3A_32 = arith.mulf %mul3A_31, %slice3A_29 : vector<1568x64xf32>
    %tanh3A_33 = math.tanh %mul3A_32 : vector<1568x64xf32>
    %mul3A_34 = arith.constant 5.000000e-01 : f32
    %mul3A_35 = vector.broadcast %mul3A_34 : f32 to vector<1568x64xf32>
    %mul3A_36 = arith.mulf %mul3A_35, %tanh3A_33 : vector<1568x64xf32>
    %add3A_37 = arith.constant 5.000000e-01 : f32
    %add3A_38 = vector.broadcast %add3A_37 : f32 to vector<1568x64xf32>
    %add3A_39 = arith.addf %mul3A_36, %add3A_38 : vector<1568x64xf32>
    %slice3A_40 = vector.extract_strided_slice %add3A_19 {offsets = [0, 128], sizes = [1568, 64], strides = [1, 1]} : vector<1568x256xf32> to vector<1568x64xf32>
    %tanh3A_41 = math.tanh %slice3A_40 : vector<1568x64xf32>
    %slice3A_42 = vector.extract_strided_slice %add3A_19 {offsets = [0, 192], sizes = [1568, 64], strides = [1, 1]} : vector<1568x256xf32> to vector<1568x64xf32>
    %mul3A_43 = arith.constant 5.000000e-01 : f32
    %mul3A_44 = vector.broadcast %mul3A_43 : f32 to vector<1568x64xf32>
    %mul3A_45 = arith.mulf %mul3A_44, %slice3A_42 : vector<1568x64xf32>
    %tanh3A_46 = math.tanh %mul3A_45 : vector<1568x64xf32>
    %mul3A_47 = arith.constant 5.000000e-01 : f32
    %mul3A_48 = vector.broadcast %mul3A_47 : f32 to vector<1568x64xf32>
    %mul3A_49 = arith.mulf %mul3A_48, %tanh3A_46 : vector<1568x64xf32>
    %add3A_50 = arith.constant 5.000000e-01 : f32
    %add3A_51 = vector.broadcast %add3A_50 : f32 to vector<1568x64xf32>
    %add3A_52 = arith.addf %mul3A_49, %add3A_51 : vector<1568x64xf32>
    %slice3A_53 = vector.extract_strided_slice %get3A_13 {offsets = [0, 64], sizes = [1568, 64], strides = [1, 1]} : vector<1568x128xf32> to vector<1568x64xf32>
    %mul3A_54 = arith.mulf %add3A_39, %slice3A_53 : vector<1568x64xf32>
    %mul3A_55 = arith.mulf %add3A_28, %tanh3A_41 : vector<1568x64xf32>
    %add3A_56 = arith.addf %mul3A_54, %mul3A_55 : vector<1568x64xf32>
    %tanh3A_57 = math.tanh %add3A_56 : vector<1568x64xf32>
    %mul3A_58 = arith.mulf %add3A_52, %tanh3A_57 : vector<1568x64xf32>
    %slice3A_59 = vector.extract_strided_slice %get3A_10 {offsets = [0, 8], sizes = [1568, 8], strides = [1, 1]} : vector<1568x128xf32> to vector<1568x8xf32>
    %get3A_60 = arith.constant 0 : index
    %get3A_61 = arith.constant 0 : index
    %get3A_62 = vector.load %arg3[%get3A_60, %get3A_61] : memref<1568x128xf32, #tpu.memory_space<vmem>>, vector<1568x128xf32>
    %dot_general3A_63 = arith.constant dense<0.000000e+00> : vector<1568x256xf32>
    %dot_general3A_64 = tpu.matmul %slice3A_59, %get3A_1, %dot_general3A_63 {dimension_numbers = #tpu.dot_dimension_numbers<[1], [0], [0], [1], [0, 0, 1, 1], [], []>, transpose_lhs_hint = false} : vector<1568x8xf32>, vector<8x256xf32>, vector<1568x256xf32> -> vector<1568x256xf32>
    %slice3A_65 = vector.extract_strided_slice %get3A_62 {offsets = [0, 0], sizes = [1568, 64], strides = [1, 1]} : vector<1568x128xf32> to vector<1568x64xf32>
    %dot_general3A_66 = arith.constant dense<0.000000e+00> : vector<1568x256xf32>
    %dot_general3A_67 = tpu.matmul %slice3A_65, %get3A_4, %dot_general3A_66 {dimension_numbers = #tpu.dot_dimension_numbers<[1], [0], [0], [1], [0, 0, 1, 1], [], []>, transpose_lhs_hint = false} : vector<1568x64xf32>, vector<64x256xf32>, vector<1568x256xf32> -> vector<1568x256xf32>
    %add3A_68 = arith.addf %dot_general3A_64, %dot_general3A_67 : vector<1568x256xf32>
    %add3A_69 = vector.broadcast %get3A_7 : vector<1x256xf32> to vector<1568x256xf32>
    %add3A_70 = arith.addf %add3A_68, %add3A_69 : vector<1568x256xf32>
    %slice3A_71 = vector.extract_strided_slice %add3A_70 {offsets = [0, 0], sizes = [1568, 64], strides = [1, 1]} : vector<1568x256xf32> to vector<1568x64xf32>
    %mul3A_72 = arith.constant 5.000000e-01 : f32
    %mul3A_73 = vector.broadcast %mul3A_72 : f32 to vector<1568x64xf32>
    %mul3A_74 = arith.mulf %mul3A_73, %slice3A_71 : vector<1568x64xf32>
    %tanh3A_75 = math.tanh %mul3A_74 : vector<1568x64xf32>
    %mul3A_76 = arith.constant 5.000000e-01 : f32
    %mul3A_77 = vector.broadcast %mul3A_76 : f32 to vector<1568x64xf32>
    %mul3A_78 = arith.mulf %mul3A_77, %tanh3A_75 : vector<1568x64xf32>
    %add3A_79 = arith.constant 5.000000e-01 : f32
    %add3A_80 = vector.broadcast %add3A_79 : f32 to vector<1568x64xf32>
    %add3A_81 = arith.addf %mul3A_78, %add3A_80 : vector<1568x64xf32>
    %slice3A_82 = vector.extract_strided_slice %add3A_70 {offsets = [0, 64], sizes = [1568, 64], strides = [1, 1]} : vector<1568x256xf32> to vector<1568x64xf32>
    %mul3A_83 = arith.constant 5.000000e-01 : f32
    %mul3A_84 = vector.broadcast %mul3A_83 : f32 to vector<1568x64xf32>
    %mul3A_85 = arith.mulf %mul3A_84, %slice3A_82 : vector<1568x64xf32>
    %tanh3A_86 = math.tanh %mul3A_85 : vector<1568x64xf32>
    %mul3A_87 = arith.constant 5.000000e-01 : f32
    %mul3A_88 = vector.broadcast %mul3A_87 : f32 to vector<1568x64xf32>
    %mul3A_89 = arith.mulf %mul3A_88, %tanh3A_86 : vector<1568x64xf32>
    %add3A_90 = arith.constant 5.000000e-01 : f32
    %add3A_91 = vector.broadcast %add3A_90 : f32 to vector<1568x64xf32>
    %add3A_92 = arith.addf %mul3A_89, %add3A_91 : vector<1568x64xf32>
    %slice3A_93 = vector.extract_strided_slice %add3A_70 {offsets = [0, 128], sizes = [1568, 64], strides = [1, 1]} : vector<1568x256xf32> to vector<1568x64xf32>
    %tanh3A_94 = math.tanh %slice3A_93 : vector<1568x64xf32>
    %slice3A_95 = vector.extract_strided_slice %add3A_70 {offsets = [0, 192], sizes = [1568, 64], strides = [1, 1]} : vector<1568x256xf32> to vector<1568x64xf32>
    %mul3A_96 = arith.constant 5.000000e-01 : f32
    %mul3A_97 = vector.broadcast %mul3A_96 : f32 to vector<1568x64xf32>
    %mul3A_98 = arith.mulf %mul3A_97, %slice3A_95 : vector<1568x64xf32>
    %tanh3A_99 = math.tanh %mul3A_98 : vector<1568x64xf32>
    %mul3A_100 = arith.constant 5.000000e-01 : f32
    %mul3A_101 = vector.broadcast %mul3A_100 : f32 to vector<1568x64xf32>
    %mul3A_102 = arith.mulf %mul3A_101, %tanh3A_99 : vector<1568x64xf32>
    %add3A_103 = arith.constant 5.000000e-01 : f32
    %add3A_104 = vector.broadcast %add3A_103 : f32 to vector<1568x64xf32>
    %add3A_105 = arith.addf %mul3A_102, %add3A_104 : vector<1568x64xf32>
    %slice3A_106 = vector.extract_strided_slice %get3A_62 {offsets = [0, 64], sizes = [1568, 64], strides = [1, 1]} : vector<1568x128xf32> to vector<1568x64xf32>
    %mul3A_107 = arith.mulf %add3A_92, %slice3A_106 : vector<1568x64xf32>
    %mul3A_108 = arith.mulf %add3A_81, %tanh3A_94 : vector<1568x64xf32>
    %add3A_109 = arith.addf %mul3A_107, %mul3A_108 : vector<1568x64xf32>
    %tanh3A_110 = math.tanh %add3A_109 : vector<1568x64xf32>
    %mul3A_111 = arith.mulf %add3A_105, %tanh3A_110 : vector<1568x64xf32>
    %add3A_112 = arith.addf %mul3A_58, %mul3A_111 : vector<1568x64xf32>
    %add3A_113 = arith.addf %add3A_56, %add3A_109 : vector<1568x64xf32>
    %slice3A_114 = vector.extract_strided_slice %get3A_10 {offsets = [0, 16], sizes = [1568, 1], strides = [1, 1]} : vector<1568x128xf32> to vector<1568x1xf32>
    %gt3A = arith.constant 5.000000e-01 : f32
    %gt3A_115 = vector.broadcast %gt3A : f32 to vector<1568x1xf32>
    %gt3A_116 = arith.cmpf ogt, %slice3A_114, %gt3A_115 : vector<1568x1xf32>
    %concatenate3A = tpu.concatenate %add3A_112, %add3A_113 in 1 : vector<1568x64xf32>, vector<1568x64xf32> -> vector<1568x128xf32>
    %get3A_117 = arith.constant 0 : index
    %get3A_118 = arith.constant 0 : index
    %get3A_119 = vector.load %arg4[%get3A_117, %get3A_118] : memref<1568x128xf32, #tpu.memory_space<vmem>>, vector<1568x128xf32>
    %broadcast_in_dim3A = vector.shape_cast %gt3A_116 : vector<1568x1xi1> to vector<1568x1xi1>
    %broadcast_in_dim3A_120 = vector.broadcast %broadcast_in_dim3A : vector<1568x1xi1> to vector<1568x128xi1>
    %select_n3A = arith.select %broadcast_in_dim3A_120, %concatenate3A, %get3A_119 : vector<1568x128xi1>, vector<1568x128xf32>
    %swap3A = arith.constant 0 : index
    %swap3A_121 = arith.constant 0 : index
    %swap3A_122 = vector.load %arg9[%swap3A, %swap3A_121] : memref<1568x128xf32, #tpu.memory_space<vmem>>, vector<1568x128xf32>
    tpu.vector_store %arg9[%swap3A, %swap3A_121], %select_n3A {strides = array<i32>} : memref<1568x128xf32, #tpu.memory_space<vmem>>, vector<1568x128xf32>,
    return
  }
  func.func @transform_0(%arg0: i32) -> (i32, i32) {
    %c0_i32 = arith.constant 0 : i32
    %c0_i32_0 = arith.constant 0 : i32
    return %arg0, %c0_i32 : i32, i32
  }
  func.func @transform_1(%arg0: i32) -> (i32, i32) {
    %c0_i32 = arith.constant 0 : i32
    %c0_i32_0 = arith.constant 0 : i32
    return %arg0, %c0_i32 : i32, i32
  }
  func.func @transform_2(%arg0: i32) -> (i32, i32) {
    %c0_i32 = arith.constant 0 : i32
    %c0_i32_0 = arith.constant 0 : i32
    return %arg0, %c0_i32 : i32, i32
  }
  func.func @transform_3(%arg0: i32) -> (i32, i32) {
    %add3A = arith.constant 32 : i32
    %add3A_0 = arith.addi %arg0, %add3A : i32
    %c0_i32 = arith.constant 0 : i32
    %c0_i32_1 = arith.constant 0 : i32
    return %add3A_0, %c0_i32 : i32, i32
  }
  func.func @transform_4(%arg0: i32) -> (i32, i32) {
    %c0_i32 = arith.constant 0 : i32
    %c0_i32_0 = arith.constant 0 : i32
    %c0_i32_1 = arith.constant 0 : i32
    return %c0_i32, %c0_i32_0 : i32, i32
  }
  func.func @transform_5(%arg0: i32) -> (i32, i32) {
    %c0_i32 = arith.constant 0 : i32
    %c0_i32_0 = arith.constant 0 : i32
    %c0_i32_1 = arith.constant 0 : i32
    return %c0_i32, %c0_i32_0 : i32, i32
  }
  func.func @transform_6(%arg0: i32) -> (i32, i32) {
    %c0_i32 = arith.constant 0 : i32
    %c0_i32_0 = arith.constant 0 : i32
    %c0_i32_1 = arith.constant 0 : i32
    return %c0_i32, %c0_i32_0 : i32, i32
  }
  func.func @transform_8(%arg0: i32) -> (i32, i32) {
    %add3A = arith.constant 32 : i32
    %add3A_0 = arith.addi %arg0, %add3A : i32
    %c0_i32 = arith.constant 0 : i32
    %c0_i32_1 = arith.constant 0 : i32
    return %add3A_0, %c0_i32 : i32, i32
  }
}

</mosaic_0001>

<sc_bundles>
// kernel: a2b_chunk0.3.cloned.1.call-start
scs
__scs_entry_jumppad:
0x0: {  	(pc) =	sbr.rel $0x88, $3  }
0x1: {  	(tag) =	ssettag $0x0;
	lr =	simm.s32 $0x1  }
0x2: {  	[smem:$0x3F9A] =	sst lr;
	_ =	strace $0xD0000000  }
0x3: {  	_ = 	snop  }
0x4: {  	_ = 	snop  }
0x5: {  	_ = 	snop  }
0x6: {  	_ = 	snop  }
0x7: {  	_ = 	snop  }
__scs_overlays_trampoline_lowered:
0x8: {  	[smem:$0x3FA9] =	sst s0  }
0x9: {  	[smem:$0x3FAA] =	sst s1  }
0xa: {  	[smem:$0x3FAB] =	sst s2  }
0xb: {  	[smem:$0x3FAC] =	sst s3  }
0xc: {  	[smem:$0x3FAD] =	sst s4  }
0xd: {  	[smem:$0x3FAE] =	sst s5  }
0xe: {  	[smem:$0x3FAF] =	sst s6  }
0xf: {  	[smem:$0x3FB0] =	sst s7  }
0x10: {  	[smem:$0x3FB1] =	sst s8  }
0x11: {  	[smem:$0x3FB2] =	sst s9;
	s0 =	simm.s32 @!p0 $0x0  }
0x12: {  	s1 =	sld [smem:$0x3F98];
	s0 =	simm.s32 @p0 $0x1  }
0x13: {  	[smem:$0x3FB3] =	sst s0;
	s0 =	simm.s32 @!p1 $0x0  }
0x14: {  	s2 =	sld [smem:$0x3F97];
	s0 =	simm.s32 @p1 $0x1  }
0x15: {  	[smem:$0x3FB4] =	sst s0;
	s0 =	simm.s32 @!p2 $0x0  }
0x16: {  	s3 =	sld [smem:$0x3FDB];
	s0 =	simm.s32 @p2 $0x1  }
0x17: {  	s4 =	simm.s32 $0x1BF5;
	[smem:$0x3FB6] =	sst s0  }
0x18: {  	s0 =	sld [smem:$0x3F99];
	_ =	swait.ge [sflag:s4], $0x0  }
0x19: {  	s7 =	sld [smem:$0x3F9A]  }
0x1a: {  	s8 =	sadd.s32 $0xFFFFE003, lr  }
0x1b: {  	s9 =	sadd.s32 $0xFFFFFEF7, lr;
	s5 =	simm.s32 $0xFFFFFFFF;
	p2 =	slt.u32 s8, $0xFFFFF086  }
0x1c: {  	p1 =	slt.u32 s9, $0xF7A;
	s5 =	simm.s32 @!p2 $0x0  }
0x1d: {  	s5 =	simm.s32 @p1 $0x1;
	p0 =	seq.s32 s7, s2  }
0x1e: {  	s7 =	smul.u32 @!p0 $0xF7A, s2;
	p2 =	seq.s32 @!p0 s5, $0x0  }
0x1f: {  	s9 =	smul.u32 $0xF7A, s1;
	s8 =	simm.s32 @!p0 $0x1BF5;
	p2 =	por !p2, p0  }
0x20: {  	[sflag:s8] =	ssyncset.s32 @!p0 $0xFFFFF086;
	s6 =	sadd.s32 @!p0 s3, s7;
	s7 =	simm.s32 @!p0 $0x108  }
0x21: {  	s3 =	sadd.s32 s3, s9;
	s6 =	sadd.s32 @!p0 $0x88, s6;
	s7 =	simm.s32 @p2 $0x1082  }
0x22: {  	[simem:s7], [sflag:s8] =	dma.local @!p0 [hbm:s6], $0xF7A  }
0x23: {  	s9 =	sor.u32 $0xD0000000, s2;
	s6 =	simm.s32 $0x108;
	_ =	swait.ge @!p0 [sflag:s8], $0x0  }
0x24: {  	s3 =	sadd.s32 $0x88, s3;
	s6 =	simm.s32 @!p1 $0x1082;
	[sflag:s4] =	ssyncset.s32 $0xFFFFF086  }
0x25: {  	[simem:s6], [sflag:s4] =	dma.local [hbm:s3], $0xF7A  }
0x26: {  	[smem:$0x3F9A] =	sst s1;
	(tag) =	ssettag s2;
	_ =	strace s9  }
0x27: {  	s1 =	sld [smem:$0x3FAA]  }
0x28: {  	s2 =	sld [smem:$0x3FAB]  }
0x29: {  	s4 =	sld [smem:$0x3FAD]  }
0x2a: {  	p0 =	seq.s32 s5, $0x0;
	s5 =	sld [smem:$0x3FAE]  }
0x2b: {  	s6 =	sld [smem:$0x3FAF]  }
0x2c: {  	s7 =	sld [smem:$0x3FB0]  }
0x2d: {  	s3 =	simm.s32 $0x108;
	s8 =	sld [smem:$0x3FB1]  }
0x2e: {  	s3 =	simm.s32 @!p0 $0x1082;
	s9 =	sld [smem:$0x3FB2]  }
0x2f: {  	lr =	sadd.s32 s0, s3;
	s0 =	sld [smem:$0x3FA9]  }
0x30: {  	s3 =	sld [smem:$0x3FAC]  }
0x31: {  	[smem:$0x3FB5] =	sst s10  }
0x32: {  	s10 =	sld [smem:$0x3FB3];
	_ =	sdelay $0x3  }
0x33: {  	p0 =	seq.s32 s10, $0x1;
	s10 =	sld [smem:$0x3FB5];
	_ =	sdelay $0x3  }
0x34: {  	[smem:$0x3FB5] =	sst s10  }
0x35: {  	s10 =	sld [smem:$0x3FB4];
	_ =	sdelay $0x3  }
0x36: {  	p1 =	seq.s32 s10, $0x1;
	s10 =	sld [smem:$0x3FB5];
	_ =	sdelay $0x3  }
0x37: {  	[smem:$0x3FB5] =	sst s10  }
0x38: {  	s10 =	sld [smem:$0x3FB6]  }
0x39: {  	_ = 	snop;
	(pc) =	sbr.ind lr, $3  }
0x3a: {  	_ = 	snop  }
0x3b: {  	_ = 	snop  }
0x3c: {  	p2 =	seq.s32 s10, $0x1;
	s10 =	sld [smem:$0x3FB5]  }
0x3d: {  	_ =	shalt  }
0x3e: {  	_ =	shalt  }
0x3f: {  	_ =	shalt  }
0x40: {  	_ =	shalt  }
0x41: {  	_ =	shalt  }
0x42: {  	_ =	shalt  }
0x43: {  	_ =	shalt  }
0x44: {  	_ =	shalt  }
0x45: {  	_ =	shalt  }
0x46: {  	_ =	shalt  }
0x47: {  	_ =	shalt  }
0x48: {  	_ =	shalt  }
0x49: {  	_ =	shalt  }
0x4a: {  	_ =	shalt  }
0x4b: {  	_ =	shalt  }
0x4c: {  	_ =	shalt  }
0x4d: {  	_ =	shalt  }
0x4e: {  	_ =	shalt  }
0x4f: {  	_ =	shalt  }
0x50: {  	_ =	shalt  }
0x51: {  	_ =	shalt  }
0x52: {  	_ =	shalt  }
0x53: {  	_ =	shalt  }
0x54: {  	_ =	shalt  }
0x55: {  	_ =	shalt  }
0x56: {  	_ =	shalt  }
0x57: {  	_ =	shalt  }
0x58: {  	_ =	shalt  }
0x59: {  	_ =	shalt  }
0x5a: {  	_ =	shalt  }
0x5b: {  	_ =	shalt  }
0x5c: {  	_ =	shalt  }
0x5d: {  	_ =	shalt  }
0x5e: {  	_ =	shalt  }
0x5f: {  	_ =	shalt  }
0x60: {  	_ =	shalt  }
0x61: {  	_ =	shalt  }
0x62: {  	_ =	shalt  }
0x63: {  	_ =	shalt  }
0x64: {  	_ =	shalt  }
0x65: {  	_ =	shalt  }
0x66: {  	_ =	shalt  }
0x67: {  	_ =	shalt  }
0x68: {  	_ =	shalt  }
0x69: {  	_ =	shalt  }
0x6a: {  	_ =	shalt  }
0x6b: {  	_ =	shalt  }
0x6c: {  	_ =	shalt  }
0x6d: {  	_ =	shalt  }
0x6e: {  	_ =	shalt  }
0x6f: {  	_ =	shalt  }
0x70: {  	_ =	shalt  }
0x71: {  	_ =	shalt  }
0x72: {  	_ =	shalt  }
0x73: {  	_ =	shalt  }
0x74: {  	_ =	shalt  }
0x75: {  	_ =	shalt  }
0x76: {  	_ =	shalt  }
0x77: {  	_ =	shalt  }
0x78: {  	_ =	shalt  }
0x79: {  	_ =	shalt  }
0x7a: {  	_ =	shalt  }
0x7b: {  	_ =	shalt  }
0x7c: {  	_ =	shalt  }
0x7d: {  	_ =	shalt  }
0x7e: {  	_ =	shalt  }
0x7f: {  	_ =	shalt  }
0x80: {  	_ =	shalt  }
0x81: {  	_ =	shalt  }
0x82: {  	_ =	shalt  }
0x83: {  	_ =	shalt  }
0x84: {  	_ =	shalt  }
0x85: {  	_ =	shalt  }
0x86: {  	_ =	shalt  }
0x87: {  	_ =	shalt  }
.Lfunc_end0:
.L_simem_size_0:
called_computation.1_lowered:
.L_overlay_start_0:
0x88: {  	s2 =	sld [smem:$0x3FD9]  }
0x89: {  	s3 =	sld [smem:$0x3FFE];
	_ =	sdelay $0x1  }
0x8a: {  	s1 =	srdreg.scid  }
0x8b: {  	s0 =	sand.u32 $0x1, s1  }
0x8c: {  	s17 =	sshll.u32 s0, $0xA;
	s2 =	sadd.s32 s3, s2  }
0x8d: {  	s2 =	sadd.s32 s2, s17  }
0x8e: {  	[smem:$0x3FC1] =	sst s2  }
0x8f: {  	_ = 	snop  }
0x90: {  	s2 =	sld [smem:$0x3FC8];
	(tm) =	ssettm $0x1  }
0x91: {  	s18 =	sld [smem:$0x3FFB];
	_ =	sdelay $0x3  }
0x92: {  	_ =	strace s18  }
0x93: {  	s3 =	sld [smem:$0x3FFC];
	_ =	sdelay $0x3  }
0x94: {  	_ =	strace s3  }
0x95: {  	s3 =	sld [smem:$0x3FFD];
	_ =	sdelay $0x3  }
0x96: {  	_ =	strace s3  }
0x97: {  	_ =	strace $0x8FFFFFFF  }
0x98: {  	s19 =	sld [smem:$0x3FDB];
	_ =	sdelay $0x1  }
0x99: {  	s4 =	simm.s32 $_scs_section_size  }
0x9a: {  	s5 =	simm.s32 $_size__tile_overlayer_lowered;
	s6 =	simm.s32 $_tile_overlayer_lowered  }
0x9b: {  	s22 =	simm.s32 $0x1BFF;
	s21 =	sshll.u32 s6, $0x1;
	s3 =	sadd.s32 s4, s19  }
0x9c: {  	s7 =	simm.s32 $0x0;
	s20 =	sshll.u32 s5, $0x1;
	s5 =	sadd.s32 s21, s3  }
0x9d: {  	[timem:s7], [sflag:s22] =	dma.local [hbm:s5], s20  }
0x9e: {  	_ =	swait.ge [sflag:s22], s20  }
0x9f: {  	s4 =	ssub.s32 $0x0, s20;
	[sflag:s22] =	ssyncset.done $0x0  }
0xa0: {  	[sflag:s22] =	ssyncadd.s32 s4;
	_ =	sdelay $0x1  }
0xa1: {  	s23 =	simm.s32 $0x1B8B  }
0xa2: {  	_ =	swait.ge [sflag:s23], $0x1  }
0xa3: {  	[sflag:s23] =	ssyncset.done $0x0  }
0xa4: {  	s25 =	simm.s32 $0x1B8E;
	s24 =	sld [smem:$0x3FFE];
	[sflag:s23] =	ssyncadd.s32 $0xFFFFFFFF  }
0xa5: {  	s26 =	simm.s32 $execute0_lowered;
	[smem:$0x3FD2] =	sst s25  }
0xa6: {  	s5 =	sshll.u32 s26, $0x1;
	_ =	strace $0x80000049;
	[dreg:$0x1] =	wrdreg $0xFFFFFFFF  }
0xa7: {  	s28 =	simm.s32 $_size_execute0_lowered;
	s3 =	sadd.s32 s3, s5;
	[dreg:$0x0] =	wrdreg $0x0  }
0xa8: {  	s5 =	sshll.u32 s28, $0x1;
	[dreg:$0x2] =	wrdreg s3  }
0xa9: {  	[dreg:$0x3] =	wrdreg s5  }
0xaa: {  	[dreg:$0x4] =	wrdreg $0xC0  }
0xab: {  	_ =	task [dreg:s7], $0x5FFFF  }
0xac: {  	[dreg:$0x1] =	wrdreg $0xFFFFFFFF  }
0xad: {  	[dreg:$0x0] =	wrdreg $0x60  }
0xae: {  	[dreg:$0x2] =	wrdreg s24  }
0xaf: {  	[dreg:$0x3] =	wrdreg s2  }
0xb0: {  	[dreg:$0x4] =	wrdreg $0x9  }
0xb1: {  	_ =	task.clear_ibuf [dreg:s7], $0x5FFFF;
	_ =	strace $0x90000049  }
0xb2: {  	s29 =	simm.s32 $0x9;
	_ =	strace $0x8000004B  }
0xb3: {  	_ =	swait.ge [sflag:s29], $0x1  }
0xb4: {  	[sflag:s29] =	ssyncadd.s32 $0xFFFFFFFF  }
0xb5: {  	_ =	strace $0x9000004B  }
0xb6: {  	_ =	sfence  }
0xb7: {  	s30 =	sld [smem:$0x0];
	_ =	sdelay $0x2  }
0xb8: {  	s31 =	sshll.u32 s1, $0xD;
	s1 =	sshrl.u32 s1, $0x2  }
0xb9: {  	s3 =	sand.u32 $0x4000, s31;
	s1 =	sadd.s32 s1, s30  }
0xba: {  	s0 =	sor.u32 s3, s0;
	s1 =	sshll.u32 s1, $0x11  }
0xbb: {  	s0 =	sor.u32 s1, s0  }
0xbc: {  	s0 =	sadd.s32 $0x8F2B, s0  }
0xbd: {  	[sflag:s0] =	ssyncadd.remote.s32 $0x1  }
0xbe: {  	_ =	sfence.sel $0xFFFF  }
0xbf: {  	[dreg:$0x0] =	wrdreg $0xFFFFFFFF;
	(pc) =	sbr.abs _section_cstart, $3  }
0xc0: {  	[dreg:$0x1] =	wrdreg $0xFFFFFFFF  }
0xc1: {  	_ =	task.clear_ibuf [dreg:s7], $0x2FFFF;
	_ =	strace $0x9FFFFFFF  }
0xc2: {  	(tm) =	ssettm $0x7FFFFFFF  }
0xc3: {  	_ =	shalt  }
tec
execute0_lowered:
.L_overlay_start_1:
0x0: {  	(tag) =	ssettag $0x1  }
0x1: {  	s0 =	srdreg.scid;
	s4 =	rddreg [dreg:$0x0]  }
0x2: {  	s13 =	stileid.u32;
	s2 =	rddreg [dreg:$0x1];
	s3 =	simm.s32 $0x0  }
0x3: {  	s29 =	simm.s32 $0x620;
	s31 =	simm.s32 $0x4;
	s30 =	simm.s32 $0xD040  }
0x4: {  	s0 =	sand.u32 $0x1, s0;
	s1 =	sshll.u32 s13, $0x1;
	[smem:$0x7FF] =	sst s3  }
0x5: {  	s7 =	sadd.s32 $0x84C00, s4;
	s22 =	sadd.s32 $0x75600, s4;
	s1 =	sor.u32 s0, s1  }
0x6: {  	s8 =	sadd.s32 $0xACA00, s4;
	s10 =	sadd.s32 $0x170A00, s4;
	s5 =	smul.u32 $0x620, s1  }
0x7: {  	_ =	strace $0x8000004A;
	s23 =	ssub.s32 $0x2, s0;
	s6 =	smul.u32 $0x31000, s1  }
0x8: {  	[dreg:$0x3] =	wrdreg s7;
	s9 =	sshrl.u32 s23, $0x1;
	s1 =	smul.u32 $0x6200, s1  }
0x9: {  	[dreg:$0x4] =	wrdreg s22;
	s0 =	smul.u32 $0x620, s0;
	s7 =	ssub.s32 s23, s9  }
0xa: {  	s5 =	sshrl.u32 s5, $0x3;
	s6 =	sshrl.u32 s6, $0x3;
	s17 =	sadd.s32 s8, s1  }
0xb: {  	s18 =	sadd.s32 $0xE00, s1;
	s19 =	sadd.s32 $0x1C00, s1;
	s22 =	sadd.s32 $0x2A00, s1  }
0xc: {  	s1 =	sadd.s32 s10, s1;
	s28 =	smax.u32 s7, $0x1;
	s7 =	simm.s32 $0x3  }
0xd: {  	s5 =	sadd.s32 s5, s4;
	s24 =	sadd.s32 $0x3800, s6;
	s25 =	sadd.s32 $0x4600, s6  }
0xe: {  	s12 =	sadd.s32 $0x5400, s6;
	[dreg:$0xb] =	wrdreg s17;
	s20 =	sadd.s32 s8, s18  }
0xf: {  	s21 =	sadd.s32 s8, s19;
	[dreg:$0xf] =	wrdreg s1;
	s23 =	sadd.s32 s10, s18  }
0x10: {  	s18 =	sadd.s32 s10, s19;
	s19 =	sadd.s32 s10, s22;
	[dreg:$0xc] =	wrdreg s20  }
0x11: {  	s1 =	simm.s32 $0xC400;
	s11 =	sadd.s32 s8, s24;
	[dreg:$0xd] =	wrdreg s21  }
0x12: {  	s14 =	sadd.s32 s8, s25;
	s26 =	sadd.s32 s8, s12;
	[dreg:$0x10] =	wrdreg s23  }
0x13: {  	s9 =	sadd.s32 s10, s24;
	s15 =	sadd.s32 s10, s25;
	[dreg:$0x5] =	wrdreg s11  }
0x14: {  	s16 =	sadd.s32 s10, s12;
	s8 =	sadd.s32 s8, s22;
	[dreg:$0x6] =	wrdreg s14  }
0x15: {  	s20 =	sadd.s32 $0x94200, s4;
	s24 =	sadd.s32 s6, s4;
	[dreg:$0x7] =	wrdreg s26  }
0x16: {  	s21 =	sadd.s32 $0x75200, s4;
	s22 =	sadd.s32 $0x13200, s5;
	[dreg:$0x8] =	wrdreg s9  }
0x17: {  	s4 =	simm.s32 $0x1;
	s5 =	simm.s32 $0x2;
	[dreg:$0x9] =	wrdreg s15  }
0x18: {  	s6 =	simm.s32 $0xDC80;
	s10 =	simm.s32 $0xE0;
	[dreg:$0xa] =	wrdreg s16  }
0x19: {  	s12 =	simm.s32 $0x17D80;
	[dreg:$0xe] =	wrdreg s8;
	s26 =	smul.u32 $0xC40, s13  }
0x1a: {  	s23 =	sadd.s32 $0x234A00, s24;
	s25 =	sadd.s32 $0x234A01, s24;
	s8 =	simm.s32 $0x8  }
0x1b: {  	s9 =	simm.s32 $0x80;
	s11 =	simm.s32 $0x10D80;
	s13 =	simm.s32 $0x0  }
0x1c: {  	v0 =	vlaneseq.u32;
	v1 =	vimm.s32 $0x200;
	s16 =	sadd.s32 s0, s26;
	s26 =	sadd.s32 $0x234A02, s24;
	s0 =	simm.s32 $0xCA20  }
.LBB2_1:
0x1d: {  	s14 =	simm.s32 $0x18800  }
0x1e: {  	[tilespmem:s3], [sflag:$0x4] =	stream.strided.gather [hbm4b:s22+s29], $0xC400, s14, s29, $0x38;
	[tilespmem:$0x1ED80] =	vst v63  }
0x1f: {  	_ =	swait.ge [sflag:s31], $0xC400  }
0x20: {  	[sflag:s31] =	ssyncset.done $0x0  }
0x21: {  	s15 =	simm.s32 $0x0;
	[sflag:s31] =	ssyncadd.s32 $0xFFFF3C00  }
0x22: {  	v2 =	vld [tilespmem:s15+$0x0]  }
0x23: {  	v3 =	vld [tilespmem:s15+$0x620]  }
0x24: {  	v4 =	vld [tilespmem:s15+$0xC40]  }
0x25: {  	v5 =	vld [tilespmem:s15+$0x1260]  }
0x26: {  	v6 =	vld [tilespmem:s15+$0x1880]  }
0x27: {  	v7 =	vld [tilespmem:s15+$0x1EA0]  }
0x28: {  	v8 =	vld [tilespmem:s15+$0x24C0];
	vm0 =	vlt.s32 v3, $0x0  }
0x29: {  	v9 =	vld [tilespmem:s15+$0x2AE0];
	v2 =	vsel vm0, v2, v3;
	vm0 =	vlt.s32 v4, $0x0  }
0x2a: {  	v3 =	vld [tilespmem:s15+$0x3100];
	v2 =	vsel vm0, v2, v4;
	vm0 =	vlt.s32 v5, $0x0  }
0x2b: {  	v4 =	vld [tilespmem:s15+$0x3720];
	v2 =	vsel vm0, v2, v5;
	vm0 =	vlt.s32 v6, $0x0  }
0x2c: {  	v5 =	vld [tilespmem:s15+$0x3D40];
	v2 =	vsel vm0, v2, v6;
	vm0 =	vlt.s32 v7, $0x0  }
0x2d: {  	v6 =	vld [tilespmem:s15+$0x4360];
	v2 =	vsel vm0, v2, v7;
	vm0 =	vlt.s32 v8, $0x0  }
0x2e: {  	v7 =	vld [tilespmem:s15+$0x4980];
	v2 =	vsel vm0, v2, v8;
	vm0 =	vlt.s32 v9, $0x0  }
0x2f: {  	v8 =	vld [tilespmem:s15+$0x4FA0];
	v2 =	vsel vm0, v2, v9;
	vm0 =	vlt.s32 v3, $0x0  }
0x30: {  	v9 =	vld [tilespmem:s15+$0x55C0];
	v2 =	vsel vm0, v2, v3;
	vm0 =	vlt.s32 v4, $0x0  }
0x31: {  	v3 =	vld [tilespmem:s15+$0x5BE0];
	v2 =	vsel vm0, v2, v4;
	vm0 =	vlt.s32 v5, $0x0  }
0x32: {  	v4 =	vld [tilespmem:s15+$0x6200];
	v2 =	vsel vm0, v2, v5;
	vm0 =	vlt.s32 v6, $0x0  }
0x33: {  	v5 =	vld [tilespmem:s15+$0x6820];
	v2 =	vsel vm0, v2, v6;
	vm0 =	vlt.s32 v7, $0x0  }
0x34: {  	v6 =	vld [tilespmem:s15+$0x6E40];
	v2 =	vsel vm0, v2, v7;
	vm0 =	vlt.s32 v8, $0x0  }
0x35: {  	v7 =	vld [tilespmem:s15+$0x7460];
	v2 =	vsel vm0, v2, v8;
	vm0 =	vlt.s32 v9, $0x0  }
0x36: {  	v8 =	vld [tilespmem:s15+$0x7A80];
	v2 =	vsel vm0, v2, v9;
	vm0 =	vlt.s32 v3, $0x0  }
0x37: {  	v9 =	vld [tilespmem:s15+$0x80A0];
	v2 =	vsel vm0, v2, v3;
	vm0 =	vlt.s32 v4, $0x0  }
0x38: {  	v3 =	vld [tilespmem:s15+$0x86C0];
	v2 =	vsel vm0, v2, v4;
	vm0 =	vlt.s32 v5, $0x0  }
0x39: {  	v4 =	vld [tilespmem:s15+$0x8CE0];
	v2 =	vsel vm0, v2, v5;
	vm0 =	vlt.s32 v6, $0x0  }
0x3a: {  	v5 =	vld [tilespmem:s15+$0x9300];
	v2 =	vsel vm0, v2, v6;
	vm0 =	vlt.s32 v7, $0x0  }
0x3b: {  	v6 =	vld [tilespmem:s15+$0x9920];
	v2 =	vsel vm0, v2, v7;
	vm0 =	vlt.s32 v8, $0x0  }
0x3c: {  	v7 =	vld [tilespmem:s15+$0x9F40];
	v2 =	vsel vm0, v2, v8;
	vm0 =	vlt.s32 v9, $0x0  }
0x3d: {  	v8 =	vld [tilespmem:s15+$0xA560];
	v2 =	vsel vm0, v2, v9;
	vm0 =	vlt.s32 v3, $0x0  }
0x3e: {  	v9 =	vld [tilespmem:s15+$0xAB80];
	v2 =	vsel vm0, v2, v3;
	vm0 =	vlt.s32 v4, $0x0  }
0x3f: {  	v3 =	vld [tilespmem:s15+$0xB1A0];
	v2 =	vsel vm0, v2, v4;
	vm0 =	vlt.s32 v5, $0x0  }
0x40: {  	v4 =	vld [tilespmem:s15+$0xB7C0];
	v2 =	vsel vm0, v2, v5;
	vm0 =	vlt.s32 v6, $0x0  }
0x41: {  	s14 =	simm.s32 $0x10;
	v5 =	vld [tilespmem:s15+$0xBDE0];
	v2 =	vsel vm0, v2, v6;
	vm0 =	vlt.s32 v7, $0x0  }
0x42: {  	v6 =	vld [tilespmem:s14+$0x0];
	v2 =	vsel vm0, v2, v7;
	vm0 =	vlt.s32 v8, $0x0  }
0x43: {  	v7 =	vld [tilespmem:s14+$0x620];
	v2 =	vsel vm0, v2, v8;
	vm0 =	vlt.s32 v9, $0x0  }
0x44: {  	v8 =	vld [tilespmem:s14+$0xC40];
	v2 =	vsel vm0, v2, v9;
	vm0 =	vlt.s32 v3, $0x0  }
0x45: {  	v9 =	vld [tilespmem:s14+$0x1260];
	v2 =	vsel vm0, v2, v3;
	vm0 =	vlt.s32 v4, $0x0  }
0x46: {  	v3 =	vld [tilespmem:s14+$0x1880];
	v2 =	vsel vm0, v2, v4;
	vm0 =	vlt.s32 v5, $0x0  }
0x47: {  	v10 =	vor.u32 s16, v0;
	v4 =	vld [tilespmem:s14+$0x1EA0];
	v2 =	vsel vm0, v2, v5  }
0x48: {  	v10 =	vand.u32 $0x1FF, v10;
	v5 =	vld [tilespmem:s14+$0x24C0];
	vm1 =	vlt.s32 v7, $0x0;
	vm0 =	vlt.s32 v2, $0x0  }
0x49: {  	v11 =	vld [tilespmem:s14+$0x2AE0];
	v6 =	vsel vm1, v6, v7;
	vm1 =	vlt.s32 v8, $0x0;
	v12 =	vsel vm0, $0x0, v1  }
0x4a: {  	v13 =	vld [tilespmem:s14+$0x3100];
	v6 =	vsel vm1, v6, v8;
	vm1 =	vlt.s32 v9, $0x0;
	v7 =	vor.u32 v10, v12  }
0x4b: {  	v2 =	vsel vm0, $0x0, v2;
	v10 =	vld [tilespmem:s14+$0x3720];
	v6 =	vsel vm1, v6, v9;
	vm1 =	vlt.s32 v3, $0x0;
	[tilespmem:s15+$0xD660] =	vst v7  }
0x4c: {  	v2 =	vmin.u32 v2, $0x7A1FF;
	v3 =	vsel vm1, v6, v3;
	vm0 =	vlt.s32 v4, $0x0;
	v7 =	vld [tilespmem:s14+$0x3D40]  }
0x4d: {  	v6 =	vld [tilespmem:s14+$0x4360];
	v3 =	vsel vm0, v3, v4;
	vm0 =	vlt.s32 v5, $0x0;
	[tilespmem:s15+$0xC400] =	vst v2  }
0x4e: {  	v2 =	vsel vm0, v3, v5;
	vm0 =	vlt.s32 v11, $0x0;
	v3 =	vld [tilespmem:s14+$0x4980]  }
0x4f: {  	v4 =	vld [tilespmem:s14+$0x4FA0];
	v2 =	vsel vm0, v2, v11;
	vm0 =	vlt.s32 v13, $0x0  }
0x50: {  	v5 =	vld [tilespmem:s14+$0x55C0];
	v2 =	vsel vm0, v2, v13;
	vm0 =	vlt.s32 v10, $0x0  }
0x51: {  	v8 =	vld [tilespmem:s14+$0x5BE0];
	v2 =	vsel vm0, v2, v10;
	vm0 =	vlt.s32 v7, $0x0  }
0x52: {  	v2 =	vsel vm0, v2, v7;
	vm0 =	vlt.s32 v6, $0x0;
	v7 =	vld [tilespmem:s14+$0x6200]  }
0x53: {  	v2 =	vsel vm0, v2, v6;
	vm0 =	vlt.s32 v3, $0x0;
	v6 =	vld [tilespmem:s14+$0x6820]  }
0x54: {  	v2 =	vsel vm0, v2, v3;
	vm0 =	vlt.s32 v4, $0x0;
	v3 =	vld [tilespmem:s14+$0x6E40]  }
0x55: {  	v2 =	vsel vm0, v2, v4;
	vm0 =	vlt.s32 v5, $0x0;
	v4 =	vld [tilespmem:s14+$0x7460]  }
0x56: {  	v2 =	vsel vm0, v2, v5;
	vm0 =	vlt.s32 v8, $0x0;
	v5 =	vld [tilespmem:s14+$0x7A80]  }
0x57: {  	v2 =	vsel vm0, v2, v8;
	vm0 =	vlt.s32 v7, $0x0;
	v8 =	vld [tilespmem:s14+$0x80A0]  }
0x58: {  	v2 =	vsel vm0, v2, v7;
	vm0 =	vlt.s32 v6, $0x0;
	v7 =	vld [tilespmem:s14+$0x86C0]  }
0x59: {  	v2 =	vsel vm0, v2, v6;
	vm0 =	vlt.s32 v3, $0x0;
	v6 =	vld [tilespmem:s14+$0x8CE0]  }
0x5a: {  	v9 =	vld [tilespmem:s14+$0x9300];
	v2 =	vsel vm0, v2, v3;
	vm0 =	vlt.s32 v4, $0x0  }
0x5b: {  	v10 =	vld [tilespmem:s14+$0x9920];
	v2 =	vsel vm0, v2, v4;
	vm0 =	vlt.s32 v5, $0x0  }
0x5c: {  	v11 =	vld [tilespmem:s14+$0x9F40];
	v2 =	vsel vm0, v2, v5;
	vm0 =	vlt.s32 v8, $0x0  }
0x5d: {  	v3 =	vld [tilespmem:s14+$0xA560];
	v2 =	vsel vm0, v2, v8;
	vm0 =	vlt.s32 v7, $0x0  }
0x5e: {  	v4 =	vld [tilespmem:s14+$0xAB80];
	v2 =	vsel vm0, v2, v7;
	vm0 =	vlt.s32 v6, $0x0  }
0x5f: {  	v5 =	vld [tilespmem:s14+$0xB1A0];
	v2 =	vsel vm0, v2, v6;
	vm0 =	vlt.s32 v9, $0x0  }
0x60: {  	v6 =	vld [tilespmem:s14+$0xB7C0];
	v2 =	vsel vm0, v2, v9;
	vm0 =	vlt.s32 v10, $0x0  }
0x61: {  	s15 =	simm.s32 $0x20;
	v7 =	vld [tilespmem:s14+$0xBDE0];
	v8 =	vsel vm0, v2, v10;
	vm0 =	vlt.s32 v11, $0x0  }
0x62: {  	s17 =	simm.s32 $0xC0;
	s24 =	smov.u32 s16;
	v2 =	vld [tilespmem:s15+$0x0];
	v8 =	vsel vm0, v8, v11;
	vm0 =	vlt.s32 v3, $0x0  }
.LBB2_2:
0x63: {  	p0 =	sne.s32 s17, $0x1840;
	v9 =	vld [tilespmem:s15+$0x620];
	v3 =	vsel vm0, v8, v3;
	vm0 =	vlt.s32 v4, $0x0  }
0x64: {  	v8 =	vld [tilespmem:s15+$0xC40];
	v3 =	vsel vm0, v3, v4;
	vm0 =	vlt.s32 v5, $0x0  }
0x65: {  	v4 =	vld [tilespmem:s15+$0x1260];
	v3 =	vsel vm0, v3, v5;
	vm0 =	vlt.s32 v6, $0x0  }
0x66: {  	s24 =	sadd.s32 $0x10, s24;
	v5 =	vld [tilespmem:s15+$0x1880];
	v3 =	vsel vm0, v3, v6;
	vm0 =	vlt.s32 v7, $0x0  }
0x67: {  	v6 =	vld [tilespmem:s15+$0x1EA0];
	v3 =	vsel vm0, v3, v7;
	v7 =	vor.u32 s24, v0  }
0x68: {  	vm0 =	vlt.s32 v9, $0x0;
	v10 =	vld [tilespmem:s15+$0x24C0];
	vm1 =	vlt.s32 v3, $0x0;
	v7 =	vand.u32 $0x1FF, v7  }
0x69: {  	v2 =	vsel vm0, v2, v9;
	vm0 =	vlt.s32 v8, $0x0;
	v9 =	vld [tilespmem:s15+$0x2AE0];
	v11 =	vsel vm1, $0x0, v1  }
0x6a: {  	v2 =	vsel vm0, v2, v8;
	vm0 =	vlt.s32 v4, $0x0;
	v8 =	vld [tilespmem:s15+$0x3100];
	v7 =	vor.u32 v7, v11  }
0x6b: {  	v3 =	vsel vm1, $0x0, v3;
	v2 =	vsel vm0, v2, v4;
	vm0 =	vlt.s32 v5, $0x0;
	v4 =	vld [tilespmem:s15+$0x3720];
	[tilespmem:s14+$0xD660] =	vst v7  }
0x6c: {  	v3 =	vmin.u32 v3, $0x7A1FF;
	v2 =	vsel vm0, v2, v5;
	vm0 =	vlt.s32 v6, $0x0;
	v5 =	vld [tilespmem:s15+$0x3D40]  }
0x6d: {  	v2 =	vsel vm0, v2, v6;
	vm0 =	vlt.s32 v10, $0x0;
	v6 =	vld [tilespmem:s15+$0x4360];
	[tilespmem:s14+$0xC400] =	vst v3;
	s14 =	smov.u32 s15  }
0x6e: {  	v2 =	vsel vm0, v2, v10;
	vm0 =	vlt.s32 v9, $0x0;
	v3 =	vld [tilespmem:s14+$0x4980]  }
0x6f: {  	v2 =	vsel vm0, v2, v9;
	vm0 =	vlt.s32 v8, $0x0;
	v7 =	vld [tilespmem:s14+$0x4FA0]  }
0x70: {  	v2 =	vsel vm0, v2, v8;
	vm0 =	vlt.s32 v4, $0x0;
	v8 =	vld [tilespmem:s14+$0x55C0]  }
0x71: {  	v2 =	vsel vm0, v2, v4;
	vm0 =	vlt.s32 v5, $0x0;
	v4 =	vld [tilespmem:s14+$0x5BE0]  }
0x72: {  	v2 =	vsel vm0, v2, v5;
	vm0 =	vlt.s32 v6, $0x0;
	v5 =	vld [tilespmem:s14+$0x6200]  }
0x73: {  	v2 =	vsel vm0, v2, v6;
	vm0 =	vlt.s32 v3, $0x0;
	v6 =	vld [tilespmem:s14+$0x6820]  }
0x74: {  	v2 =	vsel vm0, v2, v3;
	vm0 =	vlt.s32 v7, $0x0;
	v3 =	vld [tilespmem:s14+$0x6E40]  }
0x75: {  	v2 =	vsel vm0, v2, v7;
	vm0 =	vlt.s32 v8, $0x0;
	v7 =	vld [tilespmem:s14+$0x7460]  }
0x76: {  	v2 =	vsel vm0, v2, v8;
	vm0 =	vlt.s32 v4, $0x0;
	v8 =	vld [tilespmem:s14+$0x7A80]  }
0x77: {  	v2 =	vsel vm0, v2, v4;
	vm0 =	vlt.s32 v5, $0x0;
	v4 =	vld [tilespmem:s14+$0x80A0]  }
0x78: {  	v2 =	vsel vm0, v2, v5;
	vm0 =	vlt.s32 v6, $0x0;
	v5 =	vld [tilespmem:s14+$0x86C0]  }
0x79: {  	v2 =	vsel vm0, v2, v6;
	vm0 =	vlt.s32 v3, $0x0;
	v6 =	vld [tilespmem:s14+$0x8CE0]  }
0x7a: {  	v2 =	vsel vm0, v2, v3;
	vm0 =	vlt.s32 v7, $0x0;
	v9 =	vld [tilespmem:s14+$0x9300]  }
0x7b: {  	v2 =	vsel vm0, v2, v7;
	vm0 =	vlt.s32 v8, $0x0;
	v7 =	vld [tilespmem:s14+$0x9920]  }
0x7c: {  	v2 =	vsel vm0, v2, v8;
	vm0 =	vlt.s32 v4, $0x0;
	v8 =	vld [tilespmem:s14+$0x9F40]  }
0x7d: {  	v2 =	vsel vm0, v2, v4;
	vm0 =	vlt.s32 v5, $0x0;
	v3 =	vld [tilespmem:s14+$0xA560]  }
.Ltmp0:
0x7e: {  	v2 =	vsel vm0, v2, v5;
	vm0 =	vlt.s32 v6, $0x0;
	v4 =	vld [tilespmem:s14+$0xAB80];
	(pc) =	sbr.rel @p0 .LBB2_2-.Ltmp0, $4  }
0x7f: {  	v2 =	vsel vm0, v2, v6;
	vm0 =	vlt.s32 v9, $0x0;
	v5 =	vld [tilespmem:s14+$0xB1A0]  }
0x80: {  	v2 =	vsel vm0, v2, v9;
	vm0 =	vlt.s32 v7, $0x0;
	v6 =	vld [tilespmem:s14+$0xB7C0]  }
0x81: {  	s15 =	sshra.s32 s17, $0x2;
	v9 =	vsel vm0, v2, v7;
	vm0 =	vlt.s32 v8, $0x0;
	v7 =	vld [tilespmem:s14+$0xBDE0]  }
0x82: {  	s17 =	sadd.s32 $0x40, s17;
	v2 =	vld [tilespmem:s15+$0x0];
	v8 =	vsel vm0, v9, v8;
	vm0 =	vlt.s32 v3, $0x0  }
0x83: {  	v9 =	vld [tilespmem:s15+$0x620];
	v3 =	vsel vm0, v8, v3;
	vm6 =	vlt.s32 v4, $0x0  }
0x84: {  	v38 =	vld [tilespmem:s15+$0xC40];
	v3 =	vsel vm6, v3, v4;
	vm7 =	vlt.s32 v5, $0x0  }
0x85: {  	v39 =	vld [tilespmem:s15+$0x1260];
	v3 =	vsel vm7, v3, v5;
	vm8 =	vlt.s32 v6, $0x0  }
0x86: {  	v40 =	vld [tilespmem:s15+$0x1880];
	s17 =	sadd.s32 $0x10, s24;
	v3 =	vsel vm8, v3, v6;
	vm9 =	vlt.s32 v7, $0x0  }
0x87: {  	v41 =	vld [tilespmem:s15+$0x1EA0];
	v10 =	vor.u32 s17, v0;
	v3 =	vsel vm9, v3, v7  }
0x88: {  	v42 =	vld [tilespmem:s15+$0x24C0];
	v10 =	vand.u32 $0x1FF, v10;
	vm0 =	vlt.s32 v3, $0x0;
	vm1 =	vlt.s32 v9, $0x0  }
0x89: {  	v11 =	vld [tilespmem:s15+$0x2AE0];
	vm10 =	vlt.s32 v38, $0x0;
	v12 =	vsel vm0, $0x0, v1;
	v2 =	vsel vm1, v2, v9  }
0x8a: {  	v13 =	vld [tilespmem:s15+$0x3100];
	vm11 =	vlt.s32 v39, $0x0;
	v43 =	vor.u32 v10, v12;
	v2 =	vsel vm10, v2, v38  }
0x8b: {  	v44 =	vld [tilespmem:s15+$0x3720];
	vm12 =	vlt.s32 v40, $0x0;
	v3 =	vsel vm0, $0x0, v3;
	[tilespmem:s14+$0xD660] =	vst v43;
	v2 =	vsel vm11, v2, v39  }
0x8c: {  	vm13 =	vlt.s32 v41, $0x0;
	v3 =	vmin.u32 v3, $0x7A1FF;
	v45 =	vld [tilespmem:s15+$0x3D40];
	v2 =	vsel vm12, v2, v40  }
0x8d: {  	vm14 =	vlt.s32 v42, $0x0;
	v46 =	vld [tilespmem:s15+$0x4360];
	[tilespmem:s14+$0xC400] =	vst v3;
	v2 =	vsel vm13, v2, v41  }
0x8e: {  	vm15 =	vlt.s32 v11, $0x0;
	v3 =	vld [tilespmem:s15+$0x4980];
	v2 =	vsel vm14, v2, v42  }
0x8f: {  	vm4 =	vlt.s32 v13, $0x0;
	v47 =	vld [tilespmem:s15+$0x4FA0];
	v2 =	vsel vm15, v2, v11  }
0x90: {  	vm5 =	vlt.s32 v44, $0x0;
	v48 =	vld [tilespmem:s15+$0x55C0];
	v2 =	vsel vm4, v2, v13  }
0x91: {  	v49 =	vld [tilespmem:s15+$0x5BE0];
	v2 =	vsel vm5, v2, v44;
	vm6 =	vlt.s32 v45, $0x0  }
0x92: {  	v50 =	vld [tilespmem:s15+$0x6200];
	vm7 =	vlt.s32 v46, $0x0;
	v2 =	vsel vm6, v2, v45  }
0x93: {  	v51 =	vld [tilespmem:s15+$0x6820];
	vm8 =	vlt.s32 v3, $0x0;
	v2 =	vsel vm7, v2, v46  }
0x94: {  	vm9 =	vlt.s32 v47, $0x0;
	v2 =	vsel vm8, v2, v3;
	v3 =	vld [tilespmem:s15+$0x6E40]  }
0x95: {  	v52 =	vld [tilespmem:s15+$0x7460];
	vm10 =	vlt.s32 v48, $0x0;
	v2 =	vsel vm9, v2, v47  }
0x96: {  	v53 =	vld [tilespmem:s15+$0x7A80];
	vm11 =	vlt.s32 v49, $0x0;
	v2 =	vsel vm10, v2, v48  }
0x97: {  	v54 =	vld [tilespmem:s15+$0x80A0];
	vm12 =	vlt.s32 v50, $0x0;
	v2 =	vsel vm11, v2, v49  }
0x98: {  	v55 =	vld [tilespmem:s15+$0x86C0];
	vm13 =	vlt.s32 v51, $0x0;
	v2 =	vsel vm12, v2, v50  }
0x99: {  	v56 =	vld [tilespmem:s15+$0x8CE0];
	v2 =	vsel vm13, v2, v51;
	vm14 =	vlt.s32 v3, $0x0  }
0x9a: {  	vm15 =	vlt.s32 v52, $0x0;
	v2 =	vsel vm14, v2, v3;
	v3 =	vld [tilespmem:s15+$0x9300]  }
0x9b: {  	v57 =	vld [tilespmem:s15+$0x9920];
	vm4 =	vlt.s32 v53, $0x0;
	v2 =	vsel vm15, v2, v52  }
0x9c: {  	v58 =	vld [tilespmem:s15+$0x9F40];
	vm5 =	vlt.s32 v54, $0x0;
	v2 =	vsel vm4, v2, v53  }
0x9d: {  	v59 =	vld [tilespmem:s15+$0xA560];
	vm6 =	vlt.s32 v55, $0x0;
	v2 =	vsel vm5, v2, v54  }
0x9e: {  	v60 =	vld [tilespmem:s15+$0xAB80];
	vm7 =	vlt.s32 v56, $0x0;
	v2 =	vsel vm6, v2, v55  }
0x9f: {  	v61 =	vld [tilespmem:s15+$0xB1A0];
	v2 =	vsel vm7, v2, v56;
	vm8 =	vlt.s32 v3, $0x0  }
0xa0: {  	vm9 =	vlt.s32 v57, $0x0;
	v2 =	vsel vm8, v2, v3;
	v3 =	vld [tilespmem:s15+$0xB7C0]  }
0xa1: {  	v62 =	vld [tilespmem:s15+$0xBDE0];
	vm10 =	vlt.s32 v58, $0x0;
	v2 =	vsel vm9, v2, v57  }
0xa2: {  	vm11 =	vlt.s32 v59, $0x0;
	v2 =	vsel vm10, v2, v58  }
0xa3: {  	vm12 =	vlt.s32 v60, $0x0;
	v2 =	vsel vm11, v2, v59  }
0xa4: {  	vm13 =	vlt.s32 v61, $0x0;
	v2 =	vsel vm12, v2, v60  }
0xa5: {  	v2 =	vsel vm13, v2, v61;
	vm14 =	vlt.s32 v3, $0x0  }
0xa6: {  	vm15 =	vlt.s32 v62, $0x0;
	v2 =	vsel vm14, v2, v3  }
0xa7: {  	s24 =	sadd.s32 $0x10, s17;
	v2 =	vsel vm15, v2, v62  }
0xa8: {  	v3 =	vor.u32 s24, v0;
	vm0 =	vlt.s32 v2, $0x0  }
0xa9: {  	v3 =	vand.u32 $0x1FF, v3;
	v63 =	vsel vm0, $0x0, v1  }
0xaa: {  	v2 =	vsel vm0, $0x0, v2;
	v3 =	vor.u32 v3, v63  }
0xab: {  	v2 =	vmin.u32 v2, $0x7A1FF;
	[tilespmem:s15+$0xD660] =	vst v3  }
0xac: {  	[tilespmem:s15+$0xC400] =	vst v2;
	s15 =	rddreg [dreg:$0x3]  }
0xad: {  	[tilespmem:s0], [sflag:$0x1] =	stream.indirect.gather [hbm4b:s15+s29], $0x1, s1, s29, $0xb8;
	[tilespmem:$0x1ED80] =	vst v63  }
0xae: {  	s17 =	rddreg [dreg:$0x4]  }
0xaf: {  	[tilespmem:s30], [sflag:$0x2] =	stream.indirect.gather [hbm4b:s17+s29], $0x1, s1, s29, $0xb8;
	[tilespmem:$0x1ED80] =	vst v63  }
0xb0: {  	_ =	swait.ge [sflag:s4], $0x620  }
0xb1: {  	[sflag:s4] =	ssyncset.done $0x0  }
0xb2: {  	[sflag:s4] =	ssyncadd.s32 $0xFFFFF9E0  }
0xb3: {  	_ =	swait.ge [sflag:s5], $0x620  }
0xb4: {  	[sflag:s5] =	ssyncset.done $0x0  }
0xb5: {  	[sflag:s5] =	ssyncadd.s32 $0xFFFFF9E0  }
0xb6: {  	[tilespmem:s6], [sflag:$0x3] =	stream.indirect.gather [hbm4b:s20+s29], $0x8, s0, s29, $0xb8;
	[tilespmem:$0x1ED80] =	vst v63  }
0xb7: {  	_ =	swait.ge [sflag:s7], $0x3100  }
0xb8: {  	[sflag:s7] =	ssyncset.done $0x0  }
0xb9: {  	[sflag:s7] =	ssyncadd.s32 $0xFFFFCF00  }
0xba: {  	[hbm4b:s23+s8] =	stream.strided.scatter [tilespmem:s6], [sflag:$0x4], $0x3100, s9, s8, $0x38;
	[tilespmem:$0x1ED80] =	vst v63  }
0xbb: {  	_ =	swait.ge [sflag:s31], $0x3100  }
0xbc: {  	[sflag:s31] =	ssyncset.done $0x0  }
0xbd: {  	[sflag:s31] =	ssyncadd.s32 $0xFFFFCF00  }
0xbe: {  	[tilespmem:s6], [sflag:$0x3] =	stream.indirect.gather [hbm4b:s20+s29], $0x8, s30, s29, $0xb8;
	[tilespmem:$0x1ED80] =	vst v63  }
0xbf: {  	_ =	swait.ge [sflag:s7], $0x3100  }
0xc0: {  	[sflag:s7] =	ssyncset.done $0x0  }
0xc1: {  	[sflag:s7] =	ssyncadd.s32 $0xFFFFCF00  }
0xc2: {  	[hbm4b:s25+s8] =	stream.strided.scatter [tilespmem:s6], [sflag:$0x4], $0x3100, s9, s8, $0x38;
	[tilespmem:$0x1ED80] =	vst v63  }
0xc3: {  	_ =	swait.ge [sflag:s31], $0x3100  }
0xc4: {  	[sflag:s31] =	ssyncset.done $0x0  }
0xc5: {  	s24 =	simm.s32 $0xD660;
	[sflag:s31] =	ssyncadd.s32 $0xFFFFCF00  }
0xc6: {  	[tilespmem:s6], [sflag:$0x3] =	stream.indirect.gather [hbm4b:s21+s29], $0x8, s24, s29, $0xb8;
	[tilespmem:$0x1ED80] =	vst v63  }
0xc7: {  	_ =	swait.ge [sflag:s7], $0x3100  }
0xc8: {  	[sflag:s7] =	ssyncset.done $0x0  }
0xc9: {  	[sflag:s7] =	ssyncadd.s32 $0xFFFFCF00  }
0xca: {  	[hbm4b:s26+s8] =	stream.strided.scatter [tilespmem:s6], [sflag:$0x4], $0x3100, s9, s8, $0x38;
	[tilespmem:$0x1ED80] =	vst v63  }
0xcb: {  	_ =	swait.ge [sflag:s31], $0x3100  }
0xcc: {  	[sflag:s31] =	ssyncset.done $0x0  }
0xcd: {  	[sflag:s31] =	ssyncadd.s32 $0xFFFFCF00  }
0xce: {  	[tilespmem:s11], [sflag:$0x1] =	stream.indirect.gather [hbm4b:s2+s10], $0x80, s0, s10, $0xb8;
	[tilespmem:$0x1ED80] =	vst v63  }
0xcf: {  	s15 =	simm.s32 $0xCB00  }
0xd0: {  	[tilespmem:s12], [sflag:$0x2] =	stream.indirect.gather [hbm4b:s2+s10], $0x80, s15, s10, $0xb8;
	[tilespmem:$0x1ED80] =	vst v63  }
0xd1: {  	_ =	swait.ge [sflag:s4], $0x7000  }
0xd2: {  	[sflag:s4] =	ssyncset.done $0x0  }
0xd3: {  	s17 =	rddreg [dreg:$0xb];
	[sflag:s4] =	ssyncadd.s32 $0xFFFF9000  }
0xd4: {  	[hbm4b:s17+s3] =	stream.linear.scatter [tilespmem:s11], [sflag:$0x4], $0x7000, $0x38;
	[tilespmem:$0x1ED80] =	vst v63  }
0xd5: {  	_ =	swait.ge [sflag:s31], $0x7000  }
0xd6: {  	[sflag:s31] =	ssyncset.done $0x0  }
0xd7: {  	s24 =	simm.s32 $0xCBE0;
	[sflag:s31] =	ssyncadd.s32 $0xFFFF9000  }
0xd8: {  	[tilespmem:s11], [sflag:$0x1] =	stream.indirect.gather [hbm4b:s2+s10], $0x80, s24, s10, $0xb8;
	[tilespmem:$0x1ED80] =	vst v63  }
0xd9: {  	_ =	swait.ge [sflag:s5], $0x7000  }
0xda: {  	[sflag:s5] =	ssyncset.done $0x0  }
0xdb: {  	s15 =	rddreg [dreg:$0xc];
	[sflag:s5] =	ssyncadd.s32 $0xFFFF9000  }
0xdc: {  	[hbm4b:s15+s3] =	stream.linear.scatter [tilespmem:s12], [sflag:$0x4], $0x7000, $0x38;
	[tilespmem:$0x1ED80] =	vst v63  }
0xdd: {  	_ =	swait.ge [sflag:s31], $0x7000  }
0xde: {  	[sflag:s31] =	ssyncset.done $0x0  }
0xdf: {  	s17 =	simm.s32 $0xCCC0;
	[sflag:s31] =	ssyncadd.s32 $0xFFFF9000  }
0xe0: {  	[tilespmem:s12], [sflag:$0x2] =	stream.indirect.gather [hbm4b:s2+s10], $0x80, s17, s10, $0xb8;
	[tilespmem:$0x1ED80] =	vst v63  }
0xe1: {  	_ =	swait.ge [sflag:s4], $0x7000  }
0xe2: {  	[sflag:s4] =	ssyncset.done $0x0  }
0xe3: {  	s24 =	rddreg [dreg:$0xd];
	[sflag:s4] =	ssyncadd.s32 $0xFFFF9000  }
0xe4: {  	[hbm4b:s24+s3] =	stream.linear.scatter [tilespmem:s11], [sflag:$0x4], $0x7000, $0x38;
	[tilespmem:$0x1ED80] =	vst v63  }
0xe5: {  	_ =	swait.ge [sflag:s31], $0x7000  }
0xe6: {  	[sflag:s31] =	ssyncset.done $0x0  }
0xe7: {  	s15 =	simm.s32 $0xCDA0;
	[sflag:s31] =	ssyncadd.s32 $0xFFFF9000  }
0xe8: {  	[tilespmem:s11], [sflag:$0x1] =	stream.indirect.gather [hbm4b:s2+s10], $0x80, s15, s10, $0xb8;
	[tilespmem:$0x1ED80] =	vst v63  }
0xe9: {  	_ =	swait.ge [sflag:s5], $0x7000  }
0xea: {  	[sflag:s5] =	ssyncset.done $0x0  }
0xeb: {  	s17 =	rddreg [dreg:$0xe];
	[sflag:s5] =	ssyncadd.s32 $0xFFFF9000  }
0xec: {  	[hbm4b:s17+s3] =	stream.linear.scatter [tilespmem:s12], [sflag:$0x4], $0x7000, $0x38;
	[tilespmem:$0x1ED80] =	vst v63  }
0xed: {  	_ =	swait.ge [sflag:s31], $0x7000  }
0xee: {  	[sflag:s31] =	ssyncset.done $0x0  }
0xef: {  	s24 =	simm.s32 $0xCE80;
	[sflag:s31] =	ssyncadd.s32 $0xFFFF9000  }
0xf0: {  	[tilespmem:s12], [sflag:$0x2] =	stream.indirect.gather [hbm4b:s2+s10], $0x80, s24, s10, $0xb8;
	[tilespmem:$0x1ED80] =	vst v63  }
0xf1: {  	_ =	swait.ge [sflag:s4], $0x7000  }
0xf2: {  	[sflag:s4] =	ssyncset.done $0x0  }
0xf3: {  	s15 =	rddreg [dreg:$0x5];
	[sflag:s4] =	ssyncadd.s32 $0xFFFF9000  }
0xf4: {  	[hbm4b:s15+s3] =	stream.linear.scatter [tilespmem:s11], [sflag:$0x4], $0x7000, $0x38;
	[tilespmem:$0x1ED80] =	vst v63  }
0xf5: {  	_ =	swait.ge [sflag:s31], $0x7000  }
0xf6: {  	[sflag:s31] =	ssyncset.done $0x0  }
0xf7: {  	s17 =	simm.s32 $0xCF60;
	[sflag:s31] =	ssyncadd.s32 $0xFFFF9000  }
0xf8: {  	[tilespmem:s11], [sflag:$0x1] =	stream.indirect.gather [hbm4b:s2+s10], $0x80, s17, s10, $0xb8;
	[tilespmem:$0x1ED80] =	vst v63  }
0xf9: {  	_ =	swait.ge [sflag:s5], $0x7000  }
0xfa: {  	[sflag:s5] =	ssyncset.done $0x0  }
0xfb: {  	s24 =	rddreg [dreg:$0x6];
	[sflag:s5] =	ssyncadd.s32 $0xFFFF9000  }
0xfc: {  	[hbm4b:s24+s3] =	stream.linear.scatter [tilespmem:s12], [sflag:$0x4], $0x7000, $0x38;
	[tilespmem:$0x1ED80] =	vst v63  }
0xfd: {  	_ =	swait.ge [sflag:s31], $0x7000  }
0xfe: {  	[sflag:s31] =	ssyncset.done $0x0  }
0xff: {  	[sflag:s31] =	ssyncadd.s32 $0xFFFF9000  }
0x100: {  	_ =	swait.ge [sflag:s4], $0x7000  }
0x101: {  	[sflag:s4] =	ssyncset.done $0x0  }
0x102: {  	s15 =	rddreg [dreg:$0x7];
	[sflag:s4] =	ssyncadd.s32 $0xFFFF9000  }
0x103: {  	[hbm4b:s15+s3] =	stream.linear.scatter [tilespmem:s11], [sflag:$0x4], $0x7000, $0x38;
	[tilespmem:$0x1ED80] =	vst v63  }
0x104: {  	_ =	swait.ge [sflag:s31], $0x7000  }
0x105: {  	[sflag:s31] =	ssyncset.done $0x0  }
0x106: {  	[sflag:s31] =	ssyncadd.s32 $0xFFFF9000  }
0x107: {  	[tilespmem:s11], [sflag:$0x1] =	stream.indirect.gather [hbm4b:s2+s10], $0x80, s30, s10, $0xb8;
	[tilespmem:$0x1ED80] =	vst v63  }
0x108: {  	s17 =	simm.s32 $0xD120  }
0x109: {  	[tilespmem:s12], [sflag:$0x2] =	stream.indirect.gather [hbm4b:s2+s10], $0x80, s17, s10, $0xb8;
	[tilespmem:$0x1ED80] =	vst v63  }
0x10a: {  	_ =	swait.ge [sflag:s4], $0x7000  }
0x10b: {  	[sflag:s4] =	ssyncset.done $0x0  }
0x10c: {  	s24 =	rddreg [dreg:$0xf];
	[sflag:s4] =	ssyncadd.s32 $0xFFFF9000  }
0x10d: {  	[hbm4b:s24+s3] =	stream.linear.scatter [tilespmem:s11], [sflag:$0x4], $0x7000, $0x38;
	[tilespmem:$0x1ED80] =	vst v63  }
0x10e: {  	_ =	swait.ge [sflag:s31], $0x7000  }
0x10f: {  	[sflag:s31] =	ssyncset.done $0x0  }
0x110: {  	s15 =	simm.s32 $0xD200;
	[sflag:s31] =	ssyncadd.s32 $0xFFFF9000  }
0x111: {  	[tilespmem:s11], [sflag:$0x1] =	stream.indirect.gather [hbm4b:s2+s10], $0x80, s15, s10, $0xb8;
	[tilespmem:$0x1ED80] =	vst v63  }
0x112: {  	_ =	swait.ge [sflag:s5], $0x7000  }
0x113: {  	[sflag:s5] =	ssyncset.done $0x0  }
0x114: {  	s17 =	rddreg [dreg:$0x10];
	[sflag:s5] =	ssyncadd.s32 $0xFFFF9000  }
0x115: {  	[hbm4b:s17+s3] =	stream.linear.scatter [tilespmem:s12], [sflag:$0x4], $0x7000, $0x38;
	[tilespmem:$0x1ED80] =	vst v63  }
0x116: {  	_ =	swait.ge [sflag:s31], $0x7000  }
0x117: {  	[sflag:s31] =	ssyncset.done $0x0  }
0x118: {  	s24 =	simm.s32 $0xD2E0;
	[sflag:s31] =	ssyncadd.s32 $0xFFFF9000  }
0x119: {  	[tilespmem:s12], [sflag:$0x2] =	stream.indirect.gather [hbm4b:s2+s10], $0x80, s24, s10, $0xb8;
	[tilespmem:$0x1ED80] =	vst v63  }
0x11a: {  	_ =	swait.ge [sflag:s4], $0x7000  }
0x11b: {  	[sflag:s4] =	ssyncset.done $0x0  }
0x11c: {  	[sflag:s4] =	ssyncadd.s32 $0xFFFF9000  }
0x11d: {  	[hbm4b:s18+s3] =	stream.linear.scatter [tilespmem:s11], [sflag:$0x4], $0x7000, $0x38;
	[tilespmem:$0x1ED80] =	vst v63  }
0x11e: {  	_ =	swait.ge [sflag:s31], $0x7000  }
0x11f: {  	[sflag:s31] =	ssyncset.done $0x0  }
0x120: {  	s15 =	simm.s32 $0xD3C0;
	[sflag:s31] =	ssyncadd.s32 $0xFFFF9000  }
0x121: {  	[tilespmem:s11], [sflag:$0x1] =	stream.indirect.gather [hbm4b:s2+s10], $0x80, s15, s10, $0xb8;
	[tilespmem:$0x1ED80] =	vst v63  }
0x122: {  	_ =	swait.ge [sflag:s5], $0x7000  }
0x123: {  	[sflag:s5] =	ssyncset.done $0x0  }
0x124: {  	[sflag:s5] =	ssyncadd.s32 $0xFFFF9000  }
0x125: {  	[hbm4b:s19+s3] =	stream.linear.scatter [tilespmem:s12], [sflag:$0x4], $0x7000, $0x38;
	[tilespmem:$0x1ED80] =	vst v63  }
0x126: {  	_ =	swait.ge [sflag:s31], $0x7000  }
0x127: {  	[sflag:s31] =	ssyncset.done $0x0  }
0x128: {  	s17 =	simm.s32 $0xD4A0;
	[sflag:s31] =	ssyncadd.s32 $0xFFFF9000  }
0x129: {  	[tilespmem:s12], [sflag:$0x2] =	stream.indirect.gather [hbm4b:s2+s10], $0x80, s17, s10, $0xb8;
	[tilespmem:$0x1ED80] =	vst v63  }
0x12a: {  	_ =	swait.ge [sflag:s4], $0x7000  }
0x12b: {  	[sflag:s4] =	ssyncset.done $0x0  }
0x12c: {  	s24 =	rddreg [dreg:$0x8];
	[sflag:s4] =	ssyncadd.s32 $0xFFFF9000  }
0x12d: {  	[hbm4b:s24+s3] =	stream.linear.scatter [tilespmem:s11], [sflag:$0x4], $0x7000, $0x38;
	[tilespmem:$0x1ED80] =	vst v63  }
0x12e: {  	_ =	swait.ge [sflag:s31], $0x7000  }
0x12f: {  	[sflag:s31] =	ssyncset.done $0x0  }
0x130: {  	s15 =	simm.s32 $0xD580;
	[sflag:s31] =	ssyncadd.s32 $0xFFFF9000  }
0x131: {  	[tilespmem:s11], [sflag:$0x1] =	stream.indirect.gather [hbm4b:s2+s10], $0x80, s15, s10, $0xb8;
	[tilespmem:$0x1ED80] =	vst v63  }
0x132: {  	_ =	swait.ge [sflag:s5], $0x7000  }
0x133: {  	[sflag:s5] =	ssyncset.done $0x0  }
0x134: {  	s17 =	rddreg [dreg:$0x9];
	[sflag:s5] =	ssyncadd.s32 $0xFFFF9000  }
0x135: {  	[hbm4b:s17+s3] =	stream.linear.scatter [tilespmem:s12], [sflag:$0x4], $0x7000, $0x38;
	[tilespmem:$0x1ED80] =	vst v63  }
0x136: {  	_ =	swait.ge [sflag:s31], $0x7000  }
0x137: {  	[sflag:s31] =	ssyncset.done $0x0  }
0x138: {  	[sflag:s31] =	ssyncadd.s32 $0xFFFF9000  }
0x139: {  	s13 =	sadd.s32 $0x1, s13;
	_ =	swait.ge [sflag:s4], $0x7000  }
0x13a: {  	p0 =	sne.s32 s13, s28;
	[sflag:s4] =	ssyncset.done $0x0  }
.Ltmp1:
0x13b: {  	s24 =	rddreg [dreg:$0xa];
	[sflag:s4] =	ssyncadd.s32 $0xFFFF9000;
	(pc) =	sbr.rel @p0 .LBB2_1-.Ltmp1, $4  }
0x13c: {  	[hbm4b:s24+s3] =	stream.linear.scatter [tilespmem:s11], [sflag:$0x4], $0x7000, $0x38;
	[tilespmem:$0x1ED80] =	vst v63  }
0x13d: {  	_ =	swait.ge [sflag:s31], $0x7000  }
0x13e: {  	[sflag:s31] =	ssyncset.done $0x0  }
0x13f: {  	[sflag:s31] =	ssyncadd.s32 $0xFFFF9000  }
0x140: {  	_ =	sfence.sel $0x180000  }
0x141: {  	[bflag:$0x0] =	sbarrier.arrive $0xFFFF  }
0x142: {  	_ =	strace $0x9000004A  }
0x143: {  	s0 =	stileid.u32;
	[bflag:$0x2] =	sbarrier.arrive $0xFFFF  }
0x144: {  	p0 =	sne.s32 s0, $0x0;
	s0 =	rddreg [dreg:$0x2]  }
0x145: {  	s0 =	sadd.s32 @!p0 $0x100000, s0  }
0x146: {  	[sflag:s0] =	ssyncadd.tile.s32 @!p0 $0x1;
	_ =	shalt  }
.Lfunc_end2:
_tile_overlayer_lowered:
.L_overlay_start_2:
0x147: {  	(tag) =	ssettag $0x2  }
0x148: {  	s0 =	rddreg [dreg:$0x0];
	s2 =	stileid.u32  }
0x149: {  	s1 =	rddreg [dreg:$0x1];
	p0 =	sne.s32 s2, $0x0  }
0x14a: {  	s3 =	rddreg [dreg:$0x2];
	[bflag:$0x3] =	sbarrier.arrive $0xFFFF;
	s2 =	simm.s32 @!p0 $0x1C04  }
0x14b: {  	[timem:s3], [sflag:s2] =	dma.local @!p0 [hbm:s0], s1  }
0x14c: {  	s0 =	simm.s32 @!p0 $0x4  }
0x14d: {  	_ =	swait.ge @!p0 [sflag:s0], s1  }
0x14e: {  	s1 =	ssub.s32 @!p0 $0x0, s1;
	[sflag:s0] =	ssyncset.done @!p0 $0x0  }
0x14f: {  	[sflag:s0] =	ssyncadd.s32 @!p0 s1  }
0x150: {  	[bflag:$0x3] =	sbarrier.arrive $0xFFFF  }
0x151: {  	_ =	shalt  }

// kernel: a2b_chunk1.3.cloned.1.call-start
scs
__scs_entry_jumppad:
0x0: {  	(pc) =	sbr.rel $0x88, $3  }
0x1: {  	(tag) =	ssettag $0x0;
	lr =	simm.s32 $0x1  }
0x2: {  	[smem:$0x3F9A] =	sst lr;
	_ =	strace $0xD0000000  }
0x3: {  	_ = 	snop  }
0x4: {  	_ = 	snop  }
0x5: {  	_ = 	snop  }
0x6: {  	_ = 	snop  }
0x7: {  	_ = 	snop  }
__scs_overlays_trampoline_lowered:
0x8: {  	[smem:$0x3FA9] =	sst s0  }
0x9: {  	[smem:$0x3FAA] =	sst s1  }
0xa: {  	[smem:$0x3FAB] =	sst s2  }
0xb: {  	[smem:$0x3FAC] =	sst s3  }
0xc: {  	[smem:$0x3FAD] =	sst s4  }
0xd: {  	[smem:$0x3FAE] =	sst s5  }
0xe: {  	[smem:$0x3FAF] =	sst s6  }
0xf: {  	[smem:$0x3FB0] =	sst s7  }
0x10: {  	[smem:$0x3FB1] =	sst s8  }
0x11: {  	[smem:$0x3FB2] =	sst s9;
	s0 =	simm.s32 @!p0 $0x0  }
0x12: {  	s1 =	sld [smem:$0x3F98];
	s0 =	simm.s32 @p0 $0x1  }
0x13: {  	[smem:$0x3FB3] =	sst s0;
	s0 =	simm.s32 @!p1 $0x0  }
0x14: {  	s2 =	sld [smem:$0x3F97];
	s0 =	simm.s32 @p1 $0x1  }
0x15: {  	[smem:$0x3FB4] =	sst s0;
	s0 =	simm.s32 @!p2 $0x0  }
0x16: {  	s3 =	sld [smem:$0x3FDB];
	s0 =	simm.s32 @p2 $0x1  }
0x17: {  	s4 =	simm.s32 $0x1BF5;
	[smem:$0x3FB6] =	sst s0  }
0x18: {  	s0 =	sld [smem:$0x3F99];
	_ =	swait.ge [sflag:s4], $0x0  }
0x19: {  	s7 =	sld [smem:$0x3F9A]  }
0x1a: {  	s8 =	sadd.s32 $0xFFFFE003, lr  }
0x1b: {  	s9 =	sadd.s32 $0xFFFFFEF7, lr;
	s5 =	simm.s32 $0xFFFFFFFF;
	p2 =	slt.u32 s8, $0xFFFFF086  }
0x1c: {  	p1 =	slt.u32 s9, $0xF7A;
	s5 =	simm.s32 @!p2 $0x0  }
0x1d: {  	s5 =	simm.s32 @p1 $0x1;
	p0 =	seq.s32 s7, s2  }
0x1e: {  	s7 =	smul.u32 @!p0 $0xF7A, s2;
	p2 =	seq.s32 @!p0 s5, $0x0  }
0x1f: {  	s9 =	smul.u32 $0xF7A, s1;
	s8 =	simm.s32 @!p0 $0x1BF5;
	p2 =	por !p2, p0  }
0x20: {  	[sflag:s8] =	ssyncset.s32 @!p0 $0xFFFFF086;
	s6 =	sadd.s32 @!p0 s3, s7;
	s7 =	simm.s32 @!p0 $0x108  }
0x21: {  	s3 =	sadd.s32 s3, s9;
	s6 =	sadd.s32 @!p0 $0x88, s6;
	s7 =	simm.s32 @p2 $0x1082  }
0x22: {  	[simem:s7], [sflag:s8] =	dma.local @!p0 [hbm:s6], $0xF7A  }
0x23: {  	s9 =	sor.u32 $0xD0000000, s2;
	s6 =	simm.s32 $0x108;
	_ =	swait.ge @!p0 [sflag:s8], $0x0  }
0x24: {  	s3 =	sadd.s32 $0x88, s3;
	s6 =	simm.s32 @!p1 $0x1082;
	[sflag:s4] =	ssyncset.s32 $0xFFFFF086  }
0x25: {  	[simem:s6], [sflag:s4] =	dma.local [hbm:s3], $0xF7A  }
0x26: {  	[smem:$0x3F9A] =	sst s1;
	(tag) =	ssettag s2;
	_ =	strace s9  }
0x27: {  	s1 =	sld [smem:$0x3FAA]  }
0x28: {  	s2 =	sld [smem:$0x3FAB]  }
0x29: {  	s4 =	sld [smem:$0x3FAD]  }
0x2a: {  	p0 =	seq.s32 s5, $0x0;
	s5 =	sld [smem:$0x3FAE]  }
0x2b: {  	s6 =	sld [smem:$0x3FAF]  }
0x2c: {  	s7 =	sld [smem:$0x3FB0]  }
0x2d: {  	s3 =	simm.s32 $0x108;
	s8 =	sld [smem:$0x3FB1]  }
0x2e: {  	s3 =	simm.s32 @!p0 $0x1082;
	s9 =	sld [smem:$0x3FB2]  }
0x2f: {  	lr =	sadd.s32 s0, s3;
	s0 =	sld [smem:$0x3FA9]  }
0x30: {  	s3 =	sld [smem:$0x3FAC]  }
0x31: {  	[smem:$0x3FB5] =	sst s10  }
0x32: {  	s10 =	sld [smem:$0x3FB3];
	_ =	sdelay $0x3  }
0x33: {  	p0 =	seq.s32 s10, $0x1;
	s10 =	sld [smem:$0x3FB5];
	_ =	sdelay $0x3  }
0x34: {  	[smem:$0x3FB5] =	sst s10  }
0x35: {  	s10 =	sld [smem:$0x3FB4];
	_ =	sdelay $0x3  }
0x36: {  	p1 =	seq.s32 s10, $0x1;
	s10 =	sld [smem:$0x3FB5];
	_ =	sdelay $0x3  }
0x37: {  	[smem:$0x3FB5] =	sst s10  }
0x38: {  	s10 =	sld [smem:$0x3FB6]  }
0x39: {  	_ = 	snop;
	(pc) =	sbr.ind lr, $3  }
0x3a: {  	_ = 	snop  }
0x3b: {  	_ = 	snop  }
0x3c: {  	p2 =	seq.s32 s10, $0x1;
	s10 =	sld [smem:$0x3FB5]  }
0x3d: {  	_ =	shalt  }
0x3e: {  	_ =	shalt  }
0x3f: {  	_ =	shalt  }
0x40: {  	_ =	shalt  }
0x41: {  	_ =	shalt  }
0x42: {  	_ =	shalt  }
0x43: {  	_ =	shalt  }
0x44: {  	_ =	shalt  }
0x45: {  	_ =	shalt  }
0x46: {  	_ =	shalt  }
0x47: {  	_ =	shalt  }
0x48: {  	_ =	shalt  }
0x49: {  	_ =	shalt  }
0x4a: {  	_ =	shalt  }
0x4b: {  	_ =	shalt  }
0x4c: {  	_ =	shalt  }
0x4d: {  	_ =	shalt  }
0x4e: {  	_ =	shalt  }
0x4f: {  	_ =	shalt  }
0x50: {  	_ =	shalt  }
0x51: {  	_ =	shalt  }
0x52: {  	_ =	shalt  }
0x53: {  	_ =	shalt  }
0x54: {  	_ =	shalt  }
0x55: {  	_ =	shalt  }
0x56: {  	_ =	shalt  }
0x57: {  	_ =	shalt  }
0x58: {  	_ =	shalt  }
0x59: {  	_ =	shalt  }
0x5a: {  	_ =	shalt  }
0x5b: {  	_ =	shalt  }
0x5c: {  	_ =	shalt  }
0x5d: {  	_ =	shalt  }
0x5e: {  	_ =	shalt  }
0x5f: {  	_ =	shalt  }
0x60: {  	_ =	shalt  }
0x61: {  	_ =	shalt  }
0x62: {  	_ =	shalt  }
0x63: {  	_ =	shalt  }
0x64: {  	_ =	shalt  }
0x65: {  	_ =	shalt  }
0x66: {  	_ =	shalt  }
0x67: {  	_ =	shalt  }
0x68: {  	_ =	shalt  }
0x69: {  	_ =	shalt  }
0x6a: {  	_ =	shalt  }
0x6b: {  	_ =	shalt  }
0x6c: {  	_ =	shalt  }
0x6d: {  	_ =	shalt  }
0x6e: {  	_ =	shalt  }
0x6f: {  	_ =	shalt  }
0x70: {  	_ =	shalt  }
0x71: {  	_ =	shalt  }
0x72: {  	_ =	shalt  }
0x73: {  	_ =	shalt  }
0x74: {  	_ =	shalt  }
0x75: {  	_ =	shalt  }
0x76: {  	_ =	shalt  }
0x77: {  	_ =	shalt  }
0x78: {  	_ =	shalt  }
0x79: {  	_ =	shalt  }
0x7a: {  	_ =	shalt  }
0x7b: {  	_ =	shalt  }
0x7c: {  	_ =	shalt  }
0x7d: {  	_ =	shalt  }
0x7e: {  	_ =	shalt  }
0x7f: {  	_ =	shalt  }
0x80: {  	_ =	shalt  }
0x81: {  	_ =	shalt  }
0x82: {  	_ =	shalt  }
0x83: {  	_ =	shalt  }
0x84: {  	_ =	shalt  }
0x85: {  	_ =	shalt  }
0x86: {  	_ =	shalt  }
0x87: {  	_ =	shalt  }
.Lfunc_end0:
.L_simem_size_0:
called_computation.2_lowered:
.L_overlay_start_0:
0x88: {  	s2 =	sld [smem:$0x3FD9]  }
0x89: {  	s3 =	sld [smem:$0x3FFE];
	_ =	sdelay $0x1  }
0x8a: {  	s1 =	srdreg.scid  }
0x8b: {  	s0 =	sand.u32 $0x1, s1  }
0x8c: {  	s17 =	sshll.u32 s0, $0xA;
	s2 =	sadd.s32 s3, s2  }
0x8d: {  	s2 =	sadd.s32 s2, s17  }
0x8e: {  	[smem:$0x3FC1] =	sst s2  }
0x8f: {  	_ = 	snop  }
0x90: {  	s18 =	sld [smem:$0x3FC8];
	(tm) =	ssettm $0x1  }
0x91: {  	s19 =	sld [smem:$0x3FFB];
	_ =	sdelay $0x3  }
0x92: {  	_ =	strace s19  }
0x93: {  	s2 =	sld [smem:$0x3FFC];
	_ =	sdelay $0x3  }
0x94: {  	_ =	strace s2  }
0x95: {  	s2 =	sld [smem:$0x3FFD];
	_ =	sdelay $0x3  }
0x96: {  	_ =	strace s2  }
0x97: {  	_ =	strace $0x8FFFFFFF  }
0x98: {  	s20 =	sld [smem:$0x3FDB];
	_ =	sdelay $0x1  }
0x99: {  	s4 =	simm.s32 $_scs_section_size  }
0x9a: {  	s5 =	simm.s32 $_size__tile_overlayer_lowered;
	s6 =	simm.s32 $_tile_overlayer_lowered  }
0x9b: {  	s7 =	simm.s32 $0x1BFF;
	s21 =	sshll.u32 s6, $0x1;
	s4 =	sadd.s32 s4, s20  }
0x9c: {  	s22 =	simm.s32 $0x0;
	s5 =	sshll.u32 s5, $0x1;
	s6 =	sadd.s32 s21, s4  }
0x9d: {  	[timem:s22], [sflag:s7] =	dma.local [hbm:s6], s5  }
0x9e: {  	_ =	swait.ge [sflag:s7], s5  }
0x9f: {  	s5 =	ssub.s32 $0x0, s5;
	[sflag:s7] =	ssyncset.done $0x0  }
0xa0: {  	[sflag:s7] =	ssyncadd.s32 s5;
	_ =	sdelay $0x1  }
0xa1: {  	s23 =	simm.s32 $0x1B8B  }
0xa2: {  	_ =	swait.ge [sflag:s23], $0x1  }
0xa3: {  	[sflag:s23] =	ssyncset.done $0x0  }
0xa4: {  	[sflag:s23] =	ssyncadd.s32 $0xFFFFFFFF  }
0xa5: {  	s5 =	sld [smem:$0x0]  }
0xa6: {  	s6 =	sand.u32 $0xFFFFFFFE, s1  }
0xa7: {  	p0 =	sne.s32 s1, s6  }
0xa8: {  	s6 =	sshll.u32 @p0 s6, $0xE  }
0xa9: {  	s6 =	sadd.s32 @p0 $0x11B8D, s6;
	s7 =	sshll.u32 @p0 s5, $0x11  }
0xaa: {  	s6 =	sor.u32 @p0 s7, s6  }
0xab: {  	[sflag:s6] =	ssyncadd.remote.s32 @p0 $0x1;
	_ =	sdelay $0x1  }
0xac: {  	s6 =	simm.s32 @p0 $0x1B8D  }
0xad: {  	_ =	swait.eq @p0 [sflag:s6], $0x1  }
0xae: {  	[sflag:s6] =	ssyncadd.s32 @p0 $0xFFFFFFFF  }
0xaf: {  	s7 =	sshll.u32 @!p0 s1, $0xE  }
0xb0: {  	s7 =	sor.u32 @!p0 $0x4000, s7;
	s6 =	simm.s32 @!p0 $0x1B8D  }
0xb1: {  	s5 =	sshll.u32 @!p0 s5, $0x11;
	s7 =	sadd.s32 @!p0 $0x11B8D, s7;
	_ =	swait.eq @!p0 [sflag:s6], $0x1  }
0xb2: {  	s5 =	sor.u32 @!p0 s5, s7;
	[sflag:s6] =	ssyncadd.s32 @!p0 $0xFFFFFFFF  }
0xb3: {  	s25 =	simm.s32 $0x1B8E;
	s24 =	sld [smem:$0x3FFE];
	[sflag:s5] =	ssyncadd.remote.s32 @!p0 $0x1  }
0xb4: {  	s26 =	simm.s32 $execute0_lowered;
	[smem:$0x3FD2] =	sst s25  }
0xb5: {  	s6 =	sshll.u32 s26, $0x1;
	_ =	strace $0x8000004C;
	[dreg:$0x1] =	wrdreg $0xFFFFFFFF  }
0xb6: {  	s28 =	simm.s32 $_size_execute0_lowered;
	s4 =	sadd.s32 s4, s6;
	[dreg:$0x0] =	wrdreg $0x0  }
0xb7: {  	s6 =	sshll.u32 s28, $0x1;
	[dreg:$0x2] =	wrdreg s4  }
0xb8: {  	[dreg:$0x3] =	wrdreg s6  }
0xb9: {  	[dreg:$0x4] =	wrdreg $0xC0  }
0xba: {  	_ =	task [dreg:s22], $0x5FFFF  }
0xbb: {  	[dreg:$0x1] =	wrdreg $0xFFFFFFFF  }
0xbc: {  	[dreg:$0x0] =	wrdreg $0x60  }
0xbd: {  	[dreg:$0x2] =	wrdreg s24  }
0xbe: {  	[dreg:$0x3] =	wrdreg s18  }
0xbf: {  	[dreg:$0x4] =	wrdreg $0xA  }
0xc0: {  	_ =	task.clear_ibuf [dreg:s22], $0x5FFFF;
	_ =	strace $0x9000004C  }
0xc1: {  	s29 =	simm.s32 $0xA;
	_ =	strace $0x8000004E  }
0xc2: {  	_ =	swait.ge [sflag:s29], $0x1  }
0xc3: {  	[sflag:s29] =	ssyncadd.s32 $0xFFFFFFFF  }
0xc4: {  	_ =	strace $0x9000004E  }
0xc5: {  	_ =	sfence  }
0xc6: {  	s30 =	sld [smem:$0x0];
	_ =	sdelay $0x2  }
0xc7: {  	s31 =	sshll.u32 s1, $0xD;
	s1 =	sshrl.u32 s1, $0x2  }
0xc8: {  	s4 =	sand.u32 $0x4000, s31;
	s1 =	sadd.s32 s1, s30  }
0xc9: {  	s0 =	sor.u32 s4, s0;
	s1 =	sshll.u32 s1, $0x11  }
0xca: {  	s0 =	sor.u32 s1, s0  }
0xcb: {  	s0 =	sadd.s32 $0x8F2B, s0  }
0xcc: {  	[sflag:s0] =	ssyncadd.remote.s32 $0x1  }
0xcd: {  	_ =	sfence.sel $0xFFFF  }
0xce: {  	[dreg:$0x0] =	wrdreg $0xFFFFFFFF;
	(pc) =	sbr.abs _section_cstart, $3  }
0xcf: {  	[dreg:$0x1] =	wrdreg $0xFFFFFFFF  }
0xd0: {  	_ =	task.clear_ibuf [dreg:s22], $0x2FFFF;
	_ =	strace $0x9FFFFFFF  }
0xd1: {  	(tm) =	ssettm $0x7FFFFFFF  }
tec
execute0_lowered:
.L_overlay_start_1:
0x0: {  	(tag) =	ssettag $0x1  }
0x1: {  	s0 =	rddreg [dreg:$0x0]  }
0x2: {  	s1 =	srdreg.scid;
	s13 =	stileid.u32  }
0x3: {  	s2 =	rddreg [dreg:$0x1];
	s3 =	simm.s32 $0x0;
	s29 =	simm.s32 $0x620  }
0x4: {  	s31 =	simm.s32 $0x4;
	s30 =	simm.s32 $0xD040;
	s1 =	sand.u32 $0x1, s1  }
0x5: {  	s4 =	sshll.u32 s13, $0x1;
	s26 =	sadd.s32 $0x2F8A00, s0;
	s13 =	smul.u32 $0xC40, s13  }
0x6: {  	s4 =	sor.u32 s1, s4;
	s7 =	ssub.s32 $0x2, s1;
	s1 =	smul.u32 $0x620, s1  }
0x7: {  	[smem:$0x7FF] =	sst s3;
	s8 =	sadd.s32 $0x3BCA00, s0;
	s5 =	smul.u32 $0x31000, s4  }
0x8: {  	s6 =	sadd.s32 $0x84C00, s0;
	_ =	strace $0x8000004D;
	s28 =	smul.u32 $0x620, s4  }
0x9: {  	[dreg:$0x3] =	wrdreg s6;
	s9 =	sshrl.u32 s7, $0x1;
	s4 =	smul.u32 $0x6200, s4  }
0xa: {  	s7 =	ssub.s32 s7, s9;
	s1 =	sadd.s32 s1, s13;
	s9 =	simm.s32 $0x80  }
0xb: {  	s13 =	simm.s32 $0x0;
	s5 =	sshrl.u32 s5, $0x3;
	s19 =	sadd.s32 $0xE00, s4  }
0xc: {  	s20 =	sadd.s32 s26, s4;
	s22 =	sadd.s32 $0x1C00, s4;
	s24 =	sadd.s32 $0x2A00, s4  }
0xd: {  	s4 =	sadd.s32 s8, s4;
	s28 =	sshrl.u32 s28, $0x3;
	s10 =	sadd.s32 $0x3800, s5  }
0xe: {  	s15 =	sadd.s32 $0x4600, s5;
	s12 =	sadd.s32 $0x5400, s5;
	[dreg:$0xa] =	wrdreg s20  }
0xf: {  	s21 =	sadd.s32 s26, s19;
	s23 =	sadd.s32 s26, s22;
	[dreg:$0xe] =	wrdreg s4  }
0x10: {  	s6 =	sadd.s32 s26, s24;
	s25 =	sadd.s32 s8, s19;
	[dreg:$0xb] =	wrdreg s21  }
0x11: {  	s19 =	sadd.s32 $0x75600, s0;
	s20 =	sadd.s32 $0x94200, s0;
	[dreg:$0xc] =	wrdreg s23  }
0x12: {  	s5 =	sadd.s32 s5, s0;
	s4 =	sadd.s32 s0, s28;
	[dreg:$0xd] =	wrdreg s6  }
0x13: {  	s11 =	sadd.s32 s26, s10;
	s14 =	sadd.s32 s26, s15;
	[dreg:$0xf] =	wrdreg s25  }
0x14: {  	s16 =	sadd.s32 s26, s12;
	s10 =	sadd.s32 s8, s10;
	[dreg:$0x4] =	wrdreg s11  }
0x15: {  	s17 =	sadd.s32 s8, s15;
	s18 =	sadd.s32 s8, s12;
	[dreg:$0x5] =	wrdreg s14  }
0x16: {  	s26 =	sadd.s32 s8, s22;
	s21 =	sadd.s32 $0x75200, s0;
	[dreg:$0x6] =	wrdreg s16  }
0x17: {  	s22 =	sadd.s32 $0x14A80, s4;
	s23 =	sadd.s32 $0x480A00, s5;
	[dreg:$0x7] =	wrdreg s10  }
0x18: {  	s25 =	sadd.s32 $0x480A02, s5;
	s0 =	simm.s32 $0xCA20;
	[dreg:$0x8] =	wrdreg s17  }
0x19: {  	s4 =	simm.s32 $0x1;
	s6 =	simm.s32 $0xDC80;
	[dreg:$0x9] =	wrdreg s18  }
0x1a: {  	s12 =	simm.s32 $0x17D80;
	[dreg:$0x10] =	wrdreg s26;
	s18 =	sadd.s32 s8, s24  }
0x1b: {  	s24 =	sadd.s32 $0x480A01, s5;
	s26 =	smax.u32 s7, $0x1;
	s16 =	sadd.s32 $0xC400, s1  }
0x1c: {  	s1 =	simm.s32 $0xC400;
	s5 =	simm.s32 $0x2;
	s7 =	simm.s32 $0x3  }
0x1d: {  	v0 =	vlaneseq.u32;
	v1 =	vimm.s32 $0x200;
	s8 =	simm.s32 $0x8;
	s10 =	simm.s32 $0xE0;
	s11 =	simm.s32 $0x10D80  }
.LBB2_1:
0x1e: {  	s14 =	simm.s32 $0x18800  }
0x1f: {  	[tilespmem:s3], [sflag:$0x4] =	stream.strided.gather [hbm4b:s22+s29], $0xC400, s14, s29, $0x38;
	[tilespmem:$0x1ED80] =	vst v63  }
0x20: {  	_ =	swait.ge [sflag:s31], $0xC400  }
0x21: {  	[sflag:s31] =	ssyncset.done $0x0  }
0x22: {  	s15 =	simm.s32 $0x0;
	[sflag:s31] =	ssyncadd.s32 $0xFFFF3C00  }
0x23: {  	v2 =	vld [tilespmem:s15+$0x0]  }
0x24: {  	v3 =	vld [tilespmem:s15+$0x620]  }
0x25: {  	v4 =	vld [tilespmem:s15+$0xC40]  }
0x26: {  	v5 =	vld [tilespmem:s15+$0x1260]  }
0x27: {  	v6 =	vld [tilespmem:s15+$0x1880]  }
0x28: {  	v7 =	vld [tilespmem:s15+$0x1EA0]  }
0x29: {  	v8 =	vld [tilespmem:s15+$0x24C0];
	vm0 =	vlt.s32 v3, $0x0  }
0x2a: {  	v9 =	vld [tilespmem:s15+$0x2AE0];
	v2 =	vsel vm0, v2, v3;
	vm0 =	vlt.s32 v4, $0x0  }
0x2b: {  	v3 =	vld [tilespmem:s15+$0x3100];
	v2 =	vsel vm0, v2, v4;
	vm0 =	vlt.s32 v5, $0x0  }
0x2c: {  	v4 =	vld [tilespmem:s15+$0x3720];
	v2 =	vsel vm0, v2, v5;
	vm0 =	vlt.s32 v6, $0x0  }
0x2d: {  	v5 =	vld [tilespmem:s15+$0x3D40];
	v2 =	vsel vm0, v2, v6;
	vm0 =	vlt.s32 v7, $0x0  }
0x2e: {  	v6 =	vld [tilespmem:s15+$0x4360];
	v2 =	vsel vm0, v2, v7;
	vm0 =	vlt.s32 v8, $0x0  }
0x2f: {  	v7 =	vld [tilespmem:s15+$0x4980];
	v2 =	vsel vm0, v2, v8;
	vm0 =	vlt.s32 v9, $0x0  }
0x30: {  	v8 =	vld [tilespmem:s15+$0x4FA0];
	v2 =	vsel vm0, v2, v9;
	vm0 =	vlt.s32 v3, $0x0  }
0x31: {  	v9 =	vld [tilespmem:s15+$0x55C0];
	v2 =	vsel vm0, v2, v3;
	vm0 =	vlt.s32 v4, $0x0  }
0x32: {  	v3 =	vld [tilespmem:s15+$0x5BE0];
	v2 =	vsel vm0, v2, v4;
	vm0 =	vlt.s32 v5, $0x0  }
0x33: {  	v4 =	vld [tilespmem:s15+$0x6200];
	v2 =	vsel vm0, v2, v5;
	vm0 =	vlt.s32 v6, $0x0  }
0x34: {  	v5 =	vld [tilespmem:s15+$0x6820];
	v2 =	vsel vm0, v2, v6;
	vm0 =	vlt.s32 v7, $0x0  }
0x35: {  	v6 =	vld [tilespmem:s15+$0x6E40];
	v2 =	vsel vm0, v2, v7;
	vm0 =	vlt.s32 v8, $0x0  }
0x36: {  	v7 =	vld [tilespmem:s15+$0x7460];
	v2 =	vsel vm0, v2, v8;
	vm0 =	vlt.s32 v9, $0x0  }
0x37: {  	v8 =	vld [tilespmem:s15+$0x7A80];
	v2 =	vsel vm0, v2, v9;
	vm0 =	vlt.s32 v3, $0x0  }
0x38: {  	v9 =	vld [tilespmem:s15+$0x80A0];
	v2 =	vsel vm0, v2, v3;
	vm0 =	vlt.s32 v4, $0x0  }
0x39: {  	v3 =	vld [tilespmem:s15+$0x86C0];
	v2 =	vsel vm0, v2, v4;
	vm0 =	vlt.s32 v5, $0x0  }
0x3a: {  	v4 =	vld [tilespmem:s15+$0x8CE0];
	v2 =	vsel vm0, v2, v5;
	vm0 =	vlt.s32 v6, $0x0  }
0x3b: {  	v5 =	vld [tilespmem:s15+$0x9300];
	v2 =	vsel vm0, v2, v6;
	vm0 =	vlt.s32 v7, $0x0  }
0x3c: {  	v6 =	vld [tilespmem:s15+$0x9920];
	v2 =	vsel vm0, v2, v7;
	vm0 =	vlt.s32 v8, $0x0  }
0x3d: {  	v7 =	vld [tilespmem:s15+$0x9F40];
	v2 =	vsel vm0, v2, v8;
	vm0 =	vlt.s32 v9, $0x0  }
0x3e: {  	v8 =	vld [tilespmem:s15+$0xA560];
	v2 =	vsel vm0, v2, v9;
	vm0 =	vlt.s32 v3, $0x0  }
0x3f: {  	v9 =	vld [tilespmem:s15+$0xAB80];
	v2 =	vsel vm0, v2, v3;
	vm0 =	vlt.s32 v4, $0x0  }
0x40: {  	v3 =	vld [tilespmem:s15+$0xB1A0];
	v2 =	vsel vm0, v2, v4;
	vm0 =	vlt.s32 v5, $0x0  }
0x41: {  	v4 =	vld [tilespmem:s15+$0xB7C0];
	v2 =	vsel vm0, v2, v5;
	vm0 =	vlt.s32 v6, $0x0  }
0x42: {  	s14 =	simm.s32 $0x10;
	v5 =	vld [tilespmem:s15+$0xBDE0];
	v2 =	vsel vm0, v2, v6;
	vm0 =	vlt.s32 v7, $0x0  }
0x43: {  	v6 =	vld [tilespmem:s14+$0x0];
	v2 =	vsel vm0, v2, v7;
	vm0 =	vlt.s32 v8, $0x0  }
0x44: {  	v7 =	vld [tilespmem:s14+$0x620];
	v2 =	vsel vm0, v2, v8;
	vm0 =	vlt.s32 v9, $0x0  }
0x45: {  	v8 =	vld [tilespmem:s14+$0xC40];
	v2 =	vsel vm0, v2, v9;
	vm0 =	vlt.s32 v3, $0x0  }
0x46: {  	v9 =	vld [tilespmem:s14+$0x1260];
	v2 =	vsel vm0, v2, v3;
	vm0 =	vlt.s32 v4, $0x0  }
0x47: {  	v3 =	vld [tilespmem:s14+$0x1880];
	v2 =	vsel vm0, v2, v4;
	vm0 =	vlt.s32 v5, $0x0  }
0x48: {  	v10 =	vor.u32 s16, v0;
	v4 =	vld [tilespmem:s14+$0x1EA0];
	v2 =	vsel vm0, v2, v5  }
0x49: {  	v10 =	vand.u32 $0x1FF, v10;
	v5 =	vld [tilespmem:s14+$0x24C0];
	vm1 =	vlt.s32 v7, $0x0;
	vm0 =	vlt.s32 v2, $0x0  }
0x4a: {  	v11 =	vld [tilespmem:s14+$0x2AE0];
	v6 =	vsel vm1, v6, v7;
	vm1 =	vlt.s32 v8, $0x0;
	v12 =	vsel vm0, $0x0, v1  }
0x4b: {  	v13 =	vld [tilespmem:s14+$0x3100];
	v6 =	vsel vm1, v6, v8;
	vm1 =	vlt.s32 v9, $0x0;
	v7 =	vor.u32 v10, v12  }
0x4c: {  	v2 =	vsel vm0, $0x0, v2;
	v10 =	vld [tilespmem:s14+$0x3720];
	v6 =	vsel vm1, v6, v9;
	vm1 =	vlt.s32 v3, $0x0;
	[tilespmem:s15+$0xD660] =	vst v7  }
0x4d: {  	v2 =	vmin.u32 v2, $0x7A1FF;
	v3 =	vsel vm1, v6, v3;
	vm0 =	vlt.s32 v4, $0x0;
	v7 =	vld [tilespmem:s14+$0x3D40]  }
0x4e: {  	v6 =	vld [tilespmem:s14+$0x4360];
	v3 =	vsel vm0, v3, v4;
	vm0 =	vlt.s32 v5, $0x0;
	[tilespmem:s15+$0xC400] =	vst v2  }
0x4f: {  	v2 =	vsel vm0, v3, v5;
	vm0 =	vlt.s32 v11, $0x0;
	v3 =	vld [tilespmem:s14+$0x4980]  }
0x50: {  	v4 =	vld [tilespmem:s14+$0x4FA0];
	v2 =	vsel vm0, v2, v11;
	vm0 =	vlt.s32 v13, $0x0  }
0x51: {  	v5 =	vld [tilespmem:s14+$0x55C0];
	v2 =	vsel vm0, v2, v13;
	vm0 =	vlt.s32 v10, $0x0  }
0x52: {  	v8 =	vld [tilespmem:s14+$0x5BE0];
	v2 =	vsel vm0, v2, v10;
	vm0 =	vlt.s32 v7, $0x0  }
0x53: {  	v2 =	vsel vm0, v2, v7;
	vm0 =	vlt.s32 v6, $0x0;
	v7 =	vld [tilespmem:s14+$0x6200]  }
0x54: {  	v2 =	vsel vm0, v2, v6;
	vm0 =	vlt.s32 v3, $0x0;
	v6 =	vld [tilespmem:s14+$0x6820]  }
0x55: {  	v2 =	vsel vm0, v2, v3;
	vm0 =	vlt.s32 v4, $0x0;
	v3 =	vld [tilespmem:s14+$0x6E40]  }
0x56: {  	v2 =	vsel vm0, v2, v4;
	vm0 =	vlt.s32 v5, $0x0;
	v4 =	vld [tilespmem:s14+$0x7460]  }
0x57: {  	v2 =	vsel vm0, v2, v5;
	vm0 =	vlt.s32 v8, $0x0;
	v5 =	vld [tilespmem:s14+$0x7A80]  }
0x58: {  	v2 =	vsel vm0, v2, v8;
	vm0 =	vlt.s32 v7, $0x0;
	v8 =	vld [tilespmem:s14+$0x80A0]  }
0x59: {  	v2 =	vsel vm0, v2, v7;
	vm0 =	vlt.s32 v6, $0x0;
	v7 =	vld [tilespmem:s14+$0x86C0]  }
0x5a: {  	v2 =	vsel vm0, v2, v6;
	vm0 =	vlt.s32 v3, $0x0;
	v6 =	vld [tilespmem:s14+$0x8CE0]  }
0x5b: {  	v9 =	vld [tilespmem:s14+$0x9300];
	v2 =	vsel vm0, v2, v3;
	vm0 =	vlt.s32 v4, $0x0  }
0x5c: {  	v10 =	vld [tilespmem:s14+$0x9920];
	v2 =	vsel vm0, v2, v4;
	vm0 =	vlt.s32 v5, $0x0  }
0x5d: {  	v11 =	vld [tilespmem:s14+$0x9F40];
	v2 =	vsel vm0, v2, v5;
	vm0 =	vlt.s32 v8, $0x0  }
0x5e: {  	v3 =	vld [tilespmem:s14+$0xA560];
	v2 =	vsel vm0, v2, v8;
	vm0 =	vlt.s32 v7, $0x0  }
0x5f: {  	v4 =	vld [tilespmem:s14+$0xAB80];
	v2 =	vsel vm0, v2, v7;
	vm0 =	vlt.s32 v6, $0x0  }
0x60: {  	v5 =	vld [tilespmem:s14+$0xB1A0];
	v2 =	vsel vm0, v2, v6;
	vm0 =	vlt.s32 v9, $0x0  }
0x61: {  	v6 =	vld [tilespmem:s14+$0xB7C0];
	v2 =	vsel vm0, v2, v9;
	vm0 =	vlt.s32 v10, $0x0  }
0x62: {  	s15 =	simm.s32 $0x20;
	v7 =	vld [tilespmem:s14+$0xBDE0];
	v8 =	vsel vm0, v2, v10;
	vm0 =	vlt.s32 v11, $0x0  }
0x63: {  	s17 =	simm.s32 $0xC0;
	s28 =	smov.u32 s16;
	v2 =	vld [tilespmem:s15+$0x0];
	v8 =	vsel vm0, v8, v11;
	vm0 =	vlt.s32 v3, $0x0  }
.LBB2_2:
0x64: {  	p0 =	sne.s32 s17, $0x1840;
	v9 =	vld [tilespmem:s15+$0x620];
	v3 =	vsel vm0, v8, v3;
	vm0 =	vlt.s32 v4, $0x0  }
0x65: {  	v8 =	vld [tilespmem:s15+$0xC40];
	v3 =	vsel vm0, v3, v4;
	vm0 =	vlt.s32 v5, $0x0  }
0x66: {  	v4 =	vld [tilespmem:s15+$0x1260];
	v3 =	vsel vm0, v3, v5;
	vm0 =	vlt.s32 v6, $0x0  }
0x67: {  	s28 =	sadd.s32 $0x10, s28;
	v5 =	vld [tilespmem:s15+$0x1880];
	v3 =	vsel vm0, v3, v6;
	vm0 =	vlt.s32 v7, $0x0  }
0x68: {  	v6 =	vld [tilespmem:s15+$0x1EA0];
	v3 =	vsel vm0, v3, v7;
	v7 =	vor.u32 s28, v0  }
0x69: {  	vm0 =	vlt.s32 v9, $0x0;
	v10 =	vld [tilespmem:s15+$0x24C0];
	vm1 =	vlt.s32 v3, $0x0;
	v7 =	vand.u32 $0x1FF, v7  }
0x6a: {  	v2 =	vsel vm0, v2, v9;
	vm0 =	vlt.s32 v8, $0x0;
	v9 =	vld [tilespmem:s15+$0x2AE0];
	v11 =	vsel vm1, $0x0, v1  }
0x6b: {  	v2 =	vsel vm0, v2, v8;
	vm0 =	vlt.s32 v4, $0x0;
	v8 =	vld [tilespmem:s15+$0x3100];
	v7 =	vor.u32 v7, v11  }
0x6c: {  	v3 =	vsel vm1, $0x0, v3;
	v2 =	vsel vm0, v2, v4;
	vm0 =	vlt.s32 v5, $0x0;
	v4 =	vld [tilespmem:s15+$0x3720];
	[tilespmem:s14+$0xD660] =	vst v7  }
0x6d: {  	v3 =	vmin.u32 v3, $0x7A1FF;
	v2 =	vsel vm0, v2, v5;
	vm0 =	vlt.s32 v6, $0x0;
	v5 =	vld [tilespmem:s15+$0x3D40]  }
0x6e: {  	v2 =	vsel vm0, v2, v6;
	vm0 =	vlt.s32 v10, $0x0;
	v6 =	vld [tilespmem:s15+$0x4360];
	[tilespmem:s14+$0xC400] =	vst v3;
	s14 =	smov.u32 s15  }
0x6f: {  	v2 =	vsel vm0, v2, v10;
	vm0 =	vlt.s32 v9, $0x0;
	v3 =	vld [tilespmem:s14+$0x4980]  }
0x70: {  	v2 =	vsel vm0, v2, v9;
	vm0 =	vlt.s32 v8, $0x0;
	v7 =	vld [tilespmem:s14+$0x4FA0]  }
0x71: {  	v2 =	vsel vm0, v2, v8;
	vm0 =	vlt.s32 v4, $0x0;
	v8 =	vld [tilespmem:s14+$0x55C0]  }
0x72: {  	v2 =	vsel vm0, v2, v4;
	vm0 =	vlt.s32 v5, $0x0;
	v4 =	vld [tilespmem:s14+$0x5BE0]  }
0x73: {  	v2 =	vsel vm0, v2, v5;
	vm0 =	vlt.s32 v6, $0x0;
	v5 =	vld [tilespmem:s14+$0x6200]  }
0x74: {  	v2 =	vsel vm0, v2, v6;
	vm0 =	vlt.s32 v3, $0x0;
	v6 =	vld [tilespmem:s14+$0x6820]  }
0x75: {  	v2 =	vsel vm0, v2, v3;
	vm0 =	vlt.s32 v7, $0x0;
	v3 =	vld [tilespmem:s14+$0x6E40]  }
0x76: {  	v2 =	vsel vm0, v2, v7;
	vm0 =	vlt.s32 v8, $0x0;
	v7 =	vld [tilespmem:s14+$0x7460]  }
0x77: {  	v2 =	vsel vm0, v2, v8;
	vm0 =	vlt.s32 v4, $0x0;
	v8 =	vld [tilespmem:s14+$0x7A80]  }
0x78: {  	v2 =	vsel vm0, v2, v4;
	vm0 =	vlt.s32 v5, $0x0;
	v4 =	vld [tilespmem:s14+$0x80A0]  }
0x79: {  	v2 =	vsel vm0, v2, v5;
	vm0 =	vlt.s32 v6, $0x0;
	v5 =	vld [tilespmem:s14+$0x86C0]  }
0x7a: {  	v2 =	vsel vm0, v2, v6;
	vm0 =	vlt.s32 v3, $0x0;
	v6 =	vld [tilespmem:s14+$0x8CE0]  }
0x7b: {  	v2 =	vsel vm0, v2, v3;
	vm0 =	vlt.s32 v7, $0x0;
	v9 =	vld [tilespmem:s14+$0x9300]  }
0x7c: {  	v2 =	vsel vm0, v2, v7;
	vm0 =	vlt.s32 v8, $0x0;
	v7 =	vld [tilespmem:s14+$0x9920]  }
0x7d: {  	v2 =	vsel vm0, v2, v8;
	vm0 =	vlt.s32 v4, $0x0;
	v8 =	vld [tilespmem:s14+$0x9F40]  }
0x7e: {  	v2 =	vsel vm0, v2, v4;
	vm0 =	vlt.s32 v5, $0x0;
	v3 =	vld [tilespmem:s14+$0xA560]  }
.Ltmp0:
0x7f: {  	v2 =	vsel vm0, v2, v5;
	vm0 =	vlt.s32 v6, $0x0;
	v4 =	vld [tilespmem:s14+$0xAB80];
	(pc) =	sbr.rel @p0 .LBB2_2-.Ltmp0, $4  }
0x80: {  	v2 =	vsel vm0, v2, v6;
	vm0 =	vlt.s32 v9, $0x0;
	v5 =	vld [tilespmem:s14+$0xB1A0]  }
0x81: {  	v2 =	vsel vm0, v2, v9;
	vm0 =	vlt.s32 v7, $0x0;
	v6 =	vld [tilespmem:s14+$0xB7C0]  }
0x82: {  	s15 =	sshra.s32 s17, $0x2;
	v9 =	vsel vm0, v2, v7;
	vm0 =	vlt.s32 v8, $0x0;
	v7 =	vld [tilespmem:s14+$0xBDE0]  }
0x83: {  	s17 =	sadd.s32 $0x40, s17;
	v2 =	vld [tilespmem:s15+$0x0];
	v8 =	vsel vm0, v9, v8;
	vm0 =	vlt.s32 v3, $0x0  }
0x84: {  	v9 =	vld [tilespmem:s15+$0x620];
	v3 =	vsel vm0, v8, v3;
	vm6 =	vlt.s32 v4, $0x0  }
0x85: {  	v38 =	vld [tilespmem:s15+$0xC40];
	v3 =	vsel vm6, v3, v4;
	vm7 =	vlt.s32 v5, $0x0  }
0x86: {  	v39 =	vld [tilespmem:s15+$0x1260];
	v3 =	vsel vm7, v3, v5;
	vm8 =	vlt.s32 v6, $0x0  }
0x87: {  	v40 =	vld [tilespmem:s15+$0x1880];
	s17 =	sadd.s32 $0x10, s28;
	v3 =	vsel vm8, v3, v6;
	vm9 =	vlt.s32 v7, $0x0  }
0x88: {  	v41 =	vld [tilespmem:s15+$0x1EA0];
	v10 =	vor.u32 s17, v0;
	v3 =	vsel vm9, v3, v7  }
0x89: {  	v42 =	vld [tilespmem:s15+$0x24C0];
	v10 =	vand.u32 $0x1FF, v10;
	vm0 =	vlt.s32 v3, $0x0;
	vm1 =	vlt.s32 v9, $0x0  }
0x8a: {  	v11 =	vld [tilespmem:s15+$0x2AE0];
	vm10 =	vlt.s32 v38, $0x0;
	v12 =	vsel vm0, $0x0, v1;
	v2 =	vsel vm1, v2, v9  }
0x8b: {  	v13 =	vld [tilespmem:s15+$0x3100];
	vm11 =	vlt.s32 v39, $0x0;
	v43 =	vor.u32 v10, v12;
	v2 =	vsel vm10, v2, v38  }
0x8c: {  	v44 =	vld [tilespmem:s15+$0x3720];
	vm12 =	vlt.s32 v40, $0x0;
	v3 =	vsel vm0, $0x0, v3;
	[tilespmem:s14+$0xD660] =	vst v43;
	v2 =	vsel vm11, v2, v39  }
0x8d: {  	vm13 =	vlt.s32 v41, $0x0;
	v3 =	vmin.u32 v3, $0x7A1FF;
	v45 =	vld [tilespmem:s15+$0x3D40];
	v2 =	vsel vm12, v2, v40  }
0x8e: {  	vm14 =	vlt.s32 v42, $0x0;
	v46 =	vld [tilespmem:s15+$0x4360];
	[tilespmem:s14+$0xC400] =	vst v3;
	v2 =	vsel vm13, v2, v41  }
0x8f: {  	vm15 =	vlt.s32 v11, $0x0;
	v3 =	vld [tilespmem:s15+$0x4980];
	v2 =	vsel vm14, v2, v42  }
0x90: {  	vm4 =	vlt.s32 v13, $0x0;
	v47 =	vld [tilespmem:s15+$0x4FA0];
	v2 =	vsel vm15, v2, v11  }
0x91: {  	vm5 =	vlt.s32 v44, $0x0;
	v48 =	vld [tilespmem:s15+$0x55C0];
	v2 =	vsel vm4, v2, v13  }
0x92: {  	v49 =	vld [tilespmem:s15+$0x5BE0];
	v2 =	vsel vm5, v2, v44;
	vm6 =	vlt.s32 v45, $0x0  }
0x93: {  	v50 =	vld [tilespmem:s15+$0x6200];
	vm7 =	vlt.s32 v46, $0x0;
	v2 =	vsel vm6, v2, v45  }
0x94: {  	v51 =	vld [tilespmem:s15+$0x6820];
	vm8 =	vlt.s32 v3, $0x0;
	v2 =	vsel vm7, v2, v46  }
0x95: {  	vm9 =	vlt.s32 v47, $0x0;
	v2 =	vsel vm8, v2, v3;
	v3 =	vld [tilespmem:s15+$0x6E40]  }
0x96: {  	v52 =	vld [tilespmem:s15+$0x7460];
	vm10 =	vlt.s32 v48, $0x0;
	v2 =	vsel vm9, v2, v47  }
0x97: {  	v53 =	vld [tilespmem:s15+$0x7A80];
	vm11 =	vlt.s32 v49, $0x0;
	v2 =	vsel vm10, v2, v48  }
0x98: {  	v54 =	vld [tilespmem:s15+$0x80A0];
	vm12 =	vlt.s32 v50, $0x0;
	v2 =	vsel vm11, v2, v49  }
0x99: {  	v55 =	vld [tilespmem:s15+$0x86C0];
	vm13 =	vlt.s32 v51, $0x0;
	v2 =	vsel vm12, v2, v50  }
0x9a: {  	v56 =	vld [tilespmem:s15+$0x8CE0];
	v2 =	vsel vm13, v2, v51;
	vm14 =	vlt.s32 v3, $0x0  }
0x9b: {  	vm15 =	vlt.s32 v52, $0x0;
	v2 =	vsel vm14, v2, v3;
	v3 =	vld [tilespmem:s15+$0x9300]  }
0x9c: {  	v57 =	vld [tilespmem:s15+$0x9920];
	vm4 =	vlt.s32 v53, $0x0;
	v2 =	vsel vm15, v2, v52  }
0x9d: {  	v58 =	vld [tilespmem:s15+$0x9F40];
	vm5 =	vlt.s32 v54, $0x0;
	v2 =	vsel vm4, v2, v53  }
0x9e: {  	v59 =	vld [tilespmem:s15+$0xA560];
	vm6 =	vlt.s32 v55, $0x0;
	v2 =	vsel vm5, v2, v54  }
0x9f: {  	v60 =	vld [tilespmem:s15+$0xAB80];
	vm7 =	vlt.s32 v56, $0x0;
	v2 =	vsel vm6, v2, v55  }
0xa0: {  	v61 =	vld [tilespmem:s15+$0xB1A0];
	v2 =	vsel vm7, v2, v56;
	vm8 =	vlt.s32 v3, $0x0  }
0xa1: {  	vm9 =	vlt.s32 v57, $0x0;
	v2 =	vsel vm8, v2, v3;
	v3 =	vld [tilespmem:s15+$0xB7C0]  }
0xa2: {  	v62 =	vld [tilespmem:s15+$0xBDE0];
	vm10 =	vlt.s32 v58, $0x0;
	v2 =	vsel vm9, v2, v57  }
0xa3: {  	vm11 =	vlt.s32 v59, $0x0;
	v2 =	vsel vm10, v2, v58  }
0xa4: {  	vm12 =	vlt.s32 v60, $0x0;
	v2 =	vsel vm11, v2, v59  }
0xa5: {  	vm13 =	vlt.s32 v61, $0x0;
	v2 =	vsel vm12, v2, v60  }
0xa6: {  	v2 =	vsel vm13, v2, v61;
	vm14 =	vlt.s32 v3, $0x0  }
0xa7: {  	vm15 =	vlt.s32 v62, $0x0;
	v2 =	vsel vm14, v2, v3  }
0xa8: {  	s28 =	sadd.s32 $0x10, s17;
	v2 =	vsel vm15, v2, v62  }
0xa9: {  	v3 =	vor.u32 s28, v0;
	vm0 =	vlt.s32 v2, $0x0  }
0xaa: {  	v3 =	vand.u32 $0x1FF, v3;
	v63 =	vsel vm0, $0x0, v1  }
0xab: {  	v2 =	vsel vm0, $0x0, v2;
	v3 =	vor.u32 v3, v63  }
0xac: {  	v2 =	vmin.u32 v2, $0x7A1FF;
	[tilespmem:s15+$0xD660] =	vst v3  }
0xad: {  	[tilespmem:s15+$0xC400] =	vst v2;
	s15 =	rddreg [dreg:$0x3]  }
0xae: {  	[tilespmem:s0], [sflag:$0x1] =	stream.indirect.gather [hbm4b:s15+s29], $0x1, s1, s29, $0xb8;
	[tilespmem:$0x1ED80] =	vst v63  }
0xaf: {  	_ = 	snop  }
0xb0: {  	[tilespmem:s30], [sflag:$0x2] =	stream.indirect.gather [hbm4b:s19+s29], $0x1, s1, s29, $0xb8;
	[tilespmem:$0x1ED80] =	vst v63  }
0xb1: {  	_ =	swait.ge [sflag:s4], $0x620  }
0xb2: {  	[sflag:s4] =	ssyncset.done $0x0  }
0xb3: {  	[sflag:s4] =	ssyncadd.s32 $0xFFFFF9E0  }
0xb4: {  	_ =	swait.ge [sflag:s5], $0x620  }
0xb5: {  	[sflag:s5] =	ssyncset.done $0x0  }
0xb6: {  	[sflag:s5] =	ssyncadd.s32 $0xFFFFF9E0  }
0xb7: {  	[tilespmem:s6], [sflag:$0x3] =	stream.indirect.gather [hbm4b:s20+s29], $0x8, s0, s29, $0xb8;
	[tilespmem:$0x1ED80] =	vst v63  }
0xb8: {  	_ =	swait.ge [sflag:s7], $0x3100  }
0xb9: {  	[sflag:s7] =	ssyncset.done $0x0  }
0xba: {  	[sflag:s7] =	ssyncadd.s32 $0xFFFFCF00  }
0xbb: {  	[hbm4b:s23+s8] =	stream.strided.scatter [tilespmem:s6], [sflag:$0x4], $0x3100, s9, s8, $0x38;
	[tilespmem:$0x1ED80] =	vst v63  }
0xbc: {  	_ =	swait.ge [sflag:s31], $0x3100  }
0xbd: {  	[sflag:s31] =	ssyncset.done $0x0  }
0xbe: {  	[sflag:s31] =	ssyncadd.s32 $0xFFFFCF00  }
0xbf: {  	[tilespmem:s6], [sflag:$0x3] =	stream.indirect.gather [hbm4b:s20+s29], $0x8, s30, s29, $0xb8;
	[tilespmem:$0x1ED80] =	vst v63  }
0xc0: {  	_ =	swait.ge [sflag:s7], $0x3100  }
0xc1: {  	[sflag:s7] =	ssyncset.done $0x0  }
0xc2: {  	[sflag:s7] =	ssyncadd.s32 $0xFFFFCF00  }
0xc3: {  	[hbm4b:s24+s8] =	stream.strided.scatter [tilespmem:s6], [sflag:$0x4], $0x3100, s9, s8, $0x38;
	[tilespmem:$0x1ED80] =	vst v63  }
0xc4: {  	_ =	swait.ge [sflag:s31], $0x3100  }
0xc5: {  	[sflag:s31] =	ssyncset.done $0x0  }
0xc6: {  	s17 =	simm.s32 $0xD660;
	[sflag:s31] =	ssyncadd.s32 $0xFFFFCF00  }
0xc7: {  	[tilespmem:s6], [sflag:$0x3] =	stream.indirect.gather [hbm4b:s21+s29], $0x8, s17, s29, $0xb8;
	[tilespmem:$0x1ED80] =	vst v63  }
0xc8: {  	_ =	swait.ge [sflag:s7], $0x3100  }
0xc9: {  	[sflag:s7] =	ssyncset.done $0x0  }
0xca: {  	[sflag:s7] =	ssyncadd.s32 $0xFFFFCF00  }
0xcb: {  	[hbm4b:s25+s8] =	stream.strided.scatter [tilespmem:s6], [sflag:$0x4], $0x3100, s9, s8, $0x38;
	[tilespmem:$0x1ED80] =	vst v63  }
0xcc: {  	_ =	swait.ge [sflag:s31], $0x3100  }
0xcd: {  	[sflag:s31] =	ssyncset.done $0x0  }
0xce: {  	[sflag:s31] =	ssyncadd.s32 $0xFFFFCF00  }
0xcf: {  	[tilespmem:s11], [sflag:$0x1] =	stream.indirect.gather [hbm4b:s2+s10], $0x80, s0, s10, $0xb8;
	[tilespmem:$0x1ED80] =	vst v63  }
0xd0: {  	s28 =	simm.s32 $0xCB00  }
0xd1: {  	[tilespmem:s12], [sflag:$0x2] =	stream.indirect.gather [hbm4b:s2+s10], $0x80, s28, s10, $0xb8;
	[tilespmem:$0x1ED80] =	vst v63  }
0xd2: {  	_ =	swait.ge [sflag:s4], $0x7000  }
0xd3: {  	[sflag:s4] =	ssyncset.done $0x0  }
0xd4: {  	s15 =	rddreg [dreg:$0xa];
	[sflag:s4] =	ssyncadd.s32 $0xFFFF9000  }
0xd5: {  	[hbm4b:s15+s3] =	stream.linear.scatter [tilespmem:s11], [sflag:$0x4], $0x7000, $0x38;
	[tilespmem:$0x1ED80] =	vst v63  }
0xd6: {  	_ =	swait.ge [sflag:s31], $0x7000  }
0xd7: {  	[sflag:s31] =	ssyncset.done $0x0  }
0xd8: {  	s17 =	simm.s32 $0xCBE0;
	[sflag:s31] =	ssyncadd.s32 $0xFFFF9000  }
0xd9: {  	[tilespmem:s11], [sflag:$0x1] =	stream.indirect.gather [hbm4b:s2+s10], $0x80, s17, s10, $0xb8;
	[tilespmem:$0x1ED80] =	vst v63  }
0xda: {  	_ =	swait.ge [sflag:s5], $0x7000  }
0xdb: {  	[sflag:s5] =	ssyncset.done $0x0  }
0xdc: {  	s28 =	rddreg [dreg:$0xb];
	[sflag:s5] =	ssyncadd.s32 $0xFFFF9000  }
0xdd: {  	[hbm4b:s28+s3] =	stream.linear.scatter [tilespmem:s12], [sflag:$0x4], $0x7000, $0x38;
	[tilespmem:$0x1ED80] =	vst v63  }
0xde: {  	_ =	swait.ge [sflag:s31], $0x7000  }
0xdf: {  	[sflag:s31] =	ssyncset.done $0x0  }
0xe0: {  	s15 =	simm.s32 $0xCCC0;
	[sflag:s31] =	ssyncadd.s32 $0xFFFF9000  }
0xe1: {  	[tilespmem:s12], [sflag:$0x2] =	stream.indirect.gather [hbm4b:s2+s10], $0x80, s15, s10, $0xb8;
	[tilespmem:$0x1ED80] =	vst v63  }
0xe2: {  	_ =	swait.ge [sflag:s4], $0x7000  }
0xe3: {  	[sflag:s4] =	ssyncset.done $0x0  }
0xe4: {  	s17 =	rddreg [dreg:$0xc];
	[sflag:s4] =	ssyncadd.s32 $0xFFFF9000  }
0xe5: {  	[hbm4b:s17+s3] =	stream.linear.scatter [tilespmem:s11], [sflag:$0x4], $0x7000, $0x38;
	[tilespmem:$0x1ED80] =	vst v63  }
0xe6: {  	_ =	swait.ge [sflag:s31], $0x7000  }
0xe7: {  	[sflag:s31] =	ssyncset.done $0x0  }
0xe8: {  	s28 =	simm.s32 $0xCDA0;
	[sflag:s31] =	ssyncadd.s32 $0xFFFF9000  }
0xe9: {  	[tilespmem:s11], [sflag:$0x1] =	stream.indirect.gather [hbm4b:s2+s10], $0x80, s28, s10, $0xb8;
	[tilespmem:$0x1ED80] =	vst v63  }
0xea: {  	_ =	swait.ge [sflag:s5], $0x7000  }
0xeb: {  	[sflag:s5] =	ssyncset.done $0x0  }
0xec: {  	s15 =	rddreg [dreg:$0xd];
	[sflag:s5] =	ssyncadd.s32 $0xFFFF9000  }
0xed: {  	[hbm4b:s15+s3] =	stream.linear.scatter [tilespmem:s12], [sflag:$0x4], $0x7000, $0x38;
	[tilespmem:$0x1ED80] =	vst v63  }
0xee: {  	_ =	swait.ge [sflag:s31], $0x7000  }
0xef: {  	[sflag:s31] =	ssyncset.done $0x0  }
0xf0: {  	s17 =	simm.s32 $0xCE80;
	[sflag:s31] =	ssyncadd.s32 $0xFFFF9000  }
0xf1: {  	[tilespmem:s12], [sflag:$0x2] =	stream.indirect.gather [hbm4b:s2+s10], $0x80, s17, s10, $0xb8;
	[tilespmem:$0x1ED80] =	vst v63  }
0xf2: {  	_ =	swait.ge [sflag:s4], $0x7000  }
0xf3: {  	[sflag:s4] =	ssyncset.done $0x0  }
0xf4: {  	s28 =	rddreg [dreg:$0x4];
	[sflag:s4] =	ssyncadd.s32 $0xFFFF9000  }
0xf5: {  	[hbm4b:s28+s3] =	stream.linear.scatter [tilespmem:s11], [sflag:$0x4], $0x7000, $0x38;
	[tilespmem:$0x1ED80] =	vst v63  }
0xf6: {  	_ =	swait.ge [sflag:s31], $0x7000  }
0xf7: {  	[sflag:s31] =	ssyncset.done $0x0  }
0xf8: {  	s15 =	simm.s32 $0xCF60;
	[sflag:s31] =	ssyncadd.s32 $0xFFFF9000  }
0xf9: {  	[tilespmem:s11], [sflag:$0x1] =	stream.indirect.gather [hbm4b:s2+s10], $0x80, s15, s10, $0xb8;
	[tilespmem:$0x1ED80] =	vst v63  }
0xfa: {  	_ =	swait.ge [sflag:s5], $0x7000  }
0xfb: {  	[sflag:s5] =	ssyncset.done $0x0  }
0xfc: {  	s17 =	rddreg [dreg:$0x5];
	[sflag:s5] =	ssyncadd.s32 $0xFFFF9000  }
0xfd: {  	[hbm4b:s17+s3] =	stream.linear.scatter [tilespmem:s12], [sflag:$0x4], $0x7000, $0x38;
	[tilespmem:$0x1ED80] =	vst v63  }
0xfe: {  	_ =	swait.ge [sflag:s31], $0x7000  }
0xff: {  	[sflag:s31] =	ssyncset.done $0x0  }
0x100: {  	[sflag:s31] =	ssyncadd.s32 $0xFFFF9000  }
0x101: {  	_ =	swait.ge [sflag:s4], $0x7000  }
0x102: {  	[sflag:s4] =	ssyncset.done $0x0  }
0x103: {  	s28 =	rddreg [dreg:$0x6];
	[sflag:s4] =	ssyncadd.s32 $0xFFFF9000  }
0x104: {  	[hbm4b:s28+s3] =	stream.linear.scatter [tilespmem:s11], [sflag:$0x4], $0x7000, $0x38;
	[tilespmem:$0x1ED80] =	vst v63  }
0x105: {  	_ =	swait.ge [sflag:s31], $0x7000  }
0x106: {  	[sflag:s31] =	ssyncset.done $0x0  }
0x107: {  	[sflag:s31] =	ssyncadd.s32 $0xFFFF9000  }
0x108: {  	[tilespmem:s11], [sflag:$0x1] =	stream.indirect.gather [hbm4b:s2+s10], $0x80, s30, s10, $0xb8;
	[tilespmem:$0x1ED80] =	vst v63  }
0x109: {  	s15 =	simm.s32 $0xD120  }
0x10a: {  	[tilespmem:s12], [sflag:$0x2] =	stream.indirect.gather [hbm4b:s2+s10], $0x80, s15, s10, $0xb8;
	[tilespmem:$0x1ED80] =	vst v63  }
0x10b: {  	_ =	swait.ge [sflag:s4], $0x7000  }
0x10c: {  	[sflag:s4] =	ssyncset.done $0x0  }
0x10d: {  	s17 =	rddreg [dreg:$0xe];
	[sflag:s4] =	ssyncadd.s32 $0xFFFF9000  }
0x10e: {  	[hbm4b:s17+s3] =	stream.linear.scatter [tilespmem:s11], [sflag:$0x4], $0x7000, $0x38;
	[tilespmem:$0x1ED80] =	vst v63  }
0x10f: {  	_ =	swait.ge [sflag:s31], $0x7000  }
0x110: {  	[sflag:s31] =	ssyncset.done $0x0  }
0x111: {  	s28 =	simm.s32 $0xD200;
	[sflag:s31] =	ssyncadd.s32 $0xFFFF9000  }
0x112: {  	[tilespmem:s11], [sflag:$0x1] =	stream.indirect.gather [hbm4b:s2+s10], $0x80, s28, s10, $0xb8;
	[tilespmem:$0x1ED80] =	vst v63  }
0x113: {  	_ =	swait.ge [sflag:s5], $0x7000  }
0x114: {  	[sflag:s5] =	ssyncset.done $0x0  }
0x115: {  	s15 =	rddreg [dreg:$0xf];
	[sflag:s5] =	ssyncadd.s32 $0xFFFF9000  }
0x116: {  	[hbm4b:s15+s3] =	stream.linear.scatter [tilespmem:s12], [sflag:$0x4], $0x7000, $0x38;
	[tilespmem:$0x1ED80] =	vst v63  }
0x117: {  	_ =	swait.ge [sflag:s31], $0x7000  }
0x118: {  	[sflag:s31] =	ssyncset.done $0x0  }
0x119: {  	s17 =	simm.s32 $0xD2E0;
	[sflag:s31] =	ssyncadd.s32 $0xFFFF9000  }
0x11a: {  	[tilespmem:s12], [sflag:$0x2] =	stream.indirect.gather [hbm4b:s2+s10], $0x80, s17, s10, $0xb8;
	[tilespmem:$0x1ED80] =	vst v63  }
0x11b: {  	_ =	swait.ge [sflag:s4], $0x7000  }
0x11c: {  	[sflag:s4] =	ssyncset.done $0x0  }
0x11d: {  	s28 =	rddreg [dreg:$0x10];
	[sflag:s4] =	ssyncadd.s32 $0xFFFF9000  }
0x11e: {  	[hbm4b:s28+s3] =	stream.linear.scatter [tilespmem:s11], [sflag:$0x4], $0x7000, $0x38;
	[tilespmem:$0x1ED80] =	vst v63  }
0x11f: {  	_ =	swait.ge [sflag:s31], $0x7000  }
0x120: {  	[sflag:s31] =	ssyncset.done $0x0  }
0x121: {  	s15 =	simm.s32 $0xD3C0;
	[sflag:s31] =	ssyncadd.s32 $0xFFFF9000  }
0x122: {  	[tilespmem:s11], [sflag:$0x1] =	stream.indirect.gather [hbm4b:s2+s10], $0x80, s15, s10, $0xb8;
	[tilespmem:$0x1ED80] =	vst v63  }
0x123: {  	_ =	swait.ge [sflag:s5], $0x7000  }
0x124: {  	[sflag:s5] =	ssyncset.done $0x0  }
0x125: {  	[sflag:s5] =	ssyncadd.s32 $0xFFFF9000  }
0x126: {  	[hbm4b:s18+s3] =	stream.linear.scatter [tilespmem:s12], [sflag:$0x4], $0x7000, $0x38;
	[tilespmem:$0x1ED80] =	vst v63  }
0x127: {  	_ =	swait.ge [sflag:s31], $0x7000  }
0x128: {  	[sflag:s31] =	ssyncset.done $0x0  }
0x129: {  	s17 =	simm.s32 $0xD4A0;
	[sflag:s31] =	ssyncadd.s32 $0xFFFF9000  }
0x12a: {  	[tilespmem:s12], [sflag:$0x2] =	stream.indirect.gather [hbm4b:s2+s10], $0x80, s17, s10, $0xb8;
	[tilespmem:$0x1ED80] =	vst v63  }
0x12b: {  	_ =	swait.ge [sflag:s4], $0x7000  }
0x12c: {  	[sflag:s4] =	ssyncset.done $0x0  }
0x12d: {  	s28 =	rddreg [dreg:$0x7];
	[sflag:s4] =	ssyncadd.s32 $0xFFFF9000  }
0x12e: {  	[hbm4b:s28+s3] =	stream.linear.scatter [tilespmem:s11], [sflag:$0x4], $0x7000, $0x38;
	[tilespmem:$0x1ED80] =	vst v63  }
0x12f: {  	_ =	swait.ge [sflag:s31], $0x7000  }
0x130: {  	[sflag:s31] =	ssyncset.done $0x0  }
0x131: {  	s15 =	simm.s32 $0xD580;
	[sflag:s31] =	ssyncadd.s32 $0xFFFF9000  }
0x132: {  	[tilespmem:s11], [sflag:$0x1] =	stream.indirect.gather [hbm4b:s2+s10], $0x80, s15, s10, $0xb8;
	[tilespmem:$0x1ED80] =	vst v63  }
0x133: {  	_ =	swait.ge [sflag:s5], $0x7000  }
0x134: {  	[sflag:s5] =	ssyncset.done $0x0  }
0x135: {  	s17 =	rddreg [dreg:$0x8];
	[sflag:s5] =	ssyncadd.s32 $0xFFFF9000  }
0x136: {  	[hbm4b:s17+s3] =	stream.linear.scatter [tilespmem:s12], [sflag:$0x4], $0x7000, $0x38;
	[tilespmem:$0x1ED80] =	vst v63  }
0x137: {  	_ =	swait.ge [sflag:s31], $0x7000  }
0x138: {  	[sflag:s31] =	ssyncset.done $0x0  }
0x139: {  	[sflag:s31] =	ssyncadd.s32 $0xFFFF9000  }
0x13a: {  	s13 =	sadd.s32 $0x1, s13;
	_ =	swait.ge [sflag:s4], $0x7000  }
0x13b: {  	p0 =	sne.s32 s13, s26;
	[sflag:s4] =	ssyncset.done $0x0  }
.Ltmp1:
0x13c: {  	s28 =	rddreg [dreg:$0x9];
	[sflag:s4] =	ssyncadd.s32 $0xFFFF9000;
	(pc) =	sbr.rel @p0 .LBB2_1-.Ltmp1, $4  }
0x13d: {  	[hbm4b:s28+s3] =	stream.linear.scatter [tilespmem:s11], [sflag:$0x4], $0x7000, $0x38;
	[tilespmem:$0x1ED80] =	vst v63  }
0x13e: {  	_ =	swait.ge [sflag:s31], $0x7000  }
0x13f: {  	[sflag:s31] =	ssyncset.done $0x0  }
0x140: {  	[sflag:s31] =	ssyncadd.s32 $0xFFFF9000  }
0x141: {  	_ =	sfence.sel $0x180000  }
0x142: {  	[bflag:$0x0] =	sbarrier.arrive $0xFFFF  }
0x143: {  	_ =	strace $0x9000004D  }
0x144: {  	s0 =	stileid.u32;
	[bflag:$0x2] =	sbarrier.arrive $0xFFFF  }
0x145: {  	p0 =	sne.s32 s0, $0x0;
	s0 =	rddreg [dreg:$0x2]  }
0x146: {  	s0 =	sadd.s32 @!p0 $0x100000, s0  }
0x147: {  	[sflag:s0] =	ssyncadd.tile.s32 @!p0 $0x1;
	_ =	shalt  }
.Lfunc_end2:
_tile_overlayer_lowered:
.L_overlay_start_2:
0x148: {  	(tag) =	ssettag $0x2  }
0x149: {  	s0 =	rddreg [dreg:$0x0];
	s2 =	stileid.u32  }
0x14a: {  	s1 =	rddreg [dreg:$0x1];
	p0 =	sne.s32 s2, $0x0  }
0x14b: {  	s3 =	rddreg [dreg:$0x2];
	[bflag:$0x3] =	sbarrier.arrive $0xFFFF;
	s2 =	simm.s32 @!p0 $0x1C04  }
0x14c: {  	[timem:s3], [sflag:s2] =	dma.local @!p0 [hbm:s0], s1  }
0x14d: {  	s0 =	simm.s32 @!p0 $0x4  }
0x14e: {  	_ =	swait.ge @!p0 [sflag:s0], s1  }
0x14f: {  	s1 =	ssub.s32 @!p0 $0x0, s1;
	[sflag:s0] =	ssyncset.done @!p0 $0x0  }
0x150: {  	[sflag:s0] =	ssyncadd.s32 @!p0 s1  }
0x151: {  	[bflag:$0x3] =	sbarrier.arrive $0xFFFF  }
0x152: {  	_ =	shalt  }

// kernel: kernel.5.cloned.1.call-start
scs
__scs_entry_jumppad:
0x0: {  	(pc) =	sbr.rel $0x88, $3  }
0x1: {  	(tag) =	ssettag $0x0;
	lr =	simm.s32 $0x1  }
0x2: {  	[smem:$0x3F9A] =	sst lr;
	_ =	strace $0xD0000000  }
0x3: {  	_ = 	snop  }
0x4: {  	_ = 	snop  }
0x5: {  	_ = 	snop  }
0x6: {  	_ = 	snop  }
0x7: {  	_ = 	snop  }
__scs_overlays_trampoline_lowered:
0x8: {  	[smem:$0x3FA9] =	sst s0  }
0x9: {  	[smem:$0x3FAA] =	sst s1  }
0xa: {  	[smem:$0x3FAB] =	sst s2  }
0xb: {  	[smem:$0x3FAC] =	sst s3  }
0xc: {  	[smem:$0x3FAD] =	sst s4  }
0xd: {  	[smem:$0x3FAE] =	sst s5  }
0xe: {  	[smem:$0x3FAF] =	sst s6  }
0xf: {  	[smem:$0x3FB0] =	sst s7  }
0x10: {  	[smem:$0x3FB1] =	sst s8  }
0x11: {  	[smem:$0x3FB2] =	sst s9;
	s0 =	simm.s32 @!p0 $0x0  }
0x12: {  	s1 =	sld [smem:$0x3F98];
	s0 =	simm.s32 @p0 $0x1  }
0x13: {  	[smem:$0x3FB3] =	sst s0;
	s0 =	simm.s32 @!p1 $0x0  }
0x14: {  	s2 =	sld [smem:$0x3F97];
	s0 =	simm.s32 @p1 $0x1  }
0x15: {  	[smem:$0x3FB4] =	sst s0;
	s0 =	simm.s32 @!p2 $0x0  }
0x16: {  	s3 =	sld [smem:$0x3FDB];
	s0 =	simm.s32 @p2 $0x1  }
0x17: {  	s4 =	simm.s32 $0x1BF5;
	[smem:$0x3FB6] =	sst s0  }
0x18: {  	s0 =	sld [smem:$0x3F99];
	_ =	swait.ge [sflag:s4], $0x0  }
0x19: {  	s7 =	sld [smem:$0x3F9A]  }
0x1a: {  	s8 =	sadd.s32 $0xFFFFE003, lr  }
0x1b: {  	s9 =	sadd.s32 $0xFFFFFEF7, lr;
	s5 =	simm.s32 $0xFFFFFFFF;
	p2 =	slt.u32 s8, $0xFFFFF086  }
0x1c: {  	p1 =	slt.u32 s9, $0xF7A;
	s5 =	simm.s32 @!p2 $0x0  }
0x1d: {  	s5 =	simm.s32 @p1 $0x1;
	p0 =	seq.s32 s7, s2  }
0x1e: {  	s7 =	smul.u32 @!p0 $0xF7A, s2;
	p2 =	seq.s32 @!p0 s5, $0x0  }
0x1f: {  	s9 =	smul.u32 $0xF7A, s1;
	s8 =	simm.s32 @!p0 $0x1BF5;
	p2 =	por !p2, p0  }
0x20: {  	[sflag:s8] =	ssyncset.s32 @!p0 $0xFFFFF086;
	s6 =	sadd.s32 @!p0 s3, s7;
	s7 =	simm.s32 @!p0 $0x108  }
0x21: {  	s3 =	sadd.s32 s3, s9;
	s6 =	sadd.s32 @!p0 $0x88, s6;
	s7 =	simm.s32 @p2 $0x1082  }
0x22: {  	[simem:s7], [sflag:s8] =	dma.local @!p0 [hbm:s6], $0xF7A  }
0x23: {  	s9 =	sor.u32 $0xD0000000, s2;
	s6 =	simm.s32 $0x108;
	_ =	swait.ge @!p0 [sflag:s8], $0x0  }
0x24: {  	s3 =	sadd.s32 $0x88, s3;
	s6 =	simm.s32 @!p1 $0x1082;
	[sflag:s4] =	ssyncset.s32 $0xFFFFF086  }
0x25: {  	[simem:s6], [sflag:s4] =	dma.local [hbm:s3], $0xF7A  }
0x26: {  	[smem:$0x3F9A] =	sst s1;
	(tag) =	ssettag s2;
	_ =	strace s9  }
0x27: {  	s1 =	sld [smem:$0x3FAA]  }
0x28: {  	s2 =	sld [smem:$0x3FAB]  }
0x29: {  	s4 =	sld [smem:$0x3FAD]  }
0x2a: {  	p0 =	seq.s32 s5, $0x0;
	s5 =	sld [smem:$0x3FAE]  }
0x2b: {  	s6 =	sld [smem:$0x3FAF]  }
0x2c: {  	s7 =	sld [smem:$0x3FB0]  }
0x2d: {  	s3 =	simm.s32 $0x108;
	s8 =	sld [smem:$0x3FB1]  }
0x2e: {  	s3 =	simm.s32 @!p0 $0x1082;
	s9 =	sld [smem:$0x3FB2]  }
0x2f: {  	lr =	sadd.s32 s0, s3;
	s0 =	sld [smem:$0x3FA9]  }
0x30: {  	s3 =	sld [smem:$0x3FAC]  }
0x31: {  	[smem:$0x3FB5] =	sst s10  }
0x32: {  	s10 =	sld [smem:$0x3FB3];
	_ =	sdelay $0x3  }
0x33: {  	p0 =	seq.s32 s10, $0x1;
	s10 =	sld [smem:$0x3FB5];
	_ =	sdelay $0x3  }
0x34: {  	[smem:$0x3FB5] =	sst s10  }
0x35: {  	s10 =	sld [smem:$0x3FB4];
	_ =	sdelay $0x3  }
0x36: {  	p1 =	seq.s32 s10, $0x1;
	s10 =	sld [smem:$0x3FB5];
	_ =	sdelay $0x3  }
0x37: {  	[smem:$0x3FB5] =	sst s10  }
0x38: {  	s10 =	sld [smem:$0x3FB6]  }
0x39: {  	_ = 	snop;
	(pc) =	sbr.ind lr, $3  }
0x3a: {  	_ = 	snop  }
0x3b: {  	_ = 	snop  }
0x3c: {  	p2 =	seq.s32 s10, $0x1;
	s10 =	sld [smem:$0x3FB5]  }
0x3d: {  	_ =	shalt  }
0x3e: {  	_ =	shalt  }
0x3f: {  	_ =	shalt  }
0x40: {  	_ =	shalt  }
0x41: {  	_ =	shalt  }
0x42: {  	_ =	shalt  }
0x43: {  	_ =	shalt  }
0x44: {  	_ =	shalt  }
0x45: {  	_ =	shalt  }
0x46: {  	_ =	shalt  }
0x47: {  	_ =	shalt  }
0x48: {  	_ =	shalt  }
0x49: {  	_ =	shalt  }
0x4a: {  	_ =	shalt  }
0x4b: {  	_ =	shalt  }
0x4c: {  	_ =	shalt  }
0x4d: {  	_ =	shalt  }
0x4e: {  	_ =	shalt  }
0x4f: {  	_ =	shalt  }
0x50: {  	_ =	shalt  }
0x51: {  	_ =	shalt  }
0x52: {  	_ =	shalt  }
0x53: {  	_ =	shalt  }
0x54: {  	_ =	shalt  }
0x55: {  	_ =	shalt  }
0x56: {  	_ =	shalt  }
0x57: {  	_ =	shalt  }
0x58: {  	_ =	shalt  }
0x59: {  	_ =	shalt  }
0x5a: {  	_ =	shalt  }
0x5b: {  	_ =	shalt  }
0x5c: {  	_ =	shalt  }
0x5d: {  	_ =	shalt  }
0x5e: {  	_ =	shalt  }
0x5f: {  	_ =	shalt  }
0x60: {  	_ =	shalt  }
0x61: {  	_ =	shalt  }
0x62: {  	_ =	shalt  }
0x63: {  	_ =	shalt  }
0x64: {  	_ =	shalt  }
0x65: {  	_ =	shalt  }
0x66: {  	_ =	shalt  }
0x67: {  	_ =	shalt  }
0x68: {  	_ =	shalt  }
0x69: {  	_ =	shalt  }
0x6a: {  	_ =	shalt  }
0x6b: {  	_ =	shalt  }
0x6c: {  	_ =	shalt  }
0x6d: {  	_ =	shalt  }
0x6e: {  	_ =	shalt  }
0x6f: {  	_ =	shalt  }
0x70: {  	_ =	shalt  }
0x71: {  	_ =	shalt  }
0x72: {  	_ =	shalt  }
0x73: {  	_ =	shalt  }
0x74: {  	_ =	shalt  }
0x75: {  	_ =	shalt  }
0x76: {  	_ =	shalt  }
0x77: {  	_ =	shalt  }
0x78: {  	_ =	shalt  }
0x79: {  	_ =	shalt  }
0x7a: {  	_ =	shalt  }
0x7b: {  	_ =	shalt  }
0x7c: {  	_ =	shalt  }
0x7d: {  	_ =	shalt  }
0x7e: {  	_ =	shalt  }
0x7f: {  	_ =	shalt  }
0x80: {  	_ =	shalt  }
0x81: {  	_ =	shalt  }
0x82: {  	_ =	shalt  }
0x83: {  	_ =	shalt  }
0x84: {  	_ =	shalt  }
0x85: {  	_ =	shalt  }
0x86: {  	_ =	shalt  }
0x87: {  	_ =	shalt  }
.Lfunc_end0:
.L_simem_size_0:
called_computation_lowered:
.L_overlay_start_0:
0x88: {  	s2 =	sld [smem:$0x3FD9]  }
0x89: {  	s3 =	sld [smem:$0x3FFE];
	_ =	sdelay $0x1  }
0x8a: {  	s1 =	srdreg.scid  }
0x8b: {  	s0 =	sand.u32 $0x1, s1  }
0x8c: {  	s16 =	sshll.u32 s0, $0xA;
	s2 =	sadd.s32 s3, s2  }
0x8d: {  	s2 =	sadd.s32 s2, s16  }
0x8e: {  	[smem:$0x3FC1] =	sst s2  }
0x8f: {  	_ = 	snop  }
0x90: {  	(tm) =	ssettm $0x1  }
0x91: {  	s17 =	sld [smem:$0x3FFB];
	_ =	sdelay $0x3  }
0x92: {  	_ =	strace s17  }
0x93: {  	s2 =	sld [smem:$0x3FFC];
	_ =	sdelay $0x3  }
0x94: {  	_ =	strace s2  }
0x95: {  	s2 =	sld [smem:$0x3FFD];
	_ =	sdelay $0x3  }
0x96: {  	_ =	strace s2  }
0x97: {  	_ =	strace $0x8FFFFFFF  }
0x98: {  	s18 =	sld [smem:$0x3FDB];
	_ =	sdelay $0x1  }
0x99: {  	s19 =	simm.s32 $_scs_section_size  }
0x9a: {  	s4 =	simm.s32 $_size__tile_overlayer_lowered;
	s5 =	simm.s32 $_tile_overlayer_lowered  }
0x9b: {  	s22 =	simm.s32 $0x1BFF;
	s21 =	sshll.u32 s5, $0x1;
	s2 =	sadd.s32 s19, s18  }
0x9c: {  	s6 =	simm.s32 $0x0;
	s20 =	sshll.u32 s4, $0x1;
	s4 =	sadd.s32 s21, s2  }
0x9d: {  	[timem:s6], [sflag:s22] =	dma.local [hbm:s4], s20  }
0x9e: {  	_ =	swait.ge [sflag:s22], s20  }
0x9f: {  	s3 =	ssub.s32 $0x0, s20;
	[sflag:s22] =	ssyncset.done $0x0  }
0xa0: {  	[sflag:s22] =	ssyncadd.s32 s3;
	_ =	sdelay $0x1  }
0xa1: {  	s23 =	simm.s32 $0x1B8B  }
0xa2: {  	_ =	swait.ge [sflag:s23], $0x1  }
0xa3: {  	[sflag:s23] =	ssyncset.done $0x0  }
0xa4: {  	s25 =	simm.s32 $0x1B8E;
	s24 =	sld [smem:$0x3FFE];
	[sflag:s23] =	ssyncadd.s32 $0xFFFFFFFF  }
0xa5: {  	s26 =	simm.s32 $execute0_lowered;
	[smem:$0x3FD2] =	sst s25  }
0xa6: {  	s4 =	sshll.u32 s26, $0x1;
	_ =	strace $0x80000046;
	[dreg:$0x1] =	wrdreg $0xFFFFFFFF  }
0xa7: {  	s28 =	simm.s32 $_size_execute0_lowered;
	s2 =	sadd.s32 s2, s4;
	[dreg:$0x0] =	wrdreg $0x0  }
0xa8: {  	s4 =	sshll.u32 s28, $0x1;
	[dreg:$0x2] =	wrdreg s2  }
0xa9: {  	[dreg:$0x3] =	wrdreg s4  }
0xaa: {  	[dreg:$0x4] =	wrdreg $0xC0  }
0xab: {  	_ =	task [dreg:s6], $0x5FFFF  }
0xac: {  	[dreg:$0x1] =	wrdreg $0xFFFFFFFF  }
0xad: {  	[dreg:$0x0] =	wrdreg $0x60  }
0xae: {  	[dreg:$0x2] =	wrdreg s24  }
0xaf: {  	[dreg:$0x3] =	wrdreg $0x9  }
0xb0: {  	_ =	task.clear_ibuf [dreg:s6], $0x4FFFF;
	_ =	strace $0x90000046  }
0xb1: {  	s29 =	simm.s32 $0x9;
	_ =	strace $0x80000048  }
0xb2: {  	_ =	swait.ge [sflag:s29], $0x1  }
0xb3: {  	[sflag:s29] =	ssyncadd.s32 $0xFFFFFFFF  }
0xb4: {  	_ =	strace $0x90000048  }
0xb5: {  	_ =	sfence  }
0xb6: {  	s30 =	sld [smem:$0x0];
	_ =	sdelay $0x2  }
0xb7: {  	s31 =	sshll.u32 s1, $0xD;
	s1 =	sshrl.u32 s1, $0x2  }
0xb8: {  	s3 =	sand.u32 $0x4000, s31;
	s1 =	sadd.s32 s1, s30  }
0xb9: {  	s0 =	sor.u32 s3, s0;
	s1 =	sshll.u32 s1, $0x11  }
0xba: {  	s0 =	sor.u32 s1, s0  }
0xbb: {  	s0 =	sadd.s32 $0x8F2B, s0  }
0xbc: {  	[sflag:s0] =	ssyncadd.remote.s32 $0x1  }
0xbd: {  	_ =	sfence.sel $0xFFFF  }
0xbe: {  	[dreg:$0x0] =	wrdreg $0xFFFFFFFF;
	(pc) =	sbr.abs _section_cstart, $3  }
0xbf: {  	[dreg:$0x1] =	wrdreg $0xFFFFFFFF  }
0xc0: {  	_ =	task.clear_ibuf [dreg:s6], $0x2FFFF;
	_ =	strace $0x9FFFFFFF  }
0xc1: {  	(tm) =	ssettm $0x7FFFFFFF  }
tec
execute0_lowered:
.L_overlay_start_1:
0x0: {  	(tag) =	ssettag $0x1  }
0x1: {  	s1 =	srdreg.scid;
	s0 =	stileid.u32  }
0x2: {  	s4 =	sand.u32 $0x1, s1;
	s31 =	sshll.u32 s0, $0x1  }
0x3: {  	s6 =	sor.u32 s4, s31  }
0x4: {  	s5 =	rddreg [dreg:$0x0];
	s2 =	simm.s32 $0x0;
	s3 =	smul.u32 $0x3D10, s6  }
0x5: {  	s10 =	simm.s32 $0x0;
	s1 =	rddreg [dreg:$0x1];
	s6 =	smul.u32 $0x3100, s6  }
.Ltmp0:
0x6: {  	[smem:$0x7FF] =	sst s2;
	s8 =	ssub.s32 $0x2, s4;
	(pc) =	sbr.rel .LBB2_1-.Ltmp0, $4  }
0x7: {  	_ =	strace $0x80000047;
	s4 =	sadd.s32 $0x10000, s5;
	s9 =	sshrl.u32 s8, $0x1  }
0x8: {  	s8 =	ssub.s32 s8, s9;
	s7 =	sshrl.u32 s3, $0x3;
	s6 =	sadd.s32 s6, s5  }
0x9: {  	s9 =	simm.s32 $0x18800;
	s7 =	sadd.s32 s7, s5;
	s6 =	sadd.s32 $0x13200, s6  }
0xa: {  	v0 =	vlaneseq.u32;
	v1 =	vimm.s32 $0x0;
	s5 =	sadd.s32 $0xA00, s7;
	s7 =	smax.u32 s8, $0x1;
	s8 =	simm.s32 $0x1  }
.LBB2_5:
0xb: {  	s10 =	sadd.s32 $0x1, s10  }
0xc: {  	p0 =	sne.s32 s10, s7  }
.Ltmp1:
0xd: {  	_ = 	snop;
	(pc) =	sbr.rel @!p0 .LBB2_6-.Ltmp1, $4  }
0xe: {  	[hbm4b:s6+s2] =	stream.linear.scatter [tilespmem:s2], [sflag:$0x1], $0x18800, $0x38;
	[tilespmem:$0x1C510] =	vst v63  }
0xf: {  	_ =	swait.ge [sflag:s8], $0x18800  }
0x10: {  	[sflag:s8] =	ssyncset.done $0x0  }
0x11: {  	[sflag:s8] =	ssyncadd.s32 $0xFFFE7800  }
.LBB2_1:
0x12: {  	[tilespmem:s2], [sflag:$0x1] =	stream.linear.gather [hbm4b:s4+s2], $0x18800, $0x38;
	[tilespmem:$0x1C510] =	vst v63  }
0x13: {  	_ =	swait.ge [sflag:s8], $0x18800  }
0x14: {  	[sflag:s8] =	ssyncset.done $0x0  }
.Ltmp2:
0x15: {  	[sflag:s8] =	ssyncadd.s32 $0xFFFE7800;
	(pc) =	sbr.rel .LBB2_2-.Ltmp2, $4  }
0x16: {  	[tilespmem:s9], [sflag:$0x1] =	stream.linear.gather [hbm4b:s5+s2], $0x3D10, $0x38;
	[tilespmem:$0x1C510] =	vst v63  }
0x17: {  	_ =	swait.ge [sflag:s8], $0x3D10  }
0x18: {  	[sflag:s8] =	ssyncset.done $0x0  }
0x19: {  	s11 =	simm.s32 $0x0;
	[sflag:s8] =	ssyncadd.s32 $0xFFFFC2F0  }
.LBB2_4:
0x1a: {  	s11 =	sadd.s32 $0x1, s11  }
0x1b: {  	p0 =	sne.s32 s11, $0x3D1  }
.Ltmp3:
0x1c: {  	_ = 	snop;
	(pc) =	sbr.rel @!p0 .LBB2_5-.Ltmp3, $1  }
0x1d: {  	_ =	sdelay $0x3  }
.LBB2_2:
0x1e: {  	s12 =	sshll.u32 s11, $0x4  }
0x1f: {  	v2 =	vld [tilespmem:s12+$0x18800];
	_ =	sdelay $0x5  }
0x20: {  	s12 =	sadd.s32 s3, s12  }
0x21: {  	v3 =	vor.u32 s12, v0  }
0x22: {  	[tilespmem:v2+s2+$0x0] =	vst.idx.msk $0xffff, v3  }
0x23: {  	v4 =	vld.idx.msk [tilespmem:v2+s2+$0x0], $0xffff;
	_ =	sdelay $0x4  }
0x24: {  	vm0 =	vlt.s32 v4, v3  }
0x25: {  	v4 =	vsel vm0, $0x1, v1  }
0x26: {  	v4 =	vor.u32 $0x80000000, v4  }
0x27: {  	(xrf0) =	vmax.scan.msk.u32 $0xffff, v4;
	_ =	sdelay $0x5  }
0x28: {  	v4, _, _ =	vpop (xrf0)  }
0x29: {  	(v2sf) =	vpush v4, $0xF;
	_ =	sdelay $0xe  }
0x2a: {  	s31 =	spop (v2sf)  }
0x2b: {  	p0 =	slt.u32 s31, $0x80000001  }
.Ltmp4:
0x2c: {  	_ = 	snop;
	(pc) =	sbr.rel @p0 .LBB2_4-.Ltmp4, $1  }
0x2d: {  	_ =	sdelay $0x3  }
.LBB2_3:
0x2e: {  	[tilespmem:v2+s2+$0x0] =	vst.idx.msk vm0, v3  }
0x2f: {  	v4 =	vld.idx.msk [tilespmem:v2+s2+$0x0], $0xffff;
	_ =	sdelay $0x4  }
0x30: {  	vm0 =	vlt.s32 v4, v3  }
0x31: {  	v4 =	vsel vm0, $0x1, v1  }
0x32: {  	v4 =	vor.u32 $0x80000000, v4  }
0x33: {  	(xrf0) =	vmax.scan.msk.u32 $0xffff, v4;
	_ =	sdelay $0x5  }
0x34: {  	v4, _, _ =	vpop (xrf0)  }
0x35: {  	(v2sf) =	vpush v4, $0xF;
	_ =	sdelay $0xe  }
0x36: {  	s12 =	spop (v2sf)  }
0x37: {  	p0 =	sgt.u32 s12, $0x80000000  }
.Ltmp5:
0x38: {  	_ = 	snop;
	(pc) =	sbr.rel @p0 .LBB2_3-.Ltmp5, $1  }
0x39: {  	_ =	sdelay $0x3  }
.Ltmp6:
0x3a: {  	_ = 	snop;
	(pc) =	sbr.rel .LBB2_4-.Ltmp6, $1  }
0x3b: {  	_ =	sdelay $0x3  }
.LBB2_6:
0x3c: {  	_ =	sfence.sel $0x180000  }
0x3d: {  	[bflag:$0x0] =	sbarrier.arrive $0xFFFF  }
0x3e: {  	p0 =	sne.s32 s0, $0x0;
	_ =	strace $0x90000047  }
0x3f: {  	s0 =	sadd.s32 @!p0 $0x100000, s1;
	[bflag:$0x2] =	sbarrier.arrive $0xFFFF  }
0x40: {  	[sflag:s0] =	ssyncadd.tile.s32 @!p0 $0x1;
	_ =	shalt  }
.Lfunc_end2:
_tile_overlayer_lowered:
.L_overlay_start_2:
0x41: {  	(tag) =	ssettag $0x2  }
0x42: {  	s0 =	rddreg [dreg:$0x0];
	s2 =	stileid.u32  }
0x43: {  	s1 =	rddreg [dreg:$0x1];
	p0 =	sne.s32 s2, $0x0  }
0x44: {  	s3 =	rddreg [dreg:$0x2];
	[bflag:$0x3] =	sbarrier.arrive $0xFFFF;
	s2 =	simm.s32 @!p0 $0x1C01  }
0x45: {  	[timem:s3], [sflag:s2] =	dma.local @!p0 [hbm:s0], s1  }
0x46: {  	s0 =	simm.s32 @!p0 $0x1  }
0x47: {  	_ =	swait.ge @!p0 [sflag:s0], s1  }
0x48: {  	s1 =	ssub.s32 @!p0 $0x0, s1;
	[sflag:s0] =	ssyncset.done @!p0 $0x0  }
0x49: {  	[sflag:s0] =	ssyncadd.s32 @!p0 s1  }
0x4a: {  	[bflag:$0x3] =	sbarrier.arrive $0xFFFF  }
0x4b: {  	_ =	shalt  }

</sc_bundles>
